<compile_context>
chip_gen: v7x
topology: tpu7x:2x2x1
jax: 0.10.2.dev20260603
libtpu: 0.0.44.dev20260713+nightly
codegen_flags: <defaults>
</compile_context>

<pallas_src>
import jax
import jax.numpy as jnp
from jax import lax
from jax.experimental import pallas as pl
from jax.experimental.pallas import tpu as pltpu
from jax.experimental.pallas import tpu_sc as plsc

N_NODES = 10000
N_EDGES = 320000
D = 128
DH = D // 2

NC = 2
NS = 16

NP = 10240
NODE_ROWS_PER_TILE = NP // NS

EP = 327680
IDX_ROWS = EP // 128
ROWS_PER_TILE = IDX_ROWS // NS
CHUNK_ROWS = 5
N_CHUNKS = ROWS_PER_TILE // CHUNK_ROWS


def _make_agg_kernel():
  mesh = plsc.VectorSubcoreMesh(core_axis_name="c", subcore_axis_name="s",
                                num_cores=NC, num_subcores=NS)
  scratch = [
      pltpu.VMEM((2 * CHUNK_ROWS, 128), jnp.int32),
      pltpu.VMEM((2 * CHUNK_ROWS, 128), jnp.int32),
      pltpu.VMEM((2 * CHUNK_ROWS * 128, DH), jnp.float32),
      pltpu.VMEM_SHARED((NP, DH), jnp.float32),
      pltpu.SemaphoreType.DMA,
      pltpu.SemaphoreType.DMA,
  ]

  def body(x_hbm, src_hbm, dst_hbm, zrow_hbm,
           sum_out, src_v, dst_v, rows_v, acc_sh, sem_g, sem_s):
    c = lax.axis_index("c")
    s = lax.axis_index("s")
    nb = s * NODE_ROWS_PER_TILE
    pltpu.sync_copy(zrow_hbm, acc_sh.at[pl.ds(nb, NODE_ROWS_PER_TILE)])
    plsc.subcore_barrier()

    base = s * ROWS_PER_TILE

    def _row_buf(b, j):
      return rows_v.at[pl.ds((b * CHUNK_ROWS + j) * 128, 128)]

    def _idx_load(k, b):
      r0 = base + k * CHUNK_ROWS
      pltpu.sync_copy(src_hbm.at[pl.ds(r0, CHUNK_ROWS)],
                      src_v.at[pl.ds(b * CHUNK_ROWS, CHUNK_ROWS)])
      pltpu.sync_copy(dst_hbm.at[pl.ds(r0, CHUNK_ROWS)],
                      dst_v.at[pl.ds(b * CHUNK_ROWS, CHUNK_ROWS)])

    def _gather(k, b, issue):
      for j in range(CHUNK_ROWS):
        src = x_hbm.at[c].at[src_v.at[b * CHUNK_ROWS + j]]
        if issue:
          pltpu.async_copy(src, _row_buf(b, j), sem_g)
        else:
          pltpu.make_async_copy(src, _row_buf(b, j), sem_g).wait()

    def _scatter(k, b, issue):
      for j in range(CHUNK_ROWS):
        idx = dst_v.at[b * CHUNK_ROWS + j]
        if issue:
          pltpu.async_copy(_row_buf(b, j), acc_sh.at[idx], sem_s, add=True)
        else:
          pltpu.make_async_copy(_row_buf(b, j), acc_sh.at[idx], sem_s).wait()

    _idx_load(0, 0)
    _gather(0, 0, True)

    @pl.loop(0, N_CHUNKS, step=2)
    def _pipe(g):
      _idx_load(g + 1, 1)
      _gather(g, 0, False)
      _scatter(g, 0, True)

      @pl.when(g > 0)
      def _():
        _scatter(g - 1, 1, False)

      _gather(g + 1, 1, True)
      _gather(g + 1, 1, False)
      _scatter(g + 1, 1, True)
      _scatter(g, 0, False)

      @pl.when(g + 2 < N_CHUNKS)
      def _():
        _idx_load(g + 2, 0)
        _gather(g + 2, 0, True)

    _scatter(N_CHUNKS - 1, 1, False)
    plsc.subcore_barrier()
    pltpu.sync_copy(acc_sh.at[pl.ds(nb, NODE_ROWS_PER_TILE)],
                    sum_out.at[c, pl.ds(nb, NODE_ROWS_PER_TILE)])

  return pl.kernel(body, out_type=jax.ShapeDtypeStruct((NC, NP, DH),
                                                       jnp.float32),
                   mesh=mesh, scratch_types=tuple(scratch),
                   compiler_params=pltpu.CompilerParams(
                       use_tc_tiling_on_sc=False))


CNT_ROWS_PER_TILE = IDX_ROWS // (NC * NS)


def _make_count_kernel():
  mesh = plsc.VectorSubcoreMesh(core_axis_name="c", subcore_axis_name="s",
                                num_cores=NC, num_subcores=NS)
  scratch = [
      pltpu.VMEM((CNT_ROWS_PER_TILE, 128), jnp.int32),
      pltpu.VMEM((128, 16), jnp.float32),
      pltpu.VMEM_SHARED((NP, 16), jnp.float32),
      pltpu.SemaphoreType.DMA,
  ]

  def body(dst_hbm, zcnt_hbm, ones_hbm, cnt_out, dst_v, ones_v, cnt_sh,
           sem):
    c = lax.axis_index("c")
    s = lax.axis_index("s")
    nb = s * NODE_ROWS_PER_TILE
    pltpu.sync_copy(zcnt_hbm, cnt_sh.at[pl.ds(nb, NODE_ROWS_PER_TILE)])
    pltpu.sync_copy(ones_hbm, ones_v)
    plsc.subcore_barrier()

    base = (c * NS + s) * CNT_ROWS_PER_TILE
    pltpu.sync_copy(dst_hbm.at[pl.ds(base, CNT_ROWS_PER_TILE)], dst_v)

    @pl.loop(0, CNT_ROWS_PER_TILE, step=2)
    def _row(r):
      pltpu.async_copy(ones_v, cnt_sh.at[dst_v.at[r]], sem, add=True)
      pltpu.async_copy(ones_v, cnt_sh.at[dst_v.at[r + 1]], sem, add=True)
      pltpu.make_async_copy(ones_v, cnt_sh.at[dst_v.at[r]], sem).wait()
      pltpu.make_async_copy(ones_v, cnt_sh.at[dst_v.at[r + 1]], sem).wait()

    plsc.subcore_barrier()
    pltpu.sync_copy(cnt_sh.at[pl.ds(nb, NODE_ROWS_PER_TILE)],
                    cnt_out.at[c, pl.ds(nb, NODE_ROWS_PER_TILE)])

  return pl.kernel(body, out_type=jax.ShapeDtypeStruct((NC, NP, 16),
                                                       jnp.float32),
                   mesh=mesh, scratch_types=tuple(scratch),
                   compiler_params=pltpu.CompilerParams(
                       use_tc_tiling_on_sc=False))


_sc_cache = {}


def _agg():
  if 'agg' not in _sc_cache:
    _sc_cache['agg'] = _make_agg_kernel()
  return _sc_cache['agg']


def _count():
  if 'cnt' not in _sc_cache:
    _sc_cache['cnt'] = _make_count_kernel()
  return _sc_cache['cnt']


BLK = 2048


def _layer_common(p_ref, cnt_ref, x_ref, aW_ref, ab_ref, lW_ref, lb_ref):
  summed = jnp.concatenate([p_ref[0], p_ref[1]], axis=-1)
  cnt = cnt_ref[0][:, :1] + cnt_ref[1][:, :1]
  agg = summed / jnp.maximum(cnt, 1.0)
  x = jnp.concatenate([x_ref[0], x_ref[1]], axis=-1)
  t = jnp.maximum(
      jnp.dot(agg, aW_ref[...], preferred_element_type=jnp.float32)
      + ab_ref[...], 0.0)
  t = t + jnp.dot(x, lW_ref[...],
                  preferred_element_type=jnp.float32) + lb_ref[...]
  nrm = jnp.sqrt(jnp.sum(t * t, axis=-1, keepdims=True))
  t = t / jnp.maximum(nrm, 1e-12)
  return jnp.maximum(t, 0.0)


def _tc_layer_body(p_ref, cnt_ref, x_ref, aW_ref, ab_ref, lW_ref, lb_ref,
                   o_ref):
  t = _layer_common(p_ref, cnt_ref, x_ref, aW_ref, ab_ref, lW_ref, lb_ref)
  o_ref[0] = t[:, :DH]
  o_ref[1] = t[:, DH:]


def _tc_mlp_body(x_ref, m1W_ref, m1b_ref, m2W_ref, m2b_ref, o_ref):
  h = jnp.concatenate([x_ref[0], x_ref[1]], axis=-1)
  h = jnp.dot(h, m1W_ref[...], preferred_element_type=jnp.float32) \
      + m1b_ref[...]
  h = jnp.dot(h, m2W_ref[...], preferred_element_type=jnp.float32) \
      + m2b_ref[...]
  m = jnp.max(h, axis=-1, keepdims=True)
  e = jnp.exp(h - m)
  o_ref[...] = (h - m) - jnp.log(jnp.sum(e, axis=-1, keepdims=True))


def _full_spec(shape):
  return pl.BlockSpec(shape, lambda i: tuple(0 for _ in shape))


_tc_layer = pl.pallas_call(
    _tc_layer_body,
    grid=(NP // BLK,),
    in_specs=[
        pl.BlockSpec((NC, BLK, DH), lambda i: (0, i, 0)),
        pl.BlockSpec((NC, BLK, 16), lambda i: (0, i, 0)),
        pl.BlockSpec((NC, BLK, DH), lambda i: (0, i, 0)),
        _full_spec((D, D)), _full_spec((1, D)),
        _full_spec((D, D)), _full_spec((1, D)),
    ],
    out_specs=pl.BlockSpec((NC, BLK, DH), lambda i: (0, i, 0)),
    out_shape=jax.ShapeDtypeStruct((NC, NP, DH), jnp.float32),
)

_tc_mlp = pl.pallas_call(
    _tc_mlp_body,
    grid=(NP // BLK,),
    in_specs=[
        pl.BlockSpec((NC, BLK, DH), lambda i: (0, i, 0)),
        _full_spec((D, D)), _full_spec((1, D)),
        _full_spec((D, 64)), _full_spec((1, 64)),
    ],
    out_specs=pl.BlockSpec((BLK, 64), lambda i: (i, 0)),
    out_shape=jax.ShapeDtypeStruct((NP, 64), jnp.float32),
)


def kernel(x, edge_index, batch, lin_W0, lin_b0, agg_W0, agg_b0,
           lin_W1, lin_b1, agg_W1, agg_b1, mp_W1, mp_b1, mp_W2, mp_b2):
  src = edge_index[0]
  dst = edge_index[1]

  xp = jnp.concatenate(
      [x, jnp.zeros((NP - N_NODES, D), jnp.float32)], axis=0)
  xs = jnp.moveaxis(xp.reshape(NP, NC, DH), 1, 0)
  pad = EP - N_EDGES
  srcR = jnp.concatenate([src, jnp.zeros((pad,), jnp.int32)]).reshape(
      IDX_ROWS, 128)
  dstR = jnp.concatenate(
      [dst, jnp.full((pad,), NP - 1, jnp.int32)]).reshape(IDX_ROWS, 128)
  zrow = jnp.zeros((NODE_ROWS_PER_TILE, DH), jnp.float32)
  zcnt = jnp.zeros((NODE_ROWS_PER_TILE, 16), jnp.float32)
  ones = jnp.ones((128, 16), jnp.float32)

  cnt = _count()(dstR, zcnt, ones)

  aggW = jnp.stack([agg_W0, agg_W1])
  aggB = jnp.stack([agg_b0.reshape(1, D), agg_b1.reshape(1, D)])
  linW = jnp.stack([lin_W0, lin_W1])
  linB = jnp.stack([lin_b0.reshape(1, D), lin_b1.reshape(1, D)])

  def layer(i, h):
    sums = _agg()(h, srcR, dstR, zrow)
    return _tc_layer(sums, cnt, h, aggW[i], aggB[i], linW[i], linB[i])

  h = layer(1, layer(0, xs))

  out = _tc_mlp(h, mp_W1, mp_b1.reshape(1, D), mp_W2, mp_b2.reshape(1, 64))
  return out[:N_NODES]

# --- scband reference (transcript-rebuilt; emitter-appended) ---
"""Pipeline reference for scband-gnnstack-45337674777304 (READ-ONLY COPY).

The authoritative reference and input builder live on the scoring server;
editing this copy changes nothing except your own understanding.
"""

import jax, jax.numpy as jnp
import numpy as np

N_NODES = 10000
N_EDGES = 320000
D_IN = 128
D_HID = 128
D_OUT = 64


def _sage_layer(x, src, dst, lin_W, lin_b, agg_W, agg_b, n):
    # PyG MessagePassing with aggr='mean': message = x_j (source nodes), aggregated at dst
    msgs = x[src]
    summed = jax.ops.segment_sum(msgs, dst, num_segments=n)
    cnt = jax.ops.segment_sum(jnp.ones((src.shape[0],), dtype=x.dtype), dst, num_segments=n)
    agg = summed / jnp.maximum(cnt, 1.0)[:, None]
    out = jax.nn.relu(agg @ agg_W + agg_b) + (x @ lin_W + lin_b)
    # F.normalize(p=2, dim=-1), eps=1e-12
    norm = jnp.linalg.norm(out, axis=-1, keepdims=True)
    out = out / jnp.maximum(norm, 1e-12)
    return out


def setup_inputs(seed: int = 0):
    key = jax.random.key(seed)
    ks = jax.random.split(key, 20)
    inp = {}
    inp['x'] = jax.random.normal(ks[0], (N_NODES, D_IN), dtype=jnp.float32)
    inp['edge_index'] = jax.random.randint(ks[1], (2, N_EDGES), 0, N_NODES, dtype=jnp.int32)
    inp['batch'] = jnp.zeros((N_NODES,), dtype=jnp.int32)
    s = 0.05
    # layer 0: GraphSage(input_dim -> hidden_dim)
    inp['lin_W0'] = jax.random.normal(ks[2], (D_IN, D_HID), dtype=jnp.float32) * s
    inp['lin_b0'] = jnp.zeros((D_HID,), dtype=jnp.float32)
    inp['agg_W0'] = jax.random.normal(ks[3], (D_IN, D_HID), dtype=jnp.float32) * s
    inp['agg_b0'] = jnp.zeros((D_HID,), dtype=jnp.float32)
    # layer 1: GraphSage(hidden_dim -> hidden_dim)
    inp['lin_W1'] = jax.random.normal(ks[4], (D_HID, D_HID), dtype=jnp.float32) * s
    inp['lin_b1'] = jnp.zeros((D_HID,), dtype=jnp.float32)
    inp['agg_W1'] = jax.random.normal(ks[5], (D_HID, D_HID), dtype=jnp.float32) * s
    inp['agg_b1'] = jnp.zeros((D_HID,), dtype=jnp.float32)
    # post_mp: Linear(hidden,hidden) -> Dropout -> Linear(hidden,output)
    inp['mp_W1'] = jax.random.normal(ks[6], (D_HID, D_HID), dtype=jnp.float32) * s
    inp['mp_b1'] = jnp.zeros((D_HID,), dtype=jnp.float32)
    inp['mp_W2'] = jax.random.normal(ks[7], (D_HID, D_OUT), dtype=jnp.float32) * s
    inp['mp_b2'] = jnp.zeros((D_OUT,), dtype=jnp.float32)
    return inp


def reference(x, edge_index, batch, lin_W0, lin_b0, agg_W0, agg_b0, lin_W1, lin_b1, agg_W1, agg_b1, mp_W1, mp_b1, mp_W2, mp_b2):
    src = edge_index[0]
    dst = edge_index[1]
    n = N_NODES
    h = _sage_layer(x, src, dst, lin_W0, lin_b0, agg_W0, agg_b0, n)
    h = jax.nn.relu(h)  # dropout p=0.0 is identity
    h = _sage_layer(h, src, dst, lin_W1, lin_b1, agg_W1, agg_b1, n)
    h = jax.nn.relu(h)
    # task == 'node': no global pooling
    h = h @ mp_W1 + mp_b1
    h = h @ mp_W2 + mp_b2
    return jax.nn.log_softmax(h, axis=1)

if __name__ == "__main__":
    import jax
    _d = setup_inputs()
    print(jax.jit(kernel)(*tuple(_d.values())))

</pallas_src>

<mosaic_0001>
#map = affine_map<(d0, d1) -> (0, 0, 0)>
#map1 = affine_map<(d0, d1) -> (0, 0)>
module attributes {stable_mosaic.version = 14 : i64} {
  func.func @body(%arg0: i32, %arg1: i32, %arg2: memref<2x10240x64xf32, #tpu.memory_space<hbm>>, %arg3: memref<2560x128xi32, #tpu.memory_space<hbm>>, %arg4: memref<2560x128xi32, #tpu.memory_space<hbm>>, %arg5: memref<640x64xf32, #tpu.memory_space<hbm>>, %arg6: memref<2x10240x64xf32, #tpu.memory_space<hbm>>, %arg7: memref<10x128xi32, #tpu.memory_space<vmem>>, %arg8: memref<10x128xi32, #tpu.memory_space<vmem>>, %arg9: memref<1280x64xf32, #tpu.memory_space<vmem>>, %arg10: memref<10240x64xf32, #tpu.memory_space<vmem_shared>>, %arg11: memref<!tpu.dma_semaphore, #tpu.memory_space<semaphore_mem>>, %arg12: memref<!tpu.dma_semaphore, #tpu.memory_space<semaphore_mem>>) attributes {dimension_semantics = [#tpu.dimension_semantics<core_parallel>, #tpu.dimension_semantics<subcore_parallel>], iteration_bounds = array<i64: 2, 16>, scalar_prefetch = 0 : i64, scratch_operands = 6 : i64, tpu.core_type = #tpu.core_type<sc_vector_subcore>, window_params = [{transform_indices = #map}, {transform_indices = #map1}, {transform_indices = #map1}, {transform_indices = #map1}, {transform_indices = #map}]} {
    %mul3A = arith.constant 640 : i32
    %mul3A_0 = arith.muli %arg1, %mul3A : i32
    "tpu.region"() ({
      %run_scoped3A = tpu.sem_alloc : memref<!tpu.dma_semaphore, #tpu.memory_space<semaphore_mem>>
      %dma_start3A_127 = arith.constant 0 : i32
      %dma_start3A_128 = tpu.memref_slice %arg10[%mul3A_0, %dma_start3A_127] : memref<10240x64xf32, #tpu.memory_space<vmem_shared>> -> memref<640x64xf32, #tpu.memory_space<vmem_shared>>
      tpu.enqueue_dma source(%arg5 : memref<640x64xf32, #tpu.memory_space<hbm>>) target(%dma_start3A_128 : memref<640x64xf32, #tpu.memory_space<vmem_shared>>) target_semaphore(%run_scoped3A : memref<!tpu.dma_semaphore, #tpu.memory_space<semaphore_mem>>)
      %dma_wait3A_129 = arith.constant 0 : i32
      %dma_wait3A_130 = tpu.memref_slice %arg10[%mul3A_0, %dma_wait3A_129] : memref<10240x64xf32, #tpu.memory_space<vmem_shared>> -> memref<640x64xf32, #tpu.memory_space<vmem_shared>>
      tpu.wait_dma2 semaphore(%run_scoped3A : memref<!tpu.dma_semaphore, #tpu.memory_space<semaphore_mem>>) src(%arg5 : memref<640x64xf32, #tpu.memory_space<hbm>>) dst(%dma_wait3A_130 : memref<640x64xf32, #tpu.memory_space<vmem_shared>>)
      tpu.yield
    }) : () -> ()
    %barrier3A = arith.constant 0 : index
    tpu.barrier barrier_id(%barrier3A)
    %mul3A_1 = arith.constant 160 : i32
    %mul3A_2 = arith.muli %arg1, %mul3A_1 : i32
    %add3A = arith.constant 0 : i32
    %add3A_3 = arith.addi %mul3A_2, %add3A : i32
    "tpu.region"() ({
      %run_scoped3A = tpu.sem_alloc : memref<!tpu.dma_semaphore, #tpu.memory_space<semaphore_mem>>
      %dma_start3A_127 = arith.constant 0 : i32
      %dma_start3A_128 = arith.constant 0 : i32
      %dma_start3A_129 = tpu.memref_slice %arg7[%dma_start3A_127, %dma_start3A_128] : memref<10x128xi32, #tpu.memory_space<vmem>> -> memref<5x128xi32, #tpu.memory_space<vmem>>
      %dma_start3A_130 = arith.constant 0 : i32
      %dma_start3A_131 = tpu.memref_slice %arg3[%add3A_3, %dma_start3A_130] : memref<2560x128xi32, #tpu.memory_space<hbm>> -> memref<5x128xi32, #tpu.memory_space<hbm>>
      %dma_start3A_132 = arith.constant 0 : i32
      %dma_start3A_133 = arith.constant 0 : i32
      %dma_start3A_134 = tpu.memref_slice %arg7[%dma_start3A_132, %dma_start3A_133] : memref<10x128xi32, #tpu.memory_space<vmem>> -> memref<5x128xi32, #tpu.memory_space<vmem>>
      %dma_start3A_135 = arith.constant 0 : i32
      %dma_start3A_136 = tpu.memref_slice %arg3[%add3A_3, %dma_start3A_135] : memref<2560x128xi32, #tpu.memory_space<hbm>> -> memref<5x128xi32, #tpu.memory_space<hbm>>
      tpu.enqueue_dma source(%dma_start3A_136 : memref<5x128xi32, #tpu.memory_space<hbm>>) target(%dma_start3A_134 : memref<5x128xi32, #tpu.memory_space<vmem>>) target_semaphore(%run_scoped3A : memref<!tpu.dma_semaphore, #tpu.memory_space<semaphore_mem>>)
      %dma_wait3A_137 = arith.constant 0 : i32
      %dma_wait3A_138 = arith.constant 0 : i32
      %dma_wait3A_139 = tpu.memref_slice %arg7[%dma_wait3A_137, %dma_wait3A_138] : memref<10x128xi32, #tpu.memory_space<vmem>> -> memref<5x128xi32, #tpu.memory_space<vmem>>
      %dma_wait3A_140 = arith.constant 0 : i32
      %dma_wait3A_141 = tpu.memref_slice %arg3[%add3A_3, %dma_wait3A_140] : memref<2560x128xi32, #tpu.memory_space<hbm>> -> memref<5x128xi32, #tpu.memory_space<hbm>>
      %dma_wait3A_142 = arith.constant 0 : i32
      %dma_wait3A_143 = arith.constant 0 : i32
      %dma_wait3A_144 = tpu.memref_slice %arg7[%dma_wait3A_142, %dma_wait3A_143] : memref<10x128xi32, #tpu.memory_space<vmem>> -> memref<5x128xi32, #tpu.memory_space<vmem>>
      %dma_wait3A_145 = arith.constant 0 : i32
      %dma_wait3A_146 = tpu.memref_slice %arg3[%add3A_3, %dma_wait3A_145] : memref<2560x128xi32, #tpu.memory_space<hbm>> -> memref<5x128xi32, #tpu.memory_space<hbm>>
      tpu.wait_dma2 semaphore(%run_scoped3A : memref<!tpu.dma_semaphore, #tpu.memory_space<semaphore_mem>>) src(%dma_wait3A_146 : memref<5x128xi32, #tpu.memory_space<hbm>>) dst(%dma_wait3A_144 : memref<5x128xi32, #tpu.memory_space<vmem>>)
      tpu.yield
    }) : () -> ()
    "tpu.region"() ({
      %run_scoped3A = tpu.sem_alloc : memref<!tpu.dma_semaphore, #tpu.memory_space<semaphore_mem>>
      %dma_start3A_127 = arith.constant 0 : i32
      %dma_start3A_128 = arith.constant 0 : i32
      %dma_start3A_129 = tpu.memref_slice %arg8[%dma_start3A_127, %dma_start3A_128] : memref<10x128xi32, #tpu.memory_space<vmem>> -> memref<5x128xi32, #tpu.memory_space<vmem>>
      %dma_start3A_130 = arith.constant 0 : i32
      %dma_start3A_131 = tpu.memref_slice %arg4[%add3A_3, %dma_start3A_130] : memref<2560x128xi32, #tpu.memory_space<hbm>> -> memref<5x128xi32, #tpu.memory_space<hbm>>
      %dma_start3A_132 = arith.constant 0 : i32
      %dma_start3A_133 = arith.constant 0 : i32
      %dma_start3A_134 = tpu.memref_slice %arg8[%dma_start3A_132, %dma_start3A_133] : memref<10x128xi32, #tpu.memory_space<vmem>> -> memref<5x128xi32, #tpu.memory_space<vmem>>
      %dma_start3A_135 = arith.constant 0 : i32
      %dma_start3A_136 = tpu.memref_slice %arg4[%add3A_3, %dma_start3A_135] : memref<2560x128xi32, #tpu.memory_space<hbm>> -> memref<5x128xi32, #tpu.memory_space<hbm>>
      tpu.enqueue_dma source(%dma_start3A_136 : memref<5x128xi32, #tpu.memory_space<hbm>>) target(%dma_start3A_134 : memref<5x128xi32, #tpu.memory_space<vmem>>) target_semaphore(%run_scoped3A : memref<!tpu.dma_semaphore, #tpu.memory_space<semaphore_mem>>)
      %dma_wait3A_137 = arith.constant 0 : i32
      %dma_wait3A_138 = arith.constant 0 : i32
      %dma_wait3A_139 = tpu.memref_slice %arg8[%dma_wait3A_137, %dma_wait3A_138] : memref<10x128xi32, #tpu.memory_space<vmem>> -> memref<5x128xi32, #tpu.memory_space<vmem>>
      %dma_wait3A_140 = arith.constant 0 : i32
      %dma_wait3A_141 = tpu.memref_slice %arg4[%add3A_3, %dma_wait3A_140] : memref<2560x128xi32, #tpu.memory_space<hbm>> -> memref<5x128xi32, #tpu.memory_space<hbm>>
      %dma_wait3A_142 = arith.constant 0 : i32
      %dma_wait3A_143 = arith.constant 0 : i32
      %dma_wait3A_144 = tpu.memref_slice %arg8[%dma_wait3A_142, %dma_wait3A_143] : memref<10x128xi32, #tpu.memory_space<vmem>> -> memref<5x128xi32, #tpu.memory_space<vmem>>
      %dma_wait3A_145 = arith.constant 0 : i32
      %dma_wait3A_146 = tpu.memref_slice %arg4[%add3A_3, %dma_wait3A_145] : memref<2560x128xi32, #tpu.memory_space<hbm>> -> memref<5x128xi32, #tpu.memory_space<hbm>>
      tpu.wait_dma2 semaphore(%run_scoped3A : memref<!tpu.dma_semaphore, #tpu.memory_space<semaphore_mem>>) src(%dma_wait3A_146 : memref<5x128xi32, #tpu.memory_space<hbm>>) dst(%dma_wait3A_144 : memref<5x128xi32, #tpu.memory_space<vmem>>)
      tpu.yield
    }) : () -> ()
    %dma_start3A = arith.constant 0 : i32
    %dma_start3A_4 = arith.constant 0 : i32
    %dma_start3A_5 = arith.constant 0 : i32
    %dma_start3A_6 = tpu.memref_slice %arg9[%dma_start3A_4, %dma_start3A_5] : memref<1280x64xf32, #tpu.memory_space<vmem>> -> memref<128x64xf32, #tpu.memory_space<vmem>>
    %dma_start3A_7 = arith.constant 0 : i32
    %dma_start3A_8 = tpu.memref_slice %arg7[%dma_start3A, %dma_start3A_7] : memref<10x128xi32, #tpu.memory_space<vmem>> -> memref<1x128xi32, #tpu.memory_space<vmem>>
    %dma_start3A_9 = tpu.memref_squeeze %dma_start3A_8 : memref<1x128xi32, #tpu.memory_space<vmem>> -> memref<128xi32, #tpu.memory_space<vmem>>
    %dma_start3A_10 = arith.constant 0 : i32
    %dma_start3A_11 = arith.constant 0 : i32
    %dma_start3A_12 = tpu.memref_slice %arg2[%arg0, %dma_start3A_10, %dma_start3A_11] : memref<2x10240x64xf32, #tpu.memory_space<hbm>> -> memref<1x10240x64xf32, #tpu.memory_space<hbm>>
    %dma_start3A_13 = tpu.memref_squeeze %dma_start3A_12 : memref<1x10240x64xf32, #tpu.memory_space<hbm>> -> memref<10240x64xf32, #tpu.memory_space<hbm>>
    %dma_start3A_14 = arith.constant 0 : i32
    %dma_start3A_15 = arith.constant 0 : i32
    %dma_start3A_16 = tpu.memref_slice %dma_start3A_13[%dma_start3A_14, %dma_start3A_15] : memref<10240x64xf32, #tpu.memory_space<hbm>> -> memref<10240x64xf32, #tpu.memory_space<hbm>>
    tpu.enqueue_indirect_dma source(%dma_start3A_16 : memref<10240x64xf32, #tpu.memory_space<hbm>>) target(%dma_start3A_6 : memref<128x64xf32, #tpu.memory_space<vmem>>) offsets(%dma_start3A_9 : memref<128xi32, #tpu.memory_space<vmem>>) semaphore(%arg11 : memref<!tpu.dma_semaphore, #tpu.memory_space<semaphore_mem>>)
    %dma_start3A_17 = arith.constant 1 : i32
    %dma_start3A_18 = arith.constant 128 : i32
    %dma_start3A_19 = arith.constant 0 : i32
    %dma_start3A_20 = tpu.memref_slice %arg9[%dma_start3A_18, %dma_start3A_19] : memref<1280x64xf32, #tpu.memory_space<vmem>> -> memref<128x64xf32, #tpu.memory_space<vmem>>
    %dma_start3A_21 = arith.constant 0 : i32
    %dma_start3A_22 = tpu.memref_slice %arg7[%dma_start3A_17, %dma_start3A_21] : memref<10x128xi32, #tpu.memory_space<vmem>> -> memref<1x128xi32, #tpu.memory_space<vmem>>
    %dma_start3A_23 = tpu.memref_squeeze %dma_start3A_22 : memref<1x128xi32, #tpu.memory_space<vmem>> -> memref<128xi32, #tpu.memory_space<vmem>>
    %dma_start3A_24 = arith.constant 0 : i32
    %dma_start3A_25 = arith.constant 0 : i32
    %dma_start3A_26 = tpu.memref_slice %arg2[%arg0, %dma_start3A_24, %dma_start3A_25] : memref<2x10240x64xf32, #tpu.memory_space<hbm>> -> memref<1x10240x64xf32, #tpu.memory_space<hbm>>
    %dma_start3A_27 = tpu.memref_squeeze %dma_start3A_26 : memref<1x10240x64xf32, #tpu.memory_space<hbm>> -> memref<10240x64xf32, #tpu.memory_space<hbm>>
    %dma_start3A_28 = arith.constant 0 : i32
    %dma_start3A_29 = arith.constant 0 : i32
    %dma_start3A_30 = tpu.memref_slice %dma_start3A_27[%dma_start3A_28, %dma_start3A_29] : memref<10240x64xf32, #tpu.memory_space<hbm>> -> memref<10240x64xf32, #tpu.memory_space<hbm>>
    tpu.enqueue_indirect_dma source(%dma_start3A_30 : memref<10240x64xf32, #tpu.memory_space<hbm>>) target(%dma_start3A_20 : memref<128x64xf32, #tpu.memory_space<vmem>>) offsets(%dma_start3A_23 : memref<128xi32, #tpu.memory_space<vmem>>) semaphore(%arg11 : memref<!tpu.dma_semaphore, #tpu.memory_space<semaphore_mem>>)
    %dma_start3A_31 = arith.constant 2 : i32
    %dma_start3A_32 = arith.constant 256 : i32
    %dma_start3A_33 = arith.constant 0 : i32
    %dma_start3A_34 = tpu.memref_slice %arg9[%dma_start3A_32, %dma_start3A_33] : memref<1280x64xf32, #tpu.memory_space<vmem>> -> memref<128x64xf32, #tpu.memory_space<vmem>>
    %dma_start3A_35 = arith.constant 0 : i32
    %dma_start3A_36 = tpu.memref_slice %arg7[%dma_start3A_31, %dma_start3A_35] : memref<10x128xi32, #tpu.memory_space<vmem>> -> memref<1x128xi32, #tpu.memory_space<vmem>>
    %dma_start3A_37 = tpu.memref_squeeze %dma_start3A_36 : memref<1x128xi32, #tpu.memory_space<vmem>> -> memref<128xi32, #tpu.memory_space<vmem>>
    %dma_start3A_38 = arith.constant 0 : i32
    %dma_start3A_39 = arith.constant 0 : i32
    %dma_start3A_40 = tpu.memref_slice %arg2[%arg0, %dma_start3A_38, %dma_start3A_39] : memref<2x10240x64xf32, #tpu.memory_space<hbm>> -> memref<1x10240x64xf32, #tpu.memory_space<hbm>>
    %dma_start3A_41 = tpu.memref_squeeze %dma_start3A_40 : memref<1x10240x64xf32, #tpu.memory_space<hbm>> -> memref<10240x64xf32, #tpu.memory_space<hbm>>
    %dma_start3A_42 = arith.constant 0 : i32
    %dma_start3A_43 = arith.constant 0 : i32
    %dma_start3A_44 = tpu.memref_slice %dma_start3A_41[%dma_start3A_42, %dma_start3A_43] : memref<10240x64xf32, #tpu.memory_space<hbm>> -> memref<10240x64xf32, #tpu.memory_space<hbm>>
    tpu.enqueue_indirect_dma source(%dma_start3A_44 : memref<10240x64xf32, #tpu.memory_space<hbm>>) target(%dma_start3A_34 : memref<128x64xf32, #tpu.memory_space<vmem>>) offsets(%dma_start3A_37 : memref<128xi32, #tpu.memory_space<vmem>>) semaphore(%arg11 : memref<!tpu.dma_semaphore, #tpu.memory_space<semaphore_mem>>)
    %dma_start3A_45 = arith.constant 3 : i32
    %dma_start3A_46 = arith.constant 384 : i32
    %dma_start3A_47 = arith.constant 0 : i32
    %dma_start3A_48 = tpu.memref_slice %arg9[%dma_start3A_46, %dma_start3A_47] : memref<1280x64xf32, #tpu.memory_space<vmem>> -> memref<128x64xf32, #tpu.memory_space<vmem>>
    %dma_start3A_49 = arith.constant 0 : i32
    %dma_start3A_50 = tpu.memref_slice %arg7[%dma_start3A_45, %dma_start3A_49] : memref<10x128xi32, #tpu.memory_space<vmem>> -> memref<1x128xi32, #tpu.memory_space<vmem>>
    %dma_start3A_51 = tpu.memref_squeeze %dma_start3A_50 : memref<1x128xi32, #tpu.memory_space<vmem>> -> memref<128xi32, #tpu.memory_space<vmem>>
    %dma_start3A_52 = arith.constant 0 : i32
    %dma_start3A_53 = arith.constant 0 : i32
    %dma_start3A_54 = tpu.memref_slice %arg2[%arg0, %dma_start3A_52, %dma_start3A_53] : memref<2x10240x64xf32, #tpu.memory_space<hbm>> -> memref<1x10240x64xf32, #tpu.memory_space<hbm>>
    %dma_start3A_55 = tpu.memref_squeeze %dma_start3A_54 : memref<1x10240x64xf32, #tpu.memory_space<hbm>> -> memref<10240x64xf32, #tpu.memory_space<hbm>>
    %dma_start3A_56 = arith.constant 0 : i32
    %dma_start3A_57 = arith.constant 0 : i32
    %dma_start3A_58 = tpu.memref_slice %dma_start3A_55[%dma_start3A_56, %dma_start3A_57] : memref<10240x64xf32, #tpu.memory_space<hbm>> -> memref<10240x64xf32, #tpu.memory_space<hbm>>
    tpu.enqueue_indirect_dma source(%dma_start3A_58 : memref<10240x64xf32, #tpu.memory_space<hbm>>) target(%dma_start3A_48 : memref<128x64xf32, #tpu.memory_space<vmem>>) offsets(%dma_start3A_51 : memref<128xi32, #tpu.memory_space<vmem>>) semaphore(%arg11 : memref<!tpu.dma_semaphore, #tpu.memory_space<semaphore_mem>>)
    %dma_start3A_59 = arith.constant 4 : i32
    %dma_start3A_60 = arith.constant 512 : i32
    %dma_start3A_61 = arith.constant 0 : i32
    %dma_start3A_62 = tpu.memref_slice %arg9[%dma_start3A_60, %dma_start3A_61] : memref<1280x64xf32, #tpu.memory_space<vmem>> -> memref<128x64xf32, #tpu.memory_space<vmem>>
    %dma_start3A_63 = arith.constant 0 : i32
    %dma_start3A_64 = tpu.memref_slice %arg7[%dma_start3A_59, %dma_start3A_63] : memref<10x128xi32, #tpu.memory_space<vmem>> -> memref<1x128xi32, #tpu.memory_space<vmem>>
    %dma_start3A_65 = tpu.memref_squeeze %dma_start3A_64 : memref<1x128xi32, #tpu.memory_space<vmem>> -> memref<128xi32, #tpu.memory_space<vmem>>
    %dma_start3A_66 = arith.constant 0 : i32
    %dma_start3A_67 = arith.constant 0 : i32
    %dma_start3A_68 = tpu.memref_slice %arg2[%arg0, %dma_start3A_66, %dma_start3A_67] : memref<2x10240x64xf32, #tpu.memory_space<hbm>> -> memref<1x10240x64xf32, #tpu.memory_space<hbm>>
    %dma_start3A_69 = tpu.memref_squeeze %dma_start3A_68 : memref<1x10240x64xf32, #tpu.memory_space<hbm>> -> memref<10240x64xf32, #tpu.memory_space<hbm>>
    %dma_start3A_70 = arith.constant 0 : i32
    %dma_start3A_71 = arith.constant 0 : i32
    %dma_start3A_72 = tpu.memref_slice %dma_start3A_69[%dma_start3A_70, %dma_start3A_71] : memref<10240x64xf32, #tpu.memory_space<hbm>> -> memref<10240x64xf32, #tpu.memory_space<hbm>>
    tpu.enqueue_indirect_dma source(%dma_start3A_72 : memref<10240x64xf32, #tpu.memory_space<hbm>>) target(%dma_start3A_62 : memref<128x64xf32, #tpu.memory_space<vmem>>) offsets(%dma_start3A_65 : memref<128xi32, #tpu.memory_space<vmem>>) semaphore(%arg11 : memref<!tpu.dma_semaphore, #tpu.memory_space<semaphore_mem>>)
    %scan3A = arith.constant 0 : i32
    %scan3A_73 = arith.constant 16 : i32
    %scan3A_74 = arith.addi %scan3A, %scan3A_73 : i32
    %scan3A_75 = arith.constant 1 : i32
    scf.for %scan3A_127 = %scan3A to %scan3A_74 step %scan3A_75  : i32 {
      %mul3A_128 = arith.constant 2 : i32
      %mul3A_129 = arith.muli %scan3A_127, %mul3A_128 : i32
      %add3A_130 = arith.constant 0 : i32
      %add3A_131 = arith.addi %add3A_130, %mul3A_129 : i32
      %add3A_132 = arith.constant 1 : i32
      %add3A_133 = arith.addi %add3A_131, %add3A_132 : i32
      %mul3A_134 = arith.constant 5 : i32
      %mul3A_135 = arith.muli %add3A_133, %mul3A_134 : i32
      %add3A_136 = arith.addi %mul3A_2, %mul3A_135 : i32
      "tpu.region"() ({
        %run_scoped3A = tpu.sem_alloc : memref<!tpu.dma_semaphore, #tpu.memory_space<semaphore_mem>>
        %dma_start3A_511 = arith.constant 5 : i32
        %dma_start3A_512 = arith.constant 0 : i32
        %dma_start3A_513 = tpu.memref_slice %arg7[%dma_start3A_511, %dma_start3A_512] : memref<10x128xi32, #tpu.memory_space<vmem>> -> memref<5x128xi32, #tpu.memory_space<vmem>>
        %dma_start3A_514 = arith.constant 0 : i32
        %dma_start3A_515 = tpu.memref_slice %arg3[%add3A_136, %dma_start3A_514] : memref<2560x128xi32, #tpu.memory_space<hbm>> -> memref<5x128xi32, #tpu.memory_space<hbm>>
        %dma_start3A_516 = arith.constant 5 : i32
        %dma_start3A_517 = arith.constant 0 : i32
        %dma_start3A_518 = tpu.memref_slice %arg7[%dma_start3A_516, %dma_start3A_517] : memref<10x128xi32, #tpu.memory_space<vmem>> -> memref<5x128xi32, #tpu.memory_space<vmem>>
        %dma_start3A_519 = arith.constant 0 : i32
        %dma_start3A_520 = tpu.memref_slice %arg3[%add3A_136, %dma_start3A_519] : memref<2560x128xi32, #tpu.memory_space<hbm>> -> memref<5x128xi32, #tpu.memory_space<hbm>>
        tpu.enqueue_dma source(%dma_start3A_520 : memref<5x128xi32, #tpu.memory_space<hbm>>) target(%dma_start3A_518 : memref<5x128xi32, #tpu.memory_space<vmem>>) target_semaphore(%run_scoped3A : memref<!tpu.dma_semaphore, #tpu.memory_space<semaphore_mem>>)
        %dma_wait3A_521 = arith.constant 5 : i32
        %dma_wait3A_522 = arith.constant 0 : i32
        %dma_wait3A_523 = tpu.memref_slice %arg7[%dma_wait3A_521, %dma_wait3A_522] : memref<10x128xi32, #tpu.memory_space<vmem>> -> memref<5x128xi32, #tpu.memory_space<vmem>>
        %dma_wait3A_524 = arith.constant 0 : i32
        %dma_wait3A_525 = tpu.memref_slice %arg3[%add3A_136, %dma_wait3A_524] : memref<2560x128xi32, #tpu.memory_space<hbm>> -> memref<5x128xi32, #tpu.memory_space<hbm>>
        %dma_wait3A_526 = arith.constant 5 : i32
        %dma_wait3A_527 = arith.constant 0 : i32
        %dma_wait3A_528 = tpu.memref_slice %arg7[%dma_wait3A_526, %dma_wait3A_527] : memref<10x128xi32, #tpu.memory_space<vmem>> -> memref<5x128xi32, #tpu.memory_space<vmem>>
        %dma_wait3A_529 = arith.constant 0 : i32
        %dma_wait3A_530 = tpu.memref_slice %arg3[%add3A_136, %dma_wait3A_529] : memref<2560x128xi32, #tpu.memory_space<hbm>> -> memref<5x128xi32, #tpu.memory_space<hbm>>
        tpu.wait_dma2 semaphore(%run_scoped3A : memref<!tpu.dma_semaphore, #tpu.memory_space<semaphore_mem>>) src(%dma_wait3A_530 : memref<5x128xi32, #tpu.memory_space<hbm>>) dst(%dma_wait3A_528 : memref<5x128xi32, #tpu.memory_space<vmem>>)
        tpu.yield
      }) : () -> ()
      "tpu.region"() ({
        %run_scoped3A = tpu.sem_alloc : memref<!tpu.dma_semaphore, #tpu.memory_space<semaphore_mem>>
        %dma_start3A_511 = arith.constant 5 : i32
        %dma_start3A_512 = arith.constant 0 : i32
        %dma_start3A_513 = tpu.memref_slice %arg8[%dma_start3A_511, %dma_start3A_512] : memref<10x128xi32, #tpu.memory_space<vmem>> -> memref<5x128xi32, #tpu.memory_space<vmem>>
        %dma_start3A_514 = arith.constant 0 : i32
        %dma_start3A_515 = tpu.memref_slice %arg4[%add3A_136, %dma_start3A_514] : memref<2560x128xi32, #tpu.memory_space<hbm>> -> memref<5x128xi32, #tpu.memory_space<hbm>>
        %dma_start3A_516 = arith.constant 5 : i32
        %dma_start3A_517 = arith.constant 0 : i32
        %dma_start3A_518 = tpu.memref_slice %arg8[%dma_start3A_516, %dma_start3A_517] : memref<10x128xi32, #tpu.memory_space<vmem>> -> memref<5x128xi32, #tpu.memory_space<vmem>>
        %dma_start3A_519 = arith.constant 0 : i32
        %dma_start3A_520 = tpu.memref_slice %arg4[%add3A_136, %dma_start3A_519] : memref<2560x128xi32, #tpu.memory_space<hbm>> -> memref<5x128xi32, #tpu.memory_space<hbm>>
        tpu.enqueue_dma source(%dma_start3A_520 : memref<5x128xi32, #tpu.memory_space<hbm>>) target(%dma_start3A_518 : memref<5x128xi32, #tpu.memory_space<vmem>>) target_semaphore(%run_scoped3A : memref<!tpu.dma_semaphore, #tpu.memory_space<semaphore_mem>>)
        %dma_wait3A_521 = arith.constant 5 : i32
        %dma_wait3A_522 = arith.constant 0 : i32
        %dma_wait3A_523 = tpu.memref_slice %arg8[%dma_wait3A_521, %dma_wait3A_522] : memref<10x128xi32, #tpu.memory_space<vmem>> -> memref<5x128xi32, #tpu.memory_space<vmem>>
        %dma_wait3A_524 = arith.constant 0 : i32
        %dma_wait3A_525 = tpu.memref_slice %arg4[%add3A_136, %dma_wait3A_524] : memref<2560x128xi32, #tpu.memory_space<hbm>> -> memref<5x128xi32, #tpu.memory_space<hbm>>
        %dma_wait3A_526 = arith.constant 5 : i32
        %dma_wait3A_527 = arith.constant 0 : i32
        %dma_wait3A_528 = tpu.memref_slice %arg8[%dma_wait3A_526, %dma_wait3A_527] : memref<10x128xi32, #tpu.memory_space<vmem>> -> memref<5x128xi32, #tpu.memory_space<vmem>>
        %dma_wait3A_529 = arith.constant 0 : i32
        %dma_wait3A_530 = tpu.memref_slice %arg4[%add3A_136, %dma_wait3A_529] : memref<2560x128xi32, #tpu.memory_space<hbm>> -> memref<5x128xi32, #tpu.memory_space<hbm>>
        tpu.wait_dma2 semaphore(%run_scoped3A : memref<!tpu.dma_semaphore, #tpu.memory_space<semaphore_mem>>) src(%dma_wait3A_530 : memref<5x128xi32, #tpu.memory_space<hbm>>) dst(%dma_wait3A_528 : memref<5x128xi32, #tpu.memory_space<vmem>>)
        tpu.yield
      }) : () -> ()
      %dma_wait3A_137 = arith.constant 0 : i32
      %dma_wait3A_138 = arith.constant 0 : i32
      %dma_wait3A_139 = arith.constant 0 : i32
      %dma_wait3A_140 = tpu.memref_slice %arg9[%dma_wait3A_138, %dma_wait3A_139] : memref<1280x64xf32, #tpu.memory_space<vmem>> -> memref<128x64xf32, #tpu.memory_space<vmem>>
      %dma_wait3A_141 = arith.constant 0 : i32
      %dma_wait3A_142 = tpu.memref_slice %arg7[%dma_wait3A_137, %dma_wait3A_141] : memref<10x128xi32, #tpu.memory_space<vmem>> -> memref<1x128xi32, #tpu.memory_space<vmem>>
      %dma_wait3A_143 = tpu.memref_squeeze %dma_wait3A_142 : memref<1x128xi32, #tpu.memory_space<vmem>> -> memref<128xi32, #tpu.memory_space<vmem>>
      %dma_wait3A_144 = arith.constant 0 : i32
      %dma_wait3A_145 = arith.constant 0 : i32
      %dma_wait3A_146 = tpu.memref_slice %arg2[%arg0, %dma_wait3A_144, %dma_wait3A_145] : memref<2x10240x64xf32, #tpu.memory_space<hbm>> -> memref<1x10240x64xf32, #tpu.memory_space<hbm>>
      %dma_wait3A_147 = tpu.memref_squeeze %dma_wait3A_146 : memref<1x10240x64xf32, #tpu.memory_space<hbm>> -> memref<10240x64xf32, #tpu.memory_space<hbm>>
      %dma_wait3A_148 = arith.constant 0 : i32
      %dma_wait3A_149 = arith.constant 0 : i32
      %dma_wait3A_150 = tpu.memref_slice %dma_wait3A_147[%dma_wait3A_148, %dma_wait3A_149] : memref<10240x64xf32, #tpu.memory_space<hbm>> -> memref<10240x64xf32, #tpu.memory_space<hbm>>
      tpu.wait_indirect_dma semaphore(%arg11 : memref<!tpu.dma_semaphore, #tpu.memory_space<semaphore_mem>>) src(%dma_wait3A_150 : memref<10240x64xf32, #tpu.memory_space<hbm>>) dst(%dma_wait3A_140 : memref<128x64xf32, #tpu.memory_space<vmem>>)
      %dma_wait3A_151 = arith.constant 1 : i32
      %dma_wait3A_152 = arith.constant 128 : i32
      %dma_wait3A_153 = arith.constant 0 : i32
      %dma_wait3A_154 = tpu.memref_slice %arg9[%dma_wait3A_152, %dma_wait3A_153] : memref<1280x64xf32, #tpu.memory_space<vmem>> -> memref<128x64xf32, #tpu.memory_space<vmem>>
      %dma_wait3A_155 = arith.constant 0 : i32
      %dma_wait3A_156 = tpu.memref_slice %arg7[%dma_wait3A_151, %dma_wait3A_155] : memref<10x128xi32, #tpu.memory_space<vmem>> -> memref<1x128xi32, #tpu.memory_space<vmem>>
      %dma_wait3A_157 = tpu.memref_squeeze %dma_wait3A_156 : memref<1x128xi32, #tpu.memory_space<vmem>> -> memref<128xi32, #tpu.memory_space<vmem>>
      %dma_wait3A_158 = arith.constant 0 : i32
      %dma_wait3A_159 = arith.constant 0 : i32
      %dma_wait3A_160 = tpu.memref_slice %arg2[%arg0, %dma_wait3A_158, %dma_wait3A_159] : memref<2x10240x64xf32, #tpu.memory_space<hbm>> -> memref<1x10240x64xf32, #tpu.memory_space<hbm>>
      %dma_wait3A_161 = tpu.memref_squeeze %dma_wait3A_160 : memref<1x10240x64xf32, #tpu.memory_space<hbm>> -> memref<10240x64xf32, #tpu.memory_space<hbm>>
      %dma_wait3A_162 = arith.constant 0 : i32
      %dma_wait3A_163 = arith.constant 0 : i32
      %dma_wait3A_164 = tpu.memref_slice %dma_wait3A_161[%dma_wait3A_162, %dma_wait3A_163] : memref<10240x64xf32, #tpu.memory_space<hbm>> -> memref<10240x64xf32, #tpu.memory_space<hbm>>
      tpu.wait_indirect_dma semaphore(%arg11 : memref<!tpu.dma_semaphore, #tpu.memory_space<semaphore_mem>>) src(%dma_wait3A_164 : memref<10240x64xf32, #tpu.memory_space<hbm>>) dst(%dma_wait3A_154 : memref<128x64xf32, #tpu.memory_space<vmem>>)
      %dma_wait3A_165 = arith.constant 2 : i32
      %dma_wait3A_166 = arith.constant 256 : i32
      %dma_wait3A_167 = arith.constant 0 : i32
      %dma_wait3A_168 = tpu.memref_slice %arg9[%dma_wait3A_166, %dma_wait3A_167] : memref<1280x64xf32, #tpu.memory_space<vmem>> -> memref<128x64xf32, #tpu.memory_space<vmem>>
      %dma_wait3A_169 = arith.constant 0 : i32
      %dma_wait3A_170 = tpu.memref_slice %arg7[%dma_wait3A_165, %dma_wait3A_169] : memref<10x128xi32, #tpu.memory_space<vmem>> -> memref<1x128xi32, #tpu.memory_space<vmem>>
      %dma_wait3A_171 = tpu.memref_squeeze %dma_wait3A_170 : memref<1x128xi32, #tpu.memory_space<vmem>> -> memref<128xi32, #tpu.memory_space<vmem>>
      %dma_wait3A_172 = arith.constant 0 : i32
      %dma_wait3A_173 = arith.constant 0 : i32
      %dma_wait3A_174 = tpu.memref_slice %arg2[%arg0, %dma_wait3A_172, %dma_wait3A_173] : memref<2x10240x64xf32, #tpu.memory_space<hbm>> -> memref<1x10240x64xf32, #tpu.memory_space<hbm>>
      %dma_wait3A_175 = tpu.memref_squeeze %dma_wait3A_174 : memref<1x10240x64xf32, #tpu.memory_space<hbm>> -> memref<10240x64xf32, #tpu.memory_space<hbm>>
      %dma_wait3A_176 = arith.constant 0 : i32
      %dma_wait3A_177 = arith.constant 0 : i32
      %dma_wait3A_178 = tpu.memref_slice %dma_wait3A_175[%dma_wait3A_176, %dma_wait3A_177] : memref<10240x64xf32, #tpu.memory_space<hbm>> -> memref<10240x64xf32, #tpu.memory_space<hbm>>
      tpu.wait_indirect_dma semaphore(%arg11 : memref<!tpu.dma_semaphore, #tpu.memory_space<semaphore_mem>>) src(%dma_wait3A_178 : memref<10240x64xf32, #tpu.memory_space<hbm>>) dst(%dma_wait3A_168 : memref<128x64xf32, #tpu.memory_space<vmem>>)
      %dma_wait3A_179 = arith.constant 3 : i32
      %dma_wait3A_180 = arith.constant 384 : i32
      %dma_wait3A_181 = arith.constant 0 : i32
      %dma_wait3A_182 = tpu.memref_slice %arg9[%dma_wait3A_180, %dma_wait3A_181] : memref<1280x64xf32, #tpu.memory_space<vmem>> -> memref<128x64xf32, #tpu.memory_space<vmem>>
      %dma_wait3A_183 = arith.constant 0 : i32
      %dma_wait3A_184 = tpu.memref_slice %arg7[%dma_wait3A_179, %dma_wait3A_183] : memref<10x128xi32, #tpu.memory_space<vmem>> -> memref<1x128xi32, #tpu.memory_space<vmem>>
      %dma_wait3A_185 = tpu.memref_squeeze %dma_wait3A_184 : memref<1x128xi32, #tpu.memory_space<vmem>> -> memref<128xi32, #tpu.memory_space<vmem>>
      %dma_wait3A_186 = arith.constant 0 : i32
      %dma_wait3A_187 = arith.constant 0 : i32
      %dma_wait3A_188 = tpu.memref_slice %arg2[%arg0, %dma_wait3A_186, %dma_wait3A_187] : memref<2x10240x64xf32, #tpu.memory_space<hbm>> -> memref<1x10240x64xf32, #tpu.memory_space<hbm>>
      %dma_wait3A_189 = tpu.memref_squeeze %dma_wait3A_188 : memref<1x10240x64xf32, #tpu.memory_space<hbm>> -> memref<10240x64xf32, #tpu.memory_space<hbm>>
      %dma_wait3A_190 = arith.constant 0 : i32
      %dma_wait3A_191 = arith.constant 0 : i32
      %dma_wait3A_192 = tpu.memref_slice %dma_wait3A_189[%dma_wait3A_190, %dma_wait3A_191] : memref<10240x64xf32, #tpu.memory_space<hbm>> -> memref<10240x64xf32, #tpu.memory_space<hbm>>
      tpu.wait_indirect_dma semaphore(%arg11 : memref<!tpu.dma_semaphore, #tpu.memory_space<semaphore_mem>>) src(%dma_wait3A_192 : memref<10240x64xf32, #tpu.memory_space<hbm>>) dst(%dma_wait3A_182 : memref<128x64xf32, #tpu.memory_space<vmem>>)
      %dma_wait3A_193 = arith.constant 4 : i32
      %dma_wait3A_194 = arith.constant 512 : i32
      %dma_wait3A_195 = arith.constant 0 : i32
      %dma_wait3A_196 = tpu.memref_slice %arg9[%dma_wait3A_194, %dma_wait3A_195] : memref<1280x64xf32, #tpu.memory_space<vmem>> -> memref<128x64xf32, #tpu.memory_space<vmem>>
      %dma_wait3A_197 = arith.constant 0 : i32
      %dma_wait3A_198 = tpu.memref_slice %arg7[%dma_wait3A_193, %dma_wait3A_197] : memref<10x128xi32, #tpu.memory_space<vmem>> -> memref<1x128xi32, #tpu.memory_space<vmem>>
      %dma_wait3A_199 = tpu.memref_squeeze %dma_wait3A_198 : memref<1x128xi32, #tpu.memory_space<vmem>> -> memref<128xi32, #tpu.memory_space<vmem>>
      %dma_wait3A_200 = arith.constant 0 : i32
      %dma_wait3A_201 = arith.constant 0 : i32
      %dma_wait3A_202 = tpu.memref_slice %arg2[%arg0, %dma_wait3A_200, %dma_wait3A_201] : memref<2x10240x64xf32, #tpu.memory_space<hbm>> -> memref<1x10240x64xf32, #tpu.memory_space<hbm>>
      %dma_wait3A_203 = tpu.memref_squeeze %dma_wait3A_202 : memref<1x10240x64xf32, #tpu.memory_space<hbm>> -> memref<10240x64xf32, #tpu.memory_space<hbm>>
      %dma_wait3A_204 = arith.constant 0 : i32
      %dma_wait3A_205 = arith.constant 0 : i32
      %dma_wait3A_206 = tpu.memref_slice %dma_wait3A_203[%dma_wait3A_204, %dma_wait3A_205] : memref<10240x64xf32, #tpu.memory_space<hbm>> -> memref<10240x64xf32, #tpu.memory_space<hbm>>
      tpu.wait_indirect_dma semaphore(%arg11 : memref<!tpu.dma_semaphore, #tpu.memory_space<semaphore_mem>>) src(%dma_wait3A_206 : memref<10240x64xf32, #tpu.memory_space<hbm>>) dst(%dma_wait3A_196 : memref<128x64xf32, #tpu.memory_space<vmem>>)
      %dma_start3A_207 = arith.constant 0 : i32
      %dma_start3A_208 = arith.constant 0 : i32
      %dma_start3A_209 = arith.constant 0 : i32
      %dma_start3A_210 = tpu.memref_slice %arg9[%dma_start3A_208, %dma_start3A_209] : memref<1280x64xf32, #tpu.memory_space<vmem>> -> memref<128x64xf32, #tpu.memory_space<vmem>>
      %dma_start3A_211 = arith.constant 0 : i32
      %dma_start3A_212 = tpu.memref_slice %arg8[%dma_start3A_207, %dma_start3A_211] : memref<10x128xi32, #tpu.memory_space<vmem>> -> memref<1x128xi32, #tpu.memory_space<vmem>>
      %dma_start3A_213 = tpu.memref_squeeze %dma_start3A_212 : memref<1x128xi32, #tpu.memory_space<vmem>> -> memref<128xi32, #tpu.memory_space<vmem>>
      %dma_start3A_214 = arith.constant 0 : i32
      %dma_start3A_215 = arith.constant 0 : i32
      %dma_start3A_216 = tpu.memref_slice %arg10[%dma_start3A_214, %dma_start3A_215] : memref<10240x64xf32, #tpu.memory_space<vmem_shared>> -> memref<10240x64xf32, #tpu.memory_space<vmem_shared>>
      tpu.enqueue_indirect_dma source(%dma_start3A_210 : memref<128x64xf32, #tpu.memory_space<vmem>>) target(%dma_start3A_216 : memref<10240x64xf32, #tpu.memory_space<vmem_shared>>) offsets(%dma_start3A_213 : memref<128xi32, #tpu.memory_space<vmem>>) semaphore(%arg12 : memref<!tpu.dma_semaphore, #tpu.memory_space<semaphore_mem>>) {add = true}
      %dma_start3A_217 = arith.constant 1 : i32
      %dma_start3A_218 = arith.constant 128 : i32
      %dma_start3A_219 = arith.constant 0 : i32
      %dma_start3A_220 = tpu.memref_slice %arg9[%dma_start3A_218, %dma_start3A_219] : memref<1280x64xf32, #tpu.memory_space<vmem>> -> memref<128x64xf32, #tpu.memory_space<vmem>>
      %dma_start3A_221 = arith.constant 0 : i32
      %dma_start3A_222 = tpu.memref_slice %arg8[%dma_start3A_217, %dma_start3A_221] : memref<10x128xi32, #tpu.memory_space<vmem>> -> memref<1x128xi32, #tpu.memory_space<vmem>>
      %dma_start3A_223 = tpu.memref_squeeze %dma_start3A_222 : memref<1x128xi32, #tpu.memory_space<vmem>> -> memref<128xi32, #tpu.memory_space<vmem>>
      %dma_start3A_224 = arith.constant 0 : i32
      %dma_start3A_225 = arith.constant 0 : i32
      %dma_start3A_226 = tpu.memref_slice %arg10[%dma_start3A_224, %dma_start3A_225] : memref<10240x64xf32, #tpu.memory_space<vmem_shared>> -> memref<10240x64xf32, #tpu.memory_space<vmem_shared>>
      tpu.enqueue_indirect_dma source(%dma_start3A_220 : memref<128x64xf32, #tpu.memory_space<vmem>>) target(%dma_start3A_226 : memref<10240x64xf32, #tpu.memory_space<vmem_shared>>) offsets(%dma_start3A_223 : memref<128xi32, #tpu.memory_space<vmem>>) semaphore(%arg12 : memref<!tpu.dma_semaphore, #tpu.memory_space<semaphore_mem>>) {add = true}
      %dma_start3A_227 = arith.constant 2 : i32
      %dma_start3A_228 = arith.constant 256 : i32
      %dma_start3A_229 = arith.constant 0 : i32
      %dma_start3A_230 = tpu.memref_slice %arg9[%dma_start3A_228, %dma_start3A_229] : memref<1280x64xf32, #tpu.memory_space<vmem>> -> memref<128x64xf32, #tpu.memory_space<vmem>>
      %dma_start3A_231 = arith.constant 0 : i32
      %dma_start3A_232 = tpu.memref_slice %arg8[%dma_start3A_227, %dma_start3A_231] : memref<10x128xi32, #tpu.memory_space<vmem>> -> memref<1x128xi32, #tpu.memory_space<vmem>>
      %dma_start3A_233 = tpu.memref_squeeze %dma_start3A_232 : memref<1x128xi32, #tpu.memory_space<vmem>> -> memref<128xi32, #tpu.memory_space<vmem>>
      %dma_start3A_234 = arith.constant 0 : i32
      %dma_start3A_235 = arith.constant 0 : i32
      %dma_start3A_236 = tpu.memref_slice %arg10[%dma_start3A_234, %dma_start3A_235] : memref<10240x64xf32, #tpu.memory_space<vmem_shared>> -> memref<10240x64xf32, #tpu.memory_space<vmem_shared>>
      tpu.enqueue_indirect_dma source(%dma_start3A_230 : memref<128x64xf32, #tpu.memory_space<vmem>>) target(%dma_start3A_236 : memref<10240x64xf32, #tpu.memory_space<vmem_shared>>) offsets(%dma_start3A_233 : memref<128xi32, #tpu.memory_space<vmem>>) semaphore(%arg12 : memref<!tpu.dma_semaphore, #tpu.memory_space<semaphore_mem>>) {add = true}
      %dma_start3A_237 = arith.constant 3 : i32
      %dma_start3A_238 = arith.constant 384 : i32
      %dma_start3A_239 = arith.constant 0 : i32
      %dma_start3A_240 = tpu.memref_slice %arg9[%dma_start3A_238, %dma_start3A_239] : memref<1280x64xf32, #tpu.memory_space<vmem>> -> memref<128x64xf32, #tpu.memory_space<vmem>>
      %dma_start3A_241 = arith.constant 0 : i32
      %dma_start3A_242 = tpu.memref_slice %arg8[%dma_start3A_237, %dma_start3A_241] : memref<10x128xi32, #tpu.memory_space<vmem>> -> memref<1x128xi32, #tpu.memory_space<vmem>>
      %dma_start3A_243 = tpu.memref_squeeze %dma_start3A_242 : memref<1x128xi32, #tpu.memory_space<vmem>> -> memref<128xi32, #tpu.memory_space<vmem>>
      %dma_start3A_244 = arith.constant 0 : i32
      %dma_start3A_245 = arith.constant 0 : i32
      %dma_start3A_246 = tpu.memref_slice %arg10[%dma_start3A_244, %dma_start3A_245] : memref<10240x64xf32, #tpu.memory_space<vmem_shared>> -> memref<10240x64xf32, #tpu.memory_space<vmem_shared>>
      tpu.enqueue_indirect_dma source(%dma_start3A_240 : memref<128x64xf32, #tpu.memory_space<vmem>>) target(%dma_start3A_246 : memref<10240x64xf32, #tpu.memory_space<vmem_shared>>) offsets(%dma_start3A_243 : memref<128xi32, #tpu.memory_space<vmem>>) semaphore(%arg12 : memref<!tpu.dma_semaphore, #tpu.memory_space<semaphore_mem>>) {add = true}
      %dma_start3A_247 = arith.constant 4 : i32
      %dma_start3A_248 = arith.constant 512 : i32
      %dma_start3A_249 = arith.constant 0 : i32
      %dma_start3A_250 = tpu.memref_slice %arg9[%dma_start3A_248, %dma_start3A_249] : memref<1280x64xf32, #tpu.memory_space<vmem>> -> memref<128x64xf32, #tpu.memory_space<vmem>>
      %dma_start3A_251 = arith.constant 0 : i32
      %dma_start3A_252 = tpu.memref_slice %arg8[%dma_start3A_247, %dma_start3A_251] : memref<10x128xi32, #tpu.memory_space<vmem>> -> memref<1x128xi32, #tpu.memory_space<vmem>>
      %dma_start3A_253 = tpu.memref_squeeze %dma_start3A_252 : memref<1x128xi32, #tpu.memory_space<vmem>> -> memref<128xi32, #tpu.memory_space<vmem>>
      %dma_start3A_254 = arith.constant 0 : i32
      %dma_start3A_255 = arith.constant 0 : i32
      %dma_start3A_256 = tpu.memref_slice %arg10[%dma_start3A_254, %dma_start3A_255] : memref<10240x64xf32, #tpu.memory_space<vmem_shared>> -> memref<10240x64xf32, #tpu.memory_space<vmem_shared>>
      tpu.enqueue_indirect_dma source(%dma_start3A_250 : memref<128x64xf32, #tpu.memory_space<vmem>>) target(%dma_start3A_256 : memref<10240x64xf32, #tpu.memory_space<vmem_shared>>) offsets(%dma_start3A_253 : memref<128xi32, #tpu.memory_space<vmem>>) semaphore(%arg12 : memref<!tpu.dma_semaphore, #tpu.memory_space<semaphore_mem>>) {add = true}
      %gt3A = arith.constant 0 : i32
      %gt3A_257 = arith.cmpi sgt, %add3A_131, %gt3A : i32
      %convert_element_type3A = arith.extui %gt3A_257 : i1 to i32
      %cond3A = arith.constant 0 : i32
      %cond3A_258 = arith.cmpi ne, %convert_element_type3A, %cond3A : i32
      scf.if %cond3A_258 {
        %sub3A = arith.constant 1 : i32
        %sub3A_511 = arith.subi %add3A_131, %sub3A : i32
        %dma_wait3A_512 = arith.constant 5 : i32
        %dma_wait3A_513 = arith.constant 640 : i32
        %dma_wait3A_514 = arith.constant 0 : i32
        %dma_wait3A_515 = tpu.memref_slice %arg9[%dma_wait3A_513, %dma_wait3A_514] : memref<1280x64xf32, #tpu.memory_space<vmem>> -> memref<128x64xf32, #tpu.memory_space<vmem>>
        %dma_wait3A_516 = arith.constant 0 : i32
        %dma_wait3A_517 = tpu.memref_slice %arg8[%dma_wait3A_512, %dma_wait3A_516] : memref<10x128xi32, #tpu.memory_space<vmem>> -> memref<1x128xi32, #tpu.memory_space<vmem>>
        %dma_wait3A_518 = tpu.memref_squeeze %dma_wait3A_517 : memref<1x128xi32, #tpu.memory_space<vmem>> -> memref<128xi32, #tpu.memory_space<vmem>>
        %dma_wait3A_519 = arith.constant 0 : i32
        %dma_wait3A_520 = arith.constant 0 : i32
        %dma_wait3A_521 = tpu.memref_slice %arg10[%dma_wait3A_519, %dma_wait3A_520] : memref<10240x64xf32, #tpu.memory_space<vmem_shared>> -> memref<10240x64xf32, #tpu.memory_space<vmem_shared>>
        tpu.wait_indirect_dma semaphore(%arg12 : memref<!tpu.dma_semaphore, #tpu.memory_space<semaphore_mem>>) src(%dma_wait3A_515 : memref<128x64xf32, #tpu.memory_space<vmem>>) dst(%dma_wait3A_521 : memref<10240x64xf32, #tpu.memory_space<vmem_shared>>)
        %dma_wait3A_522 = arith.constant 6 : i32
        %dma_wait3A_523 = arith.constant 768 : i32
        %dma_wait3A_524 = arith.constant 0 : i32
        %dma_wait3A_525 = tpu.memref_slice %arg9[%dma_wait3A_523, %dma_wait3A_524] : memref<1280x64xf32, #tpu.memory_space<vmem>> -> memref<128x64xf32, #tpu.memory_space<vmem>>
        %dma_wait3A_526 = arith.constant 0 : i32
        %dma_wait3A_527 = tpu.memref_slice %arg8[%dma_wait3A_522, %dma_wait3A_526] : memref<10x128xi32, #tpu.memory_space<vmem>> -> memref<1x128xi32, #tpu.memory_space<vmem>>
        %dma_wait3A_528 = tpu.memref_squeeze %dma_wait3A_527 : memref<1x128xi32, #tpu.memory_space<vmem>> -> memref<128xi32, #tpu.memory_space<vmem>>
        %dma_wait3A_529 = arith.constant 0 : i32
        %dma_wait3A_530 = arith.constant 0 : i32
        %dma_wait3A_531 = tpu.memref_slice %arg10[%dma_wait3A_529, %dma_wait3A_530] : memref<10240x64xf32, #tpu.memory_space<vmem_shared>> -> memref<10240x64xf32, #tpu.memory_space<vmem_shared>>
        tpu.wait_indirect_dma semaphore(%arg12 : memref<!tpu.dma_semaphore, #tpu.memory_space<semaphore_mem>>) src(%dma_wait3A_525 : memref<128x64xf32, #tpu.memory_space<vmem>>) dst(%dma_wait3A_531 : memref<10240x64xf32, #tpu.memory_space<vmem_shared>>)
        %dma_wait3A_532 = arith.constant 7 : i32
        %dma_wait3A_533 = arith.constant 896 : i32
        %dma_wait3A_534 = arith.constant 0 : i32
        %dma_wait3A_535 = tpu.memref_slice %arg9[%dma_wait3A_533, %dma_wait3A_534] : memref<1280x64xf32, #tpu.memory_space<vmem>> -> memref<128x64xf32, #tpu.memory_space<vmem>>
        %dma_wait3A_536 = arith.constant 0 : i32
        %dma_wait3A_537 = tpu.memref_slice %arg8[%dma_wait3A_532, %dma_wait3A_536] : memref<10x128xi32, #tpu.memory_space<vmem>> -> memref<1x128xi32, #tpu.memory_space<vmem>>
        %dma_wait3A_538 = tpu.memref_squeeze %dma_wait3A_537 : memref<1x128xi32, #tpu.memory_space<vmem>> -> memref<128xi32, #tpu.memory_space<vmem>>
        %dma_wait3A_539 = arith.constant 0 : i32
        %dma_wait3A_540 = arith.constant 0 : i32
        %dma_wait3A_541 = tpu.memref_slice %arg10[%dma_wait3A_539, %dma_wait3A_540] : memref<10240x64xf32, #tpu.memory_space<vmem_shared>> -> memref<10240x64xf32, #tpu.memory_space<vmem_shared>>
        tpu.wait_indirect_dma semaphore(%arg12 : memref<!tpu.dma_semaphore, #tpu.memory_space<semaphore_mem>>) src(%dma_wait3A_535 : memref<128x64xf32, #tpu.memory_space<vmem>>) dst(%dma_wait3A_541 : memref<10240x64xf32, #tpu.memory_space<vmem_shared>>)
        %dma_wait3A_542 = arith.constant 8 : i32
        %dma_wait3A_543 = arith.constant 1024 : i32
        %dma_wait3A_544 = arith.constant 0 : i32
        %dma_wait3A_545 = tpu.memref_slice %arg9[%dma_wait3A_543, %dma_wait3A_544] : memref<1280x64xf32, #tpu.memory_space<vmem>> -> memref<128x64xf32, #tpu.memory_space<vmem>>
        %dma_wait3A_546 = arith.constant 0 : i32
        %dma_wait3A_547 = tpu.memref_slice %arg8[%dma_wait3A_542, %dma_wait3A_546] : memref<10x128xi32, #tpu.memory_space<vmem>> -> memref<1x128xi32, #tpu.memory_space<vmem>>
        %dma_wait3A_548 = tpu.memref_squeeze %dma_wait3A_547 : memref<1x128xi32, #tpu.memory_space<vmem>> -> memref<128xi32, #tpu.memory_space<vmem>>
        %dma_wait3A_549 = arith.constant 0 : i32
        %dma_wait3A_550 = arith.constant 0 : i32
        %dma_wait3A_551 = tpu.memref_slice %arg10[%dma_wait3A_549, %dma_wait3A_550] : memref<10240x64xf32, #tpu.memory_space<vmem_shared>> -> memref<10240x64xf32, #tpu.memory_space<vmem_shared>>
        tpu.wait_indirect_dma semaphore(%arg12 : memref<!tpu.dma_semaphore, #tpu.memory_space<semaphore_mem>>) src(%dma_wait3A_545 : memref<128x64xf32, #tpu.memory_space<vmem>>) dst(%dma_wait3A_551 : memref<10240x64xf32, #tpu.memory_space<vmem_shared>>)
        %dma_wait3A_552 = arith.constant 9 : i32
        %dma_wait3A_553 = arith.constant 1152 : i32
        %dma_wait3A_554 = arith.constant 0 : i32
        %dma_wait3A_555 = tpu.memref_slice %arg9[%dma_wait3A_553, %dma_wait3A_554] : memref<1280x64xf32, #tpu.memory_space<vmem>> -> memref<128x64xf32, #tpu.memory_space<vmem>>
        %dma_wait3A_556 = arith.constant 0 : i32
        %dma_wait3A_557 = tpu.memref_slice %arg8[%dma_wait3A_552, %dma_wait3A_556] : memref<10x128xi32, #tpu.memory_space<vmem>> -> memref<1x128xi32, #tpu.memory_space<vmem>>
        %dma_wait3A_558 = tpu.memref_squeeze %dma_wait3A_557 : memref<1x128xi32, #tpu.memory_space<vmem>> -> memref<128xi32, #tpu.memory_space<vmem>>
        %dma_wait3A_559 = arith.constant 0 : i32
        %dma_wait3A_560 = arith.constant 0 : i32
        %dma_wait3A_561 = tpu.memref_slice %arg10[%dma_wait3A_559, %dma_wait3A_560] : memref<10240x64xf32, #tpu.memory_space<vmem_shared>> -> memref<10240x64xf32, #tpu.memory_space<vmem_shared>>
        tpu.wait_indirect_dma semaphore(%arg12 : memref<!tpu.dma_semaphore, #tpu.memory_space<semaphore_mem>>) src(%dma_wait3A_555 : memref<128x64xf32, #tpu.memory_space<vmem>>) dst(%dma_wait3A_561 : memref<10240x64xf32, #tpu.memory_space<vmem_shared>>)
      } else {
      }
      %add3A_259 = arith.constant 1 : i32
      %add3A_260 = arith.addi %add3A_131, %add3A_259 : i32
      %dma_start3A_261 = arith.constant 5 : i32
      %dma_start3A_262 = arith.constant 640 : i32
      %dma_start3A_263 = arith.constant 0 : i32
      %dma_start3A_264 = tpu.memref_slice %arg9[%dma_start3A_262, %dma_start3A_263] : memref<1280x64xf32, #tpu.memory_space<vmem>> -> memref<128x64xf32, #tpu.memory_space<vmem>>
      %dma_start3A_265 = arith.constant 0 : i32
      %dma_start3A_266 = tpu.memref_slice %arg7[%dma_start3A_261, %dma_start3A_265] : memref<10x128xi32, #tpu.memory_space<vmem>> -> memref<1x128xi32, #tpu.memory_space<vmem>>
      %dma_start3A_267 = tpu.memref_squeeze %dma_start3A_266 : memref<1x128xi32, #tpu.memory_space<vmem>> -> memref<128xi32, #tpu.memory_space<vmem>>
      %dma_start3A_268 = arith.constant 0 : i32
      %dma_start3A_269 = arith.constant 0 : i32
      %dma_start3A_270 = tpu.memref_slice %arg2[%arg0, %dma_start3A_268, %dma_start3A_269] : memref<2x10240x64xf32, #tpu.memory_space<hbm>> -> memref<1x10240x64xf32, #tpu.memory_space<hbm>>
      %dma_start3A_271 = tpu.memref_squeeze %dma_start3A_270 : memref<1x10240x64xf32, #tpu.memory_space<hbm>> -> memref<10240x64xf32, #tpu.memory_space<hbm>>
      %dma_start3A_272 = arith.constant 0 : i32
      %dma_start3A_273 = arith.constant 0 : i32
      %dma_start3A_274 = tpu.memref_slice %dma_start3A_271[%dma_start3A_272, %dma_start3A_273] : memref<10240x64xf32, #tpu.memory_space<hbm>> -> memref<10240x64xf32, #tpu.memory_space<hbm>>
      tpu.enqueue_indirect_dma source(%dma_start3A_274 : memref<10240x64xf32, #tpu.memory_space<hbm>>) target(%dma_start3A_264 : memref<128x64xf32, #tpu.memory_space<vmem>>) offsets(%dma_start3A_267 : memref<128xi32, #tpu.memory_space<vmem>>) semaphore(%arg11 : memref<!tpu.dma_semaphore, #tpu.memory_space<semaphore_mem>>)
      %dma_start3A_275 = arith.constant 6 : i32
      %dma_start3A_276 = arith.constant 768 : i32
      %dma_start3A_277 = arith.constant 0 : i32
      %dma_start3A_278 = tpu.memref_slice %arg9[%dma_start3A_276, %dma_start3A_277] : memref<1280x64xf32, #tpu.memory_space<vmem>> -> memref<128x64xf32, #tpu.memory_space<vmem>>
      %dma_start3A_279 = arith.constant 0 : i32
      %dma_start3A_280 = tpu.memref_slice %arg7[%dma_start3A_275, %dma_start3A_279] : memref<10x128xi32, #tpu.memory_space<vmem>> -> memref<1x128xi32, #tpu.memory_space<vmem>>
      %dma_start3A_281 = tpu.memref_squeeze %dma_start3A_280 : memref<1x128xi32, #tpu.memory_space<vmem>> -> memref<128xi32, #tpu.memory_space<vmem>>
      %dma_start3A_282 = arith.constant 0 : i32
      %dma_start3A_283 = arith.constant 0 : i32
      %dma_start3A_284 = tpu.memref_slice %arg2[%arg0, %dma_start3A_282, %dma_start3A_283] : memref<2x10240x64xf32, #tpu.memory_space<hbm>> -> memref<1x10240x64xf32, #tpu.memory_space<hbm>>
      %dma_start3A_285 = tpu.memref_squeeze %dma_start3A_284 : memref<1x10240x64xf32, #tpu.memory_space<hbm>> -> memref<10240x64xf32, #tpu.memory_space<hbm>>
      %dma_start3A_286 = arith.constant 0 : i32
      %dma_start3A_287 = arith.constant 0 : i32
      %dma_start3A_288 = tpu.memref_slice %dma_start3A_285[%dma_start3A_286, %dma_start3A_287] : memref<10240x64xf32, #tpu.memory_space<hbm>> -> memref<10240x64xf32, #tpu.memory_space<hbm>>
      tpu.enqueue_indirect_dma source(%dma_start3A_288 : memref<10240x64xf32, #tpu.memory_space<hbm>>) target(%dma_start3A_278 : memref<128x64xf32, #tpu.memory_space<vmem>>) offsets(%dma_start3A_281 : memref<128xi32, #tpu.memory_space<vmem>>) semaphore(%arg11 : memref<!tpu.dma_semaphore, #tpu.memory_space<semaphore_mem>>)
      %dma_start3A_289 = arith.constant 7 : i32
      %dma_start3A_290 = arith.constant 896 : i32
      %dma_start3A_291 = arith.constant 0 : i32
      %dma_start3A_292 = tpu.memref_slice %arg9[%dma_start3A_290, %dma_start3A_291] : memref<1280x64xf32, #tpu.memory_space<vmem>> -> memref<128x64xf32, #tpu.memory_space<vmem>>
      %dma_start3A_293 = arith.constant 0 : i32
      %dma_start3A_294 = tpu.memref_slice %arg7[%dma_start3A_289, %dma_start3A_293] : memref<10x128xi32, #tpu.memory_space<vmem>> -> memref<1x128xi32, #tpu.memory_space<vmem>>
      %dma_start3A_295 = tpu.memref_squeeze %dma_start3A_294 : memref<1x128xi32, #tpu.memory_space<vmem>> -> memref<128xi32, #tpu.memory_space<vmem>>
      %dma_start3A_296 = arith.constant 0 : i32
      %dma_start3A_297 = arith.constant 0 : i32
      %dma_start3A_298 = tpu.memref_slice %arg2[%arg0, %dma_start3A_296, %dma_start3A_297] : memref<2x10240x64xf32, #tpu.memory_space<hbm>> -> memref<1x10240x64xf32, #tpu.memory_space<hbm>>
      %dma_start3A_299 = tpu.memref_squeeze %dma_start3A_298 : memref<1x10240x64xf32, #tpu.memory_space<hbm>> -> memref<10240x64xf32, #tpu.memory_space<hbm>>
      %dma_start3A_300 = arith.constant 0 : i32
      %dma_start3A_301 = arith.constant 0 : i32
      %dma_start3A_302 = tpu.memref_slice %dma_start3A_299[%dma_start3A_300, %dma_start3A_301] : memref<10240x64xf32, #tpu.memory_space<hbm>> -> memref<10240x64xf32, #tpu.memory_space<hbm>>
      tpu.enqueue_indirect_dma source(%dma_start3A_302 : memref<10240x64xf32, #tpu.memory_space<hbm>>) target(%dma_start3A_292 : memref<128x64xf32, #tpu.memory_space<vmem>>) offsets(%dma_start3A_295 : memref<128xi32, #tpu.memory_space<vmem>>) semaphore(%arg11 : memref<!tpu.dma_semaphore, #tpu.memory_space<semaphore_mem>>)
      %dma_start3A_303 = arith.constant 8 : i32
      %dma_start3A_304 = arith.constant 1024 : i32
      %dma_start3A_305 = arith.constant 0 : i32
      %dma_start3A_306 = tpu.memref_slice %arg9[%dma_start3A_304, %dma_start3A_305] : memref<1280x64xf32, #tpu.memory_space<vmem>> -> memref<128x64xf32, #tpu.memory_space<vmem>>
      %dma_start3A_307 = arith.constant 0 : i32
      %dma_start3A_308 = tpu.memref_slice %arg7[%dma_start3A_303, %dma_start3A_307] : memref<10x128xi32, #tpu.memory_space<vmem>> -> memref<1x128xi32, #tpu.memory_space<vmem>>
      %dma_start3A_309 = tpu.memref_squeeze %dma_start3A_308 : memref<1x128xi32, #tpu.memory_space<vmem>> -> memref<128xi32, #tpu.memory_space<vmem>>
      %dma_start3A_310 = arith.constant 0 : i32
      %dma_start3A_311 = arith.constant 0 : i32
      %dma_start3A_312 = tpu.memref_slice %arg2[%arg0, %dma_start3A_310, %dma_start3A_311] : memref<2x10240x64xf32, #tpu.memory_space<hbm>> -> memref<1x10240x64xf32, #tpu.memory_space<hbm>>
      %dma_start3A_313 = tpu.memref_squeeze %dma_start3A_312 : memref<1x10240x64xf32, #tpu.memory_space<hbm>> -> memref<10240x64xf32, #tpu.memory_space<hbm>>
      %dma_start3A_314 = arith.constant 0 : i32
      %dma_start3A_315 = arith.constant 0 : i32
      %dma_start3A_316 = tpu.memref_slice %dma_start3A_313[%dma_start3A_314, %dma_start3A_315] : memref<10240x64xf32, #tpu.memory_space<hbm>> -> memref<10240x64xf32, #tpu.memory_space<hbm>>
      tpu.enqueue_indirect_dma source(%dma_start3A_316 : memref<10240x64xf32, #tpu.memory_space<hbm>>) target(%dma_start3A_306 : memref<128x64xf32, #tpu.memory_space<vmem>>) offsets(%dma_start3A_309 : memref<128xi32, #tpu.memory_space<vmem>>) semaphore(%arg11 : memref<!tpu.dma_semaphore, #tpu.memory_space<semaphore_mem>>)
      %dma_start3A_317 = arith.constant 9 : i32
      %dma_start3A_318 = arith.constant 1152 : i32
      %dma_start3A_319 = arith.constant 0 : i32
      %dma_start3A_320 = tpu.memref_slice %arg9[%dma_start3A_318, %dma_start3A_319] : memref<1280x64xf32, #tpu.memory_space<vmem>> -> memref<128x64xf32, #tpu.memory_space<vmem>>
      %dma_start3A_321 = arith.constant 0 : i32
      %dma_start3A_322 = tpu.memref_slice %arg7[%dma_start3A_317, %dma_start3A_321] : memref<10x128xi32, #tpu.memory_space<vmem>> -> memref<1x128xi32, #tpu.memory_space<vmem>>
      %dma_start3A_323 = tpu.memref_squeeze %dma_start3A_322 : memref<1x128xi32, #tpu.memory_space<vmem>> -> memref<128xi32, #tpu.memory_space<vmem>>
      %dma_start3A_324 = arith.constant 0 : i32
      %dma_start3A_325 = arith.constant 0 : i32
      %dma_start3A_326 = tpu.memref_slice %arg2[%arg0, %dma_start3A_324, %dma_start3A_325] : memref<2x10240x64xf32, #tpu.memory_space<hbm>> -> memref<1x10240x64xf32, #tpu.memory_space<hbm>>
      %dma_start3A_327 = tpu.memref_squeeze %dma_start3A_326 : memref<1x10240x64xf32, #tpu.memory_space<hbm>> -> memref<10240x64xf32, #tpu.memory_space<hbm>>
      %dma_start3A_328 = arith.constant 0 : i32
      %dma_start3A_329 = arith.constant 0 : i32
      %dma_start3A_330 = tpu.memref_slice %dma_start3A_327[%dma_start3A_328, %dma_start3A_329] : memref<10240x64xf32, #tpu.memory_space<hbm>> -> memref<10240x64xf32, #tpu.memory_space<hbm>>
      tpu.enqueue_indirect_dma source(%dma_start3A_330 : memref<10240x64xf32, #tpu.memory_space<hbm>>) target(%dma_start3A_320 : memref<128x64xf32, #tpu.memory_space<vmem>>) offsets(%dma_start3A_323 : memref<128xi32, #tpu.memory_space<vmem>>) semaphore(%arg11 : memref<!tpu.dma_semaphore, #tpu.memory_space<semaphore_mem>>)
      %add3A_331 = arith.constant 1 : i32
      %add3A_332 = arith.addi %add3A_131, %add3A_331 : i32
      %dma_wait3A_333 = arith.constant 5 : i32
      %dma_wait3A_334 = arith.constant 640 : i32
      %dma_wait3A_335 = arith.constant 0 : i32
      %dma_wait3A_336 = tpu.memref_slice %arg9[%dma_wait3A_334, %dma_wait3A_335] : memref<1280x64xf32, #tpu.memory_space<vmem>> -> memref<128x64xf32, #tpu.memory_space<vmem>>
      %dma_wait3A_337 = arith.constant 0 : i32
      %dma_wait3A_338 = tpu.memref_slice %arg7[%dma_wait3A_333, %dma_wait3A_337] : memref<10x128xi32, #tpu.memory_space<vmem>> -> memref<1x128xi32, #tpu.memory_space<vmem>>
      %dma_wait3A_339 = tpu.memref_squeeze %dma_wait3A_338 : memref<1x128xi32, #tpu.memory_space<vmem>> -> memref<128xi32, #tpu.memory_space<vmem>>
      %dma_wait3A_340 = arith.constant 0 : i32
      %dma_wait3A_341 = arith.constant 0 : i32
      %dma_wait3A_342 = tpu.memref_slice %arg2[%arg0, %dma_wait3A_340, %dma_wait3A_341] : memref<2x10240x64xf32, #tpu.memory_space<hbm>> -> memref<1x10240x64xf32, #tpu.memory_space<hbm>>
      %dma_wait3A_343 = tpu.memref_squeeze %dma_wait3A_342 : memref<1x10240x64xf32, #tpu.memory_space<hbm>> -> memref<10240x64xf32, #tpu.memory_space<hbm>>
      %dma_wait3A_344 = arith.constant 0 : i32
      %dma_wait3A_345 = arith.constant 0 : i32
      %dma_wait3A_346 = tpu.memref_slice %dma_wait3A_343[%dma_wait3A_344, %dma_wait3A_345] : memref<10240x64xf32, #tpu.memory_space<hbm>> -> memref<10240x64xf32, #tpu.memory_space<hbm>>
      tpu.wait_indirect_dma semaphore(%arg11 : memref<!tpu.dma_semaphore, #tpu.memory_space<semaphore_mem>>) src(%dma_wait3A_346 : memref<10240x64xf32, #tpu.memory_space<hbm>>) dst(%dma_wait3A_336 : memref<128x64xf32, #tpu.memory_space<vmem>>)
      %dma_wait3A_347 = arith.constant 6 : i32
      %dma_wait3A_348 = arith.constant 768 : i32
      %dma_wait3A_349 = arith.constant 0 : i32
      %dma_wait3A_350 = tpu.memref_slice %arg9[%dma_wait3A_348, %dma_wait3A_349] : memref<1280x64xf32, #tpu.memory_space<vmem>> -> memref<128x64xf32, #tpu.memory_space<vmem>>
      %dma_wait3A_351 = arith.constant 0 : i32
      %dma_wait3A_352 = tpu.memref_slice %arg7[%dma_wait3A_347, %dma_wait3A_351] : memref<10x128xi32, #tpu.memory_space<vmem>> -> memref<1x128xi32, #tpu.memory_space<vmem>>
      %dma_wait3A_353 = tpu.memref_squeeze %dma_wait3A_352 : memref<1x128xi32, #tpu.memory_space<vmem>> -> memref<128xi32, #tpu.memory_space<vmem>>
      %dma_wait3A_354 = arith.constant 0 : i32
      %dma_wait3A_355 = arith.constant 0 : i32
      %dma_wait3A_356 = tpu.memref_slice %arg2[%arg0, %dma_wait3A_354, %dma_wait3A_355] : memref<2x10240x64xf32, #tpu.memory_space<hbm>> -> memref<1x10240x64xf32, #tpu.memory_space<hbm>>
      %dma_wait3A_357 = tpu.memref_squeeze %dma_wait3A_356 : memref<1x10240x64xf32, #tpu.memory_space<hbm>> -> memref<10240x64xf32, #tpu.memory_space<hbm>>
      %dma_wait3A_358 = arith.constant 0 : i32
      %dma_wait3A_359 = arith.constant 0 : i32
      %dma_wait3A_360 = tpu.memref_slice %dma_wait3A_357[%dma_wait3A_358, %dma_wait3A_359] : memref<10240x64xf32, #tpu.memory_space<hbm>> -> memref<10240x64xf32, #tpu.memory_space<hbm>>
      tpu.wait_indirect_dma semaphore(%arg11 : memref<!tpu.dma_semaphore, #tpu.memory_space<semaphore_mem>>) src(%dma_wait3A_360 : memref<10240x64xf32, #tpu.memory_space<hbm>>) dst(%dma_wait3A_350 : memref<128x64xf32, #tpu.memory_space<vmem>>)
      %dma_wait3A_361 = arith.constant 7 : i32
      %dma_wait3A_362 = arith.constant 896 : i32
      %dma_wait3A_363 = arith.constant 0 : i32
      %dma_wait3A_364 = tpu.memref_slice %arg9[%dma_wait3A_362, %dma_wait3A_363] : memref<1280x64xf32, #tpu.memory_space<vmem>> -> memref<128x64xf32, #tpu.memory_space<vmem>>
      %dma_wait3A_365 = arith.constant 0 : i32
      %dma_wait3A_366 = tpu.memref_slice %arg7[%dma_wait3A_361, %dma_wait3A_365] : memref<10x128xi32, #tpu.memory_space<vmem>> -> memref<1x128xi32, #tpu.memory_space<vmem>>
      %dma_wait3A_367 = tpu.memref_squeeze %dma_wait3A_366 : memref<1x128xi32, #tpu.memory_space<vmem>> -> memref<128xi32, #tpu.memory_space<vmem>>
      %dma_wait3A_368 = arith.constant 0 : i32
      %dma_wait3A_369 = arith.constant 0 : i32
      %dma_wait3A_370 = tpu.memref_slice %arg2[%arg0, %dma_wait3A_368, %dma_wait3A_369] : memref<2x10240x64xf32, #tpu.memory_space<hbm>> -> memref<1x10240x64xf32, #tpu.memory_space<hbm>>
      %dma_wait3A_371 = tpu.memref_squeeze %dma_wait3A_370 : memref<1x10240x64xf32, #tpu.memory_space<hbm>> -> memref<10240x64xf32, #tpu.memory_space<hbm>>
      %dma_wait3A_372 = arith.constant 0 : i32
      %dma_wait3A_373 = arith.constant 0 : i32
      %dma_wait3A_374 = tpu.memref_slice %dma_wait3A_371[%dma_wait3A_372, %dma_wait3A_373] : memref<10240x64xf32, #tpu.memory_space<hbm>> -> memref<10240x64xf32, #tpu.memory_space<hbm>>
      tpu.wait_indirect_dma semaphore(%arg11 : memref<!tpu.dma_semaphore, #tpu.memory_space<semaphore_mem>>) src(%dma_wait3A_374 : memref<10240x64xf32, #tpu.memory_space<hbm>>) dst(%dma_wait3A_364 : memref<128x64xf32, #tpu.memory_space<vmem>>)
      %dma_wait3A_375 = arith.constant 8 : i32
      %dma_wait3A_376 = arith.constant 1024 : i32
      %dma_wait3A_377 = arith.constant 0 : i32
      %dma_wait3A_378 = tpu.memref_slice %arg9[%dma_wait3A_376, %dma_wait3A_377] : memref<1280x64xf32, #tpu.memory_space<vmem>> -> memref<128x64xf32, #tpu.memory_space<vmem>>
      %dma_wait3A_379 = arith.constant 0 : i32
      %dma_wait3A_380 = tpu.memref_slice %arg7[%dma_wait3A_375, %dma_wait3A_379] : memref<10x128xi32, #tpu.memory_space<vmem>> -> memref<1x128xi32, #tpu.memory_space<vmem>>
      %dma_wait3A_381 = tpu.memref_squeeze %dma_wait3A_380 : memref<1x128xi32, #tpu.memory_space<vmem>> -> memref<128xi32, #tpu.memory_space<vmem>>
      %dma_wait3A_382 = arith.constant 0 : i32
      %dma_wait3A_383 = arith.constant 0 : i32
      %dma_wait3A_384 = tpu.memref_slice %arg2[%arg0, %dma_wait3A_382, %dma_wait3A_383] : memref<2x10240x64xf32, #tpu.memory_space<hbm>> -> memref<1x10240x64xf32, #tpu.memory_space<hbm>>
      %dma_wait3A_385 = tpu.memref_squeeze %dma_wait3A_384 : memref<1x10240x64xf32, #tpu.memory_space<hbm>> -> memref<10240x64xf32, #tpu.memory_space<hbm>>
      %dma_wait3A_386 = arith.constant 0 : i32
      %dma_wait3A_387 = arith.constant 0 : i32
      %dma_wait3A_388 = tpu.memref_slice %dma_wait3A_385[%dma_wait3A_386, %dma_wait3A_387] : memref<10240x64xf32, #tpu.memory_space<hbm>> -> memref<10240x64xf32, #tpu.memory_space<hbm>>
      tpu.wait_indirect_dma semaphore(%arg11 : memref<!tpu.dma_semaphore, #tpu.memory_space<semaphore_mem>>) src(%dma_wait3A_388 : memref<10240x64xf32, #tpu.memory_space<hbm>>) dst(%dma_wait3A_378 : memref<128x64xf32, #tpu.memory_space<vmem>>)
      %dma_wait3A_389 = arith.constant 9 : i32
      %dma_wait3A_390 = arith.constant 1152 : i32
      %dma_wait3A_391 = arith.constant 0 : i32
      %dma_wait3A_392 = tpu.memref_slice %arg9[%dma_wait3A_390, %dma_wait3A_391] : memref<1280x64xf32, #tpu.memory_space<vmem>> -> memref<128x64xf32, #tpu.memory_space<vmem>>
      %dma_wait3A_393 = arith.constant 0 : i32
      %dma_wait3A_394 = tpu.memref_slice %arg7[%dma_wait3A_389, %dma_wait3A_393] : memref<10x128xi32, #tpu.memory_space<vmem>> -> memref<1x128xi32, #tpu.memory_space<vmem>>
      %dma_wait3A_395 = tpu.memref_squeeze %dma_wait3A_394 : memref<1x128xi32, #tpu.memory_space<vmem>> -> memref<128xi32, #tpu.memory_space<vmem>>
      %dma_wait3A_396 = arith.constant 0 : i32
      %dma_wait3A_397 = arith.constant 0 : i32
      %dma_wait3A_398 = tpu.memref_slice %arg2[%arg0, %dma_wait3A_396, %dma_wait3A_397] : memref<2x10240x64xf32, #tpu.memory_space<hbm>> -> memref<1x10240x64xf32, #tpu.memory_space<hbm>>
      %dma_wait3A_399 = tpu.memref_squeeze %dma_wait3A_398 : memref<1x10240x64xf32, #tpu.memory_space<hbm>> -> memref<10240x64xf32, #tpu.memory_space<hbm>>
      %dma_wait3A_400 = arith.constant 0 : i32
      %dma_wait3A_401 = arith.constant 0 : i32
      %dma_wait3A_402 = tpu.memref_slice %dma_wait3A_399[%dma_wait3A_400, %dma_wait3A_401] : memref<10240x64xf32, #tpu.memory_space<hbm>> -> memref<10240x64xf32, #tpu.memory_space<hbm>>
      tpu.wait_indirect_dma semaphore(%arg11 : memref<!tpu.dma_semaphore, #tpu.memory_space<semaphore_mem>>) src(%dma_wait3A_402 : memref<10240x64xf32, #tpu.memory_space<hbm>>) dst(%dma_wait3A_392 : memref<128x64xf32, #tpu.memory_space<vmem>>)
      %add3A_403 = arith.constant 1 : i32
      %add3A_404 = arith.addi %add3A_131, %add3A_403 : i32
      %dma_start3A_405 = arith.constant 5 : i32
      %dma_start3A_406 = arith.constant 640 : i32
      %dma_start3A_407 = arith.constant 0 : i32
      %dma_start3A_408 = tpu.memref_slice %arg9[%dma_start3A_406, %dma_start3A_407] : memref<1280x64xf32, #tpu.memory_space<vmem>> -> memref<128x64xf32, #tpu.memory_space<vmem>>
      %dma_start3A_409 = arith.constant 0 : i32
      %dma_start3A_410 = tpu.memref_slice %arg8[%dma_start3A_405, %dma_start3A_409] : memref<10x128xi32, #tpu.memory_space<vmem>> -> memref<1x128xi32, #tpu.memory_space<vmem>>
      %dma_start3A_411 = tpu.memref_squeeze %dma_start3A_410 : memref<1x128xi32, #tpu.memory_space<vmem>> -> memref<128xi32, #tpu.memory_space<vmem>>
      %dma_start3A_412 = arith.constant 0 : i32
      %dma_start3A_413 = arith.constant 0 : i32
      %dma_start3A_414 = tpu.memref_slice %arg10[%dma_start3A_412, %dma_start3A_413] : memref<10240x64xf32, #tpu.memory_space<vmem_shared>> -> memref<10240x64xf32, #tpu.memory_space<vmem_shared>>
      tpu.enqueue_indirect_dma source(%dma_start3A_408 : memref<128x64xf32, #tpu.memory_space<vmem>>) target(%dma_start3A_414 : memref<10240x64xf32, #tpu.memory_space<vmem_shared>>) offsets(%dma_start3A_411 : memref<128xi32, #tpu.memory_space<vmem>>) semaphore(%arg12 : memref<!tpu.dma_semaphore, #tpu.memory_space<semaphore_mem>>) {add = true}
      %dma_start3A_415 = arith.constant 6 : i32
      %dma_start3A_416 = arith.constant 768 : i32
      %dma_start3A_417 = arith.constant 0 : i32
      %dma_start3A_418 = tpu.memref_slice %arg9[%dma_start3A_416, %dma_start3A_417] : memref<1280x64xf32, #tpu.memory_space<vmem>> -> memref<128x64xf32, #tpu.memory_space<vmem>>
      %dma_start3A_419 = arith.constant 0 : i32
      %dma_start3A_420 = tpu.memref_slice %arg8[%dma_start3A_415, %dma_start3A_419] : memref<10x128xi32, #tpu.memory_space<vmem>> -> memref<1x128xi32, #tpu.memory_space<vmem>>
      %dma_start3A_421 = tpu.memref_squeeze %dma_start3A_420 : memref<1x128xi32, #tpu.memory_space<vmem>> -> memref<128xi32, #tpu.memory_space<vmem>>
      %dma_start3A_422 = arith.constant 0 : i32
      %dma_start3A_423 = arith.constant 0 : i32
      %dma_start3A_424 = tpu.memref_slice %arg10[%dma_start3A_422, %dma_start3A_423] : memref<10240x64xf32, #tpu.memory_space<vmem_shared>> -> memref<10240x64xf32, #tpu.memory_space<vmem_shared>>
      tpu.enqueue_indirect_dma source(%dma_start3A_418 : memref<128x64xf32, #tpu.memory_space<vmem>>) target(%dma_start3A_424 : memref<10240x64xf32, #tpu.memory_space<vmem_shared>>) offsets(%dma_start3A_421 : memref<128xi32, #tpu.memory_space<vmem>>) semaphore(%arg12 : memref<!tpu.dma_semaphore, #tpu.memory_space<semaphore_mem>>) {add = true}
      %dma_start3A_425 = arith.constant 7 : i32
      %dma_start3A_426 = arith.constant 896 : i32
      %dma_start3A_427 = arith.constant 0 : i32
      %dma_start3A_428 = tpu.memref_slice %arg9[%dma_start3A_426, %dma_start3A_427] : memref<1280x64xf32, #tpu.memory_space<vmem>> -> memref<128x64xf32, #tpu.memory_space<vmem>>
      %dma_start3A_429 = arith.constant 0 : i32
      %dma_start3A_430 = tpu.memref_slice %arg8[%dma_start3A_425, %dma_start3A_429] : memref<10x128xi32, #tpu.memory_space<vmem>> -> memref<1x128xi32, #tpu.memory_space<vmem>>
      %dma_start3A_431 = tpu.memref_squeeze %dma_start3A_430 : memref<1x128xi32, #tpu.memory_space<vmem>> -> memref<128xi32, #tpu.memory_space<vmem>>
      %dma_start3A_432 = arith.constant 0 : i32
      %dma_start3A_433 = arith.constant 0 : i32
      %dma_start3A_434 = tpu.memref_slice %arg10[%dma_start3A_432, %dma_start3A_433] : memref<10240x64xf32, #tpu.memory_space<vmem_shared>> -> memref<10240x64xf32, #tpu.memory_space<vmem_shared>>
      tpu.enqueue_indirect_dma source(%dma_start3A_428 : memref<128x64xf32, #tpu.memory_space<vmem>>) target(%dma_start3A_434 : memref<10240x64xf32, #tpu.memory_space<vmem_shared>>) offsets(%dma_start3A_431 : memref<128xi32, #tpu.memory_space<vmem>>) semaphore(%arg12 : memref<!tpu.dma_semaphore, #tpu.memory_space<semaphore_mem>>) {add = true}
      %dma_start3A_435 = arith.constant 8 : i32
      %dma_start3A_436 = arith.constant 1024 : i32
      %dma_start3A_437 = arith.constant 0 : i32
      %dma_start3A_438 = tpu.memref_slice %arg9[%dma_start3A_436, %dma_start3A_437] : memref<1280x64xf32, #tpu.memory_space<vmem>> -> memref<128x64xf32, #tpu.memory_space<vmem>>
      %dma_start3A_439 = arith.constant 0 : i32
      %dma_start3A_440 = tpu.memref_slice %arg8[%dma_start3A_435, %dma_start3A_439] : memref<10x128xi32, #tpu.memory_space<vmem>> -> memref<1x128xi32, #tpu.memory_space<vmem>>
      %dma_start3A_441 = tpu.memref_squeeze %dma_start3A_440 : memref<1x128xi32, #tpu.memory_space<vmem>> -> memref<128xi32, #tpu.memory_space<vmem>>
      %dma_start3A_442 = arith.constant 0 : i32
      %dma_start3A_443 = arith.constant 0 : i32
      %dma_start3A_444 = tpu.memref_slice %arg10[%dma_start3A_442, %dma_start3A_443] : memref<10240x64xf32, #tpu.memory_space<vmem_shared>> -> memref<10240x64xf32, #tpu.memory_space<vmem_shared>>
      tpu.enqueue_indirect_dma source(%dma_start3A_438 : memref<128x64xf32, #tpu.memory_space<vmem>>) target(%dma_start3A_444 : memref<10240x64xf32, #tpu.memory_space<vmem_shared>>) offsets(%dma_start3A_441 : memref<128xi32, #tpu.memory_space<vmem>>) semaphore(%arg12 : memref<!tpu.dma_semaphore, #tpu.memory_space<semaphore_mem>>) {add = true}
      %dma_start3A_445 = arith.constant 9 : i32
      %dma_start3A_446 = arith.constant 1152 : i32
      %dma_start3A_447 = arith.constant 0 : i32
      %dma_start3A_448 = tpu.memref_slice %arg9[%dma_start3A_446, %dma_start3A_447] : memref<1280x64xf32, #tpu.memory_space<vmem>> -> memref<128x64xf32, #tpu.memory_space<vmem>>
      %dma_start3A_449 = arith.constant 0 : i32
      %dma_start3A_450 = tpu.memref_slice %arg8[%dma_start3A_445, %dma_start3A_449] : memref<10x128xi32, #tpu.memory_space<vmem>> -> memref<1x128xi32, #tpu.memory_space<vmem>>
      %dma_start3A_451 = tpu.memref_squeeze %dma_start3A_450 : memref<1x128xi32, #tpu.memory_space<vmem>> -> memref<128xi32, #tpu.memory_space<vmem>>
      %dma_start3A_452 = arith.constant 0 : i32
      %dma_start3A_453 = arith.constant 0 : i32
      %dma_start3A_454 = tpu.memref_slice %arg10[%dma_start3A_452, %dma_start3A_453] : memref<10240x64xf32, #tpu.memory_space<vmem_shared>> -> memref<10240x64xf32, #tpu.memory_space<vmem_shared>>
      tpu.enqueue_indirect_dma source(%dma_start3A_448 : memref<128x64xf32, #tpu.memory_space<vmem>>) target(%dma_start3A_454 : memref<10240x64xf32, #tpu.memory_space<vmem_shared>>) offsets(%dma_start3A_451 : memref<128xi32, #tpu.memory_space<vmem>>) semaphore(%arg12 : memref<!tpu.dma_semaphore, #tpu.memory_space<semaphore_mem>>) {add = true}
      %dma_wait3A_455 = arith.constant 0 : i32
      %dma_wait3A_456 = arith.constant 0 : i32
      %dma_wait3A_457 = arith.constant 0 : i32
      %dma_wait3A_458 = tpu.memref_slice %arg9[%dma_wait3A_456, %dma_wait3A_457] : memref<1280x64xf32, #tpu.memory_space<vmem>> -> memref<128x64xf32, #tpu.memory_space<vmem>>
      %dma_wait3A_459 = arith.constant 0 : i32
      %dma_wait3A_460 = tpu.memref_slice %arg8[%dma_wait3A_455, %dma_wait3A_459] : memref<10x128xi32, #tpu.memory_space<vmem>> -> memref<1x128xi32, #tpu.memory_space<vmem>>
      %dma_wait3A_461 = tpu.memref_squeeze %dma_wait3A_460 : memref<1x128xi32, #tpu.memory_space<vmem>> -> memref<128xi32, #tpu.memory_space<vmem>>
      %dma_wait3A_462 = arith.constant 0 : i32
      %dma_wait3A_463 = arith.constant 0 : i32
      %dma_wait3A_464 = tpu.memref_slice %arg10[%dma_wait3A_462, %dma_wait3A_463] : memref<10240x64xf32, #tpu.memory_space<vmem_shared>> -> memref<10240x64xf32, #tpu.memory_space<vmem_shared>>
      tpu.wait_indirect_dma semaphore(%arg12 : memref<!tpu.dma_semaphore, #tpu.memory_space<semaphore_mem>>) src(%dma_wait3A_458 : memref<128x64xf32, #tpu.memory_space<vmem>>) dst(%dma_wait3A_464 : memref<10240x64xf32, #tpu.memory_space<vmem_shared>>)
      %dma_wait3A_465 = arith.constant 1 : i32
      %dma_wait3A_466 = arith.constant 128 : i32
      %dma_wait3A_467 = arith.constant 0 : i32
      %dma_wait3A_468 = tpu.memref_slice %arg9[%dma_wait3A_466, %dma_wait3A_467] : memref<1280x64xf32, #tpu.memory_space<vmem>> -> memref<128x64xf32, #tpu.memory_space<vmem>>
      %dma_wait3A_469 = arith.constant 0 : i32
      %dma_wait3A_470 = tpu.memref_slice %arg8[%dma_wait3A_465, %dma_wait3A_469] : memref<10x128xi32, #tpu.memory_space<vmem>> -> memref<1x128xi32, #tpu.memory_space<vmem>>
      %dma_wait3A_471 = tpu.memref_squeeze %dma_wait3A_470 : memref<1x128xi32, #tpu.memory_space<vmem>> -> memref<128xi32, #tpu.memory_space<vmem>>
      %dma_wait3A_472 = arith.constant 0 : i32
      %dma_wait3A_473 = arith.constant 0 : i32
      %dma_wait3A_474 = tpu.memref_slice %arg10[%dma_wait3A_472, %dma_wait3A_473] : memref<10240x64xf32, #tpu.memory_space<vmem_shared>> -> memref<10240x64xf32, #tpu.memory_space<vmem_shared>>
      tpu.wait_indirect_dma semaphore(%arg12 : memref<!tpu.dma_semaphore, #tpu.memory_space<semaphore_mem>>) src(%dma_wait3A_468 : memref<128x64xf32, #tpu.memory_space<vmem>>) dst(%dma_wait3A_474 : memref<10240x64xf32, #tpu.memory_space<vmem_shared>>)
      %dma_wait3A_475 = arith.constant 2 : i32
      %dma_wait3A_476 = arith.constant 256 : i32
      %dma_wait3A_477 = arith.constant 0 : i32
      %dma_wait3A_478 = tpu.memref_slice %arg9[%dma_wait3A_476, %dma_wait3A_477] : memref<1280x64xf32, #tpu.memory_space<vmem>> -> memref<128x64xf32, #tpu.memory_space<vmem>>
      %dma_wait3A_479 = arith.constant 0 : i32
      %dma_wait3A_480 = tpu.memref_slice %arg8[%dma_wait3A_475, %dma_wait3A_479] : memref<10x128xi32, #tpu.memory_space<vmem>> -> memref<1x128xi32, #tpu.memory_space<vmem>>
      %dma_wait3A_481 = tpu.memref_squeeze %dma_wait3A_480 : memref<1x128xi32, #tpu.memory_space<vmem>> -> memref<128xi32, #tpu.memory_space<vmem>>
      %dma_wait3A_482 = arith.constant 0 : i32
      %dma_wait3A_483 = arith.constant 0 : i32
      %dma_wait3A_484 = tpu.memref_slice %arg10[%dma_wait3A_482, %dma_wait3A_483] : memref<10240x64xf32, #tpu.memory_space<vmem_shared>> -> memref<10240x64xf32, #tpu.memory_space<vmem_shared>>
      tpu.wait_indirect_dma semaphore(%arg12 : memref<!tpu.dma_semaphore, #tpu.memory_space<semaphore_mem>>) src(%dma_wait3A_478 : memref<128x64xf32, #tpu.memory_space<vmem>>) dst(%dma_wait3A_484 : memref<10240x64xf32, #tpu.memory_space<vmem_shared>>)
      %dma_wait3A_485 = arith.constant 3 : i32
      %dma_wait3A_486 = arith.constant 384 : i32
      %dma_wait3A_487 = arith.constant 0 : i32
      %dma_wait3A_488 = tpu.memref_slice %arg9[%dma_wait3A_486, %dma_wait3A_487] : memref<1280x64xf32, #tpu.memory_space<vmem>> -> memref<128x64xf32, #tpu.memory_space<vmem>>
      %dma_wait3A_489 = arith.constant 0 : i32
      %dma_wait3A_490 = tpu.memref_slice %arg8[%dma_wait3A_485, %dma_wait3A_489] : memref<10x128xi32, #tpu.memory_space<vmem>> -> memref<1x128xi32, #tpu.memory_space<vmem>>
      %dma_wait3A_491 = tpu.memref_squeeze %dma_wait3A_490 : memref<1x128xi32, #tpu.memory_space<vmem>> -> memref<128xi32, #tpu.memory_space<vmem>>
      %dma_wait3A_492 = arith.constant 0 : i32
      %dma_wait3A_493 = arith.constant 0 : i32
      %dma_wait3A_494 = tpu.memref_slice %arg10[%dma_wait3A_492, %dma_wait3A_493] : memref<10240x64xf32, #tpu.memory_space<vmem_shared>> -> memref<10240x64xf32, #tpu.memory_space<vmem_shared>>
      tpu.wait_indirect_dma semaphore(%arg12 : memref<!tpu.dma_semaphore, #tpu.memory_space<semaphore_mem>>) src(%dma_wait3A_488 : memref<128x64xf32, #tpu.memory_space<vmem>>) dst(%dma_wait3A_494 : memref<10240x64xf32, #tpu.memory_space<vmem_shared>>)
      %dma_wait3A_495 = arith.constant 4 : i32
      %dma_wait3A_496 = arith.constant 512 : i32
      %dma_wait3A_497 = arith.constant 0 : i32
      %dma_wait3A_498 = tpu.memref_slice %arg9[%dma_wait3A_496, %dma_wait3A_497] : memref<1280x64xf32, #tpu.memory_space<vmem>> -> memref<128x64xf32, #tpu.memory_space<vmem>>
      %dma_wait3A_499 = arith.constant 0 : i32
      %dma_wait3A_500 = tpu.memref_slice %arg8[%dma_wait3A_495, %dma_wait3A_499] : memref<10x128xi32, #tpu.memory_space<vmem>> -> memref<1x128xi32, #tpu.memory_space<vmem>>
      %dma_wait3A_501 = tpu.memref_squeeze %dma_wait3A_500 : memref<1x128xi32, #tpu.memory_space<vmem>> -> memref<128xi32, #tpu.memory_space<vmem>>
      %dma_wait3A_502 = arith.constant 0 : i32
      %dma_wait3A_503 = arith.constant 0 : i32
      %dma_wait3A_504 = tpu.memref_slice %arg10[%dma_wait3A_502, %dma_wait3A_503] : memref<10240x64xf32, #tpu.memory_space<vmem_shared>> -> memref<10240x64xf32, #tpu.memory_space<vmem_shared>>
      tpu.wait_indirect_dma semaphore(%arg12 : memref<!tpu.dma_semaphore, #tpu.memory_space<semaphore_mem>>) src(%dma_wait3A_498 : memref<128x64xf32, #tpu.memory_space<vmem>>) dst(%dma_wait3A_504 : memref<10240x64xf32, #tpu.memory_space<vmem_shared>>)
      %add3A_505 = arith.constant 2 : i32
      %add3A_506 = arith.addi %add3A_131, %add3A_505 : i32
      %lt3A = arith.constant 32 : i32
      %lt3A_507 = arith.cmpi slt, %add3A_506, %lt3A : i32
      %convert_element_type3A_508 = arith.extui %lt3A_507 : i1 to i32
      %cond3A_509 = arith.constant 0 : i32
      %cond3A_510 = arith.cmpi ne, %convert_element_type3A_508, %cond3A_509 : i32
      scf.if %cond3A_510 {
        %add3A_511 = arith.constant 2 : i32
        %add3A_512 = arith.addi %add3A_131, %add3A_511 : i32
        %mul3A_513 = arith.constant 5 : i32
        %mul3A_514 = arith.muli %add3A_512, %mul3A_513 : i32
        %add3A_515 = arith.addi %mul3A_2, %mul3A_514 : i32
        "tpu.region"() ({
          %run_scoped3A = tpu.sem_alloc : memref<!tpu.dma_semaphore, #tpu.memory_space<semaphore_mem>>
          %dma_start3A_588 = arith.constant 0 : i32
          %dma_start3A_589 = arith.constant 0 : i32
          %dma_start3A_590 = tpu.memref_slice %arg7[%dma_start3A_588, %dma_start3A_589] : memref<10x128xi32, #tpu.memory_space<vmem>> -> memref<5x128xi32, #tpu.memory_space<vmem>>
          %dma_start3A_591 = arith.constant 0 : i32
          %dma_start3A_592 = tpu.memref_slice %arg3[%add3A_515, %dma_start3A_591] : memref<2560x128xi32, #tpu.memory_space<hbm>> -> memref<5x128xi32, #tpu.memory_space<hbm>>
          %dma_start3A_593 = arith.constant 0 : i32
          %dma_start3A_594 = arith.constant 0 : i32
          %dma_start3A_595 = tpu.memref_slice %arg7[%dma_start3A_593, %dma_start3A_594] : memref<10x128xi32, #tpu.memory_space<vmem>> -> memref<5x128xi32, #tpu.memory_space<vmem>>
          %dma_start3A_596 = arith.constant 0 : i32
          %dma_start3A_597 = tpu.memref_slice %arg3[%add3A_515, %dma_start3A_596] : memref<2560x128xi32, #tpu.memory_space<hbm>> -> memref<5x128xi32, #tpu.memory_space<hbm>>
          tpu.enqueue_dma source(%dma_start3A_597 : memref<5x128xi32, #tpu.memory_space<hbm>>) target(%dma_start3A_595 : memref<5x128xi32, #tpu.memory_space<vmem>>) target_semaphore(%run_scoped3A : memref<!tpu.dma_semaphore, #tpu.memory_space<semaphore_mem>>)
          %dma_wait3A_598 = arith.constant 0 : i32
          %dma_wait3A_599 = arith.constant 0 : i32
          %dma_wait3A_600 = tpu.memref_slice %arg7[%dma_wait3A_598, %dma_wait3A_599] : memref<10x128xi32, #tpu.memory_space<vmem>> -> memref<5x128xi32, #tpu.memory_space<vmem>>
          %dma_wait3A_601 = arith.constant 0 : i32
          %dma_wait3A_602 = tpu.memref_slice %arg3[%add3A_515, %dma_wait3A_601] : memref<2560x128xi32, #tpu.memory_space<hbm>> -> memref<5x128xi32, #tpu.memory_space<hbm>>
          %dma_wait3A_603 = arith.constant 0 : i32
          %dma_wait3A_604 = arith.constant 0 : i32
          %dma_wait3A_605 = tpu.memref_slice %arg7[%dma_wait3A_603, %dma_wait3A_604] : memref<10x128xi32, #tpu.memory_space<vmem>> -> memref<5x128xi32, #tpu.memory_space<vmem>>
          %dma_wait3A_606 = arith.constant 0 : i32
          %dma_wait3A_607 = tpu.memref_slice %arg3[%add3A_515, %dma_wait3A_606] : memref<2560x128xi32, #tpu.memory_space<hbm>> -> memref<5x128xi32, #tpu.memory_space<hbm>>
          tpu.wait_dma2 semaphore(%run_scoped3A : memref<!tpu.dma_semaphore, #tpu.memory_space<semaphore_mem>>) src(%dma_wait3A_607 : memref<5x128xi32, #tpu.memory_space<hbm>>) dst(%dma_wait3A_605 : memref<5x128xi32, #tpu.memory_space<vmem>>)
          tpu.yield
        }) : () -> ()
        "tpu.region"() ({
          %run_scoped3A = tpu.sem_alloc : memref<!tpu.dma_semaphore, #tpu.memory_space<semaphore_mem>>
          %dma_start3A_588 = arith.constant 0 : i32
          %dma_start3A_589 = arith.constant 0 : i32
          %dma_start3A_590 = tpu.memref_slice %arg8[%dma_start3A_588, %dma_start3A_589] : memref<10x128xi32, #tpu.memory_space<vmem>> -> memref<5x128xi32, #tpu.memory_space<vmem>>
          %dma_start3A_591 = arith.constant 0 : i32
          %dma_start3A_592 = tpu.memref_slice %arg4[%add3A_515, %dma_start3A_591] : memref<2560x128xi32, #tpu.memory_space<hbm>> -> memref<5x128xi32, #tpu.memory_space<hbm>>
          %dma_start3A_593 = arith.constant 0 : i32
          %dma_start3A_594 = arith.constant 0 : i32
          %dma_start3A_595 = tpu.memref_slice %arg8[%dma_start3A_593, %dma_start3A_594] : memref<10x128xi32, #tpu.memory_space<vmem>> -> memref<5x128xi32, #tpu.memory_space<vmem>>
          %dma_start3A_596 = arith.constant 0 : i32
          %dma_start3A_597 = tpu.memref_slice %arg4[%add3A_515, %dma_start3A_596] : memref<2560x128xi32, #tpu.memory_space<hbm>> -> memref<5x128xi32, #tpu.memory_space<hbm>>
          tpu.enqueue_dma source(%dma_start3A_597 : memref<5x128xi32, #tpu.memory_space<hbm>>) target(%dma_start3A_595 : memref<5x128xi32, #tpu.memory_space<vmem>>) target_semaphore(%run_scoped3A : memref<!tpu.dma_semaphore, #tpu.memory_space<semaphore_mem>>)
          %dma_wait3A_598 = arith.constant 0 : i32
          %dma_wait3A_599 = arith.constant 0 : i32
          %dma_wait3A_600 = tpu.memref_slice %arg8[%dma_wait3A_598, %dma_wait3A_599] : memref<10x128xi32, #tpu.memory_space<vmem>> -> memref<5x128xi32, #tpu.memory_space<vmem>>
          %dma_wait3A_601 = arith.constant 0 : i32
          %dma_wait3A_602 = tpu.memref_slice %arg4[%add3A_515, %dma_wait3A_601] : memref<2560x128xi32, #tpu.memory_space<hbm>> -> memref<5x128xi32, #tpu.memory_space<hbm>>
          %dma_wait3A_603 = arith.constant 0 : i32
          %dma_wait3A_604 = arith.constant 0 : i32
          %dma_wait3A_605 = tpu.memref_slice %arg8[%dma_wait3A_603, %dma_wait3A_604] : memref<10x128xi32, #tpu.memory_space<vmem>> -> memref<5x128xi32, #tpu.memory_space<vmem>>
          %dma_wait3A_606 = arith.constant 0 : i32
          %dma_wait3A_607 = tpu.memref_slice %arg4[%add3A_515, %dma_wait3A_606] : memref<2560x128xi32, #tpu.memory_space<hbm>> -> memref<5x128xi32, #tpu.memory_space<hbm>>
          tpu.wait_dma2 semaphore(%run_scoped3A : memref<!tpu.dma_semaphore, #tpu.memory_space<semaphore_mem>>) src(%dma_wait3A_607 : memref<5x128xi32, #tpu.memory_space<hbm>>) dst(%dma_wait3A_605 : memref<5x128xi32, #tpu.memory_space<vmem>>)
          tpu.yield
        }) : () -> ()
        %add3A_516 = arith.constant 2 : i32
        %add3A_517 = arith.addi %add3A_131, %add3A_516 : i32
        %dma_start3A_518 = arith.constant 0 : i32
        %dma_start3A_519 = arith.constant 0 : i32
        %dma_start3A_520 = arith.constant 0 : i32
        %dma_start3A_521 = tpu.memref_slice %arg9[%dma_start3A_519, %dma_start3A_520] : memref<1280x64xf32, #tpu.memory_space<vmem>> -> memref<128x64xf32, #tpu.memory_space<vmem>>
        %dma_start3A_522 = arith.constant 0 : i32
        %dma_start3A_523 = tpu.memref_slice %arg7[%dma_start3A_518, %dma_start3A_522] : memref<10x128xi32, #tpu.memory_space<vmem>> -> memref<1x128xi32, #tpu.memory_space<vmem>>
        %dma_start3A_524 = tpu.memref_squeeze %dma_start3A_523 : memref<1x128xi32, #tpu.memory_space<vmem>> -> memref<128xi32, #tpu.memory_space<vmem>>
        %dma_start3A_525 = arith.constant 0 : i32
        %dma_start3A_526 = arith.constant 0 : i32
        %dma_start3A_527 = tpu.memref_slice %arg2[%arg0, %dma_start3A_525, %dma_start3A_526] : memref<2x10240x64xf32, #tpu.memory_space<hbm>> -> memref<1x10240x64xf32, #tpu.memory_space<hbm>>
        %dma_start3A_528 = tpu.memref_squeeze %dma_start3A_527 : memref<1x10240x64xf32, #tpu.memory_space<hbm>> -> memref<10240x64xf32, #tpu.memory_space<hbm>>
        %dma_start3A_529 = arith.constant 0 : i32
        %dma_start3A_530 = arith.constant 0 : i32
        %dma_start3A_531 = tpu.memref_slice %dma_start3A_528[%dma_start3A_529, %dma_start3A_530] : memref<10240x64xf32, #tpu.memory_space<hbm>> -> memref<10240x64xf32, #tpu.memory_space<hbm>>
        tpu.enqueue_indirect_dma source(%dma_start3A_531 : memref<10240x64xf32, #tpu.memory_space<hbm>>) target(%dma_start3A_521 : memref<128x64xf32, #tpu.memory_space<vmem>>) offsets(%dma_start3A_524 : memref<128xi32, #tpu.memory_space<vmem>>) semaphore(%arg11 : memref<!tpu.dma_semaphore, #tpu.memory_space<semaphore_mem>>)
        %dma_start3A_532 = arith.constant 1 : i32
        %dma_start3A_533 = arith.constant 128 : i32
        %dma_start3A_534 = arith.constant 0 : i32
        %dma_start3A_535 = tpu.memref_slice %arg9[%dma_start3A_533, %dma_start3A_534] : memref<1280x64xf32, #tpu.memory_space<vmem>> -> memref<128x64xf32, #tpu.memory_space<vmem>>
        %dma_start3A_536 = arith.constant 0 : i32
        %dma_start3A_537 = tpu.memref_slice %arg7[%dma_start3A_532, %dma_start3A_536] : memref<10x128xi32, #tpu.memory_space<vmem>> -> memref<1x128xi32, #tpu.memory_space<vmem>>
        %dma_start3A_538 = tpu.memref_squeeze %dma_start3A_537 : memref<1x128xi32, #tpu.memory_space<vmem>> -> memref<128xi32, #tpu.memory_space<vmem>>
        %dma_start3A_539 = arith.constant 0 : i32
        %dma_start3A_540 = arith.constant 0 : i32
        %dma_start3A_541 = tpu.memref_slice %arg2[%arg0, %dma_start3A_539, %dma_start3A_540] : memref<2x10240x64xf32, #tpu.memory_space<hbm>> -> memref<1x10240x64xf32, #tpu.memory_space<hbm>>
        %dma_start3A_542 = tpu.memref_squeeze %dma_start3A_541 : memref<1x10240x64xf32, #tpu.memory_space<hbm>> -> memref<10240x64xf32, #tpu.memory_space<hbm>>
        %dma_start3A_543 = arith.constant 0 : i32
        %dma_start3A_544 = arith.constant 0 : i32
        %dma_start3A_545 = tpu.memref_slice %dma_start3A_542[%dma_start3A_543, %dma_start3A_544] : memref<10240x64xf32, #tpu.memory_space<hbm>> -> memref<10240x64xf32, #tpu.memory_space<hbm>>
        tpu.enqueue_indirect_dma source(%dma_start3A_545 : memref<10240x64xf32, #tpu.memory_space<hbm>>) target(%dma_start3A_535 : memref<128x64xf32, #tpu.memory_space<vmem>>) offsets(%dma_start3A_538 : memref<128xi32, #tpu.memory_space<vmem>>) semaphore(%arg11 : memref<!tpu.dma_semaphore, #tpu.memory_space<semaphore_mem>>)
        %dma_start3A_546 = arith.constant 2 : i32
        %dma_start3A_547 = arith.constant 256 : i32
        %dma_start3A_548 = arith.constant 0 : i32
        %dma_start3A_549 = tpu.memref_slice %arg9[%dma_start3A_547, %dma_start3A_548] : memref<1280x64xf32, #tpu.memory_space<vmem>> -> memref<128x64xf32, #tpu.memory_space<vmem>>
        %dma_start3A_550 = arith.constant 0 : i32
        %dma_start3A_551 = tpu.memref_slice %arg7[%dma_start3A_546, %dma_start3A_550] : memref<10x128xi32, #tpu.memory_space<vmem>> -> memref<1x128xi32, #tpu.memory_space<vmem>>
        %dma_start3A_552 = tpu.memref_squeeze %dma_start3A_551 : memref<1x128xi32, #tpu.memory_space<vmem>> -> memref<128xi32, #tpu.memory_space<vmem>>
        %dma_start3A_553 = arith.constant 0 : i32
        %dma_start3A_554 = arith.constant 0 : i32
        %dma_start3A_555 = tpu.memref_slice %arg2[%arg0, %dma_start3A_553, %dma_start3A_554] : memref<2x10240x64xf32, #tpu.memory_space<hbm>> -> memref<1x10240x64xf32, #tpu.memory_space<hbm>>
        %dma_start3A_556 = tpu.memref_squeeze %dma_start3A_555 : memref<1x10240x64xf32, #tpu.memory_space<hbm>> -> memref<10240x64xf32, #tpu.memory_space<hbm>>
        %dma_start3A_557 = arith.constant 0 : i32
        %dma_start3A_558 = arith.constant 0 : i32
        %dma_start3A_559 = tpu.memref_slice %dma_start3A_556[%dma_start3A_557, %dma_start3A_558] : memref<10240x64xf32, #tpu.memory_space<hbm>> -> memref<10240x64xf32, #tpu.memory_space<hbm>>
        tpu.enqueue_indirect_dma source(%dma_start3A_559 : memref<10240x64xf32, #tpu.memory_space<hbm>>) target(%dma_start3A_549 : memref<128x64xf32, #tpu.memory_space<vmem>>) offsets(%dma_start3A_552 : memref<128xi32, #tpu.memory_space<vmem>>) semaphore(%arg11 : memref<!tpu.dma_semaphore, #tpu.memory_space<semaphore_mem>>)
        %dma_start3A_560 = arith.constant 3 : i32
        %dma_start3A_561 = arith.constant 384 : i32
        %dma_start3A_562 = arith.constant 0 : i32
        %dma_start3A_563 = tpu.memref_slice %arg9[%dma_start3A_561, %dma_start3A_562] : memref<1280x64xf32, #tpu.memory_space<vmem>> -> memref<128x64xf32, #tpu.memory_space<vmem>>
        %dma_start3A_564 = arith.constant 0 : i32
        %dma_start3A_565 = tpu.memref_slice %arg7[%dma_start3A_560, %dma_start3A_564] : memref<10x128xi32, #tpu.memory_space<vmem>> -> memref<1x128xi32, #tpu.memory_space<vmem>>
        %dma_start3A_566 = tpu.memref_squeeze %dma_start3A_565 : memref<1x128xi32, #tpu.memory_space<vmem>> -> memref<128xi32, #tpu.memory_space<vmem>>
        %dma_start3A_567 = arith.constant 0 : i32
        %dma_start3A_568 = arith.constant 0 : i32
        %dma_start3A_569 = tpu.memref_slice %arg2[%arg0, %dma_start3A_567, %dma_start3A_568] : memref<2x10240x64xf32, #tpu.memory_space<hbm>> -> memref<1x10240x64xf32, #tpu.memory_space<hbm>>
        %dma_start3A_570 = tpu.memref_squeeze %dma_start3A_569 : memref<1x10240x64xf32, #tpu.memory_space<hbm>> -> memref<10240x64xf32, #tpu.memory_space<hbm>>
        %dma_start3A_571 = arith.constant 0 : i32
        %dma_start3A_572 = arith.constant 0 : i32
        %dma_start3A_573 = tpu.memref_slice %dma_start3A_570[%dma_start3A_571, %dma_start3A_572] : memref<10240x64xf32, #tpu.memory_space<hbm>> -> memref<10240x64xf32, #tpu.memory_space<hbm>>
        tpu.enqueue_indirect_dma source(%dma_start3A_573 : memref<10240x64xf32, #tpu.memory_space<hbm>>) target(%dma_start3A_563 : memref<128x64xf32, #tpu.memory_space<vmem>>) offsets(%dma_start3A_566 : memref<128xi32, #tpu.memory_space<vmem>>) semaphore(%arg11 : memref<!tpu.dma_semaphore, #tpu.memory_space<semaphore_mem>>)
        %dma_start3A_574 = arith.constant 4 : i32
        %dma_start3A_575 = arith.constant 512 : i32
        %dma_start3A_576 = arith.constant 0 : i32
        %dma_start3A_577 = tpu.memref_slice %arg9[%dma_start3A_575, %dma_start3A_576] : memref<1280x64xf32, #tpu.memory_space<vmem>> -> memref<128x64xf32, #tpu.memory_space<vmem>>
        %dma_start3A_578 = arith.constant 0 : i32
        %dma_start3A_579 = tpu.memref_slice %arg7[%dma_start3A_574, %dma_start3A_578] : memref<10x128xi32, #tpu.memory_space<vmem>> -> memref<1x128xi32, #tpu.memory_space<vmem>>
        %dma_start3A_580 = tpu.memref_squeeze %dma_start3A_579 : memref<1x128xi32, #tpu.memory_space<vmem>> -> memref<128xi32, #tpu.memory_space<vmem>>
        %dma_start3A_581 = arith.constant 0 : i32
        %dma_start3A_582 = arith.constant 0 : i32
        %dma_start3A_583 = tpu.memref_slice %arg2[%arg0, %dma_start3A_581, %dma_start3A_582] : memref<2x10240x64xf32, #tpu.memory_space<hbm>> -> memref<1x10240x64xf32, #tpu.memory_space<hbm>>
        %dma_start3A_584 = tpu.memref_squeeze %dma_start3A_583 : memref<1x10240x64xf32, #tpu.memory_space<hbm>> -> memref<10240x64xf32, #tpu.memory_space<hbm>>
        %dma_start3A_585 = arith.constant 0 : i32
        %dma_start3A_586 = arith.constant 0 : i32
        %dma_start3A_587 = tpu.memref_slice %dma_start3A_584[%dma_start3A_585, %dma_start3A_586] : memref<10240x64xf32, #tpu.memory_space<hbm>> -> memref<10240x64xf32, #tpu.memory_space<hbm>>
        tpu.enqueue_indirect_dma source(%dma_start3A_587 : memref<10240x64xf32, #tpu.memory_space<hbm>>) target(%dma_start3A_577 : memref<128x64xf32, #tpu.memory_space<vmem>>) offsets(%dma_start3A_580 : memref<128xi32, #tpu.memory_space<vmem>>) semaphore(%arg11 : memref<!tpu.dma_semaphore, #tpu.memory_space<semaphore_mem>>)
      } else {
      }
    }
    %scan3A_76 = arith.constant 16 : i32
    %dma_wait3A = arith.constant 5 : i32
    %dma_wait3A_77 = arith.constant 640 : i32
    %dma_wait3A_78 = arith.constant 0 : i32
    %dma_wait3A_79 = tpu.memref_slice %arg9[%dma_wait3A_77, %dma_wait3A_78] : memref<1280x64xf32, #tpu.memory_space<vmem>> -> memref<128x64xf32, #tpu.memory_space<vmem>>
    %dma_wait3A_80 = arith.constant 0 : i32
    %dma_wait3A_81 = tpu.memref_slice %arg8[%dma_wait3A, %dma_wait3A_80] : memref<10x128xi32, #tpu.memory_space<vmem>> -> memref<1x128xi32, #tpu.memory_space<vmem>>
    %dma_wait3A_82 = tpu.memref_squeeze %dma_wait3A_81 : memref<1x128xi32, #tpu.memory_space<vmem>> -> memref<128xi32, #tpu.memory_space<vmem>>
    %dma_wait3A_83 = arith.constant 0 : i32
    %dma_wait3A_84 = arith.constant 0 : i32
    %dma_wait3A_85 = tpu.memref_slice %arg10[%dma_wait3A_83, %dma_wait3A_84] : memref<10240x64xf32, #tpu.memory_space<vmem_shared>> -> memref<10240x64xf32, #tpu.memory_space<vmem_shared>>
    tpu.wait_indirect_dma semaphore(%arg12 : memref<!tpu.dma_semaphore, #tpu.memory_space<semaphore_mem>>) src(%dma_wait3A_79 : memref<128x64xf32, #tpu.memory_space<vmem>>) dst(%dma_wait3A_85 : memref<10240x64xf32, #tpu.memory_space<vmem_shared>>)
    %dma_wait3A_86 = arith.constant 6 : i32
    %dma_wait3A_87 = arith.constant 768 : i32
    %dma_wait3A_88 = arith.constant 0 : i32
    %dma_wait3A_89 = tpu.memref_slice %arg9[%dma_wait3A_87, %dma_wait3A_88] : memref<1280x64xf32, #tpu.memory_space<vmem>> -> memref<128x64xf32, #tpu.memory_space<vmem>>
    %dma_wait3A_90 = arith.constant 0 : i32
    %dma_wait3A_91 = tpu.memref_slice %arg8[%dma_wait3A_86, %dma_wait3A_90] : memref<10x128xi32, #tpu.memory_space<vmem>> -> memref<1x128xi32, #tpu.memory_space<vmem>>
    %dma_wait3A_92 = tpu.memref_squeeze %dma_wait3A_91 : memref<1x128xi32, #tpu.memory_space<vmem>> -> memref<128xi32, #tpu.memory_space<vmem>>
    %dma_wait3A_93 = arith.constant 0 : i32
    %dma_wait3A_94 = arith.constant 0 : i32
    %dma_wait3A_95 = tpu.memref_slice %arg10[%dma_wait3A_93, %dma_wait3A_94] : memref<10240x64xf32, #tpu.memory_space<vmem_shared>> -> memref<10240x64xf32, #tpu.memory_space<vmem_shared>>
    tpu.wait_indirect_dma semaphore(%arg12 : memref<!tpu.dma_semaphore, #tpu.memory_space<semaphore_mem>>) src(%dma_wait3A_89 : memref<128x64xf32, #tpu.memory_space<vmem>>) dst(%dma_wait3A_95 : memref<10240x64xf32, #tpu.memory_space<vmem_shared>>)
    %dma_wait3A_96 = arith.constant 7 : i32
    %dma_wait3A_97 = arith.constant 896 : i32
    %dma_wait3A_98 = arith.constant 0 : i32
    %dma_wait3A_99 = tpu.memref_slice %arg9[%dma_wait3A_97, %dma_wait3A_98] : memref<1280x64xf32, #tpu.memory_space<vmem>> -> memref<128x64xf32, #tpu.memory_space<vmem>>
    %dma_wait3A_100 = arith.constant 0 : i32
    %dma_wait3A_101 = tpu.memref_slice %arg8[%dma_wait3A_96, %dma_wait3A_100] : memref<10x128xi32, #tpu.memory_space<vmem>> -> memref<1x128xi32, #tpu.memory_space<vmem>>
    %dma_wait3A_102 = tpu.memref_squeeze %dma_wait3A_101 : memref<1x128xi32, #tpu.memory_space<vmem>> -> memref<128xi32, #tpu.memory_space<vmem>>
    %dma_wait3A_103 = arith.constant 0 : i32
    %dma_wait3A_104 = arith.constant 0 : i32
    %dma_wait3A_105 = tpu.memref_slice %arg10[%dma_wait3A_103, %dma_wait3A_104] : memref<10240x64xf32, #tpu.memory_space<vmem_shared>> -> memref<10240x64xf32, #tpu.memory_space<vmem_shared>>
    tpu.wait_indirect_dma semaphore(%arg12 : memref<!tpu.dma_semaphore, #tpu.memory_space<semaphore_mem>>) src(%dma_wait3A_99 : memref<128x64xf32, #tpu.memory_space<vmem>>) dst(%dma_wait3A_105 : memref<10240x64xf32, #tpu.memory_space<vmem_shared>>)
    %dma_wait3A_106 = arith.constant 8 : i32
    %dma_wait3A_107 = arith.constant 1024 : i32
    %dma_wait3A_108 = arith.constant 0 : i32
    %dma_wait3A_109 = tpu.memref_slice %arg9[%dma_wait3A_107, %dma_wait3A_108] : memref<1280x64xf32, #tpu.memory_space<vmem>> -> memref<128x64xf32, #tpu.memory_space<vmem>>
    %dma_wait3A_110 = arith.constant 0 : i32
    %dma_wait3A_111 = tpu.memref_slice %arg8[%dma_wait3A_106, %dma_wait3A_110] : memref<10x128xi32, #tpu.memory_space<vmem>> -> memref<1x128xi32, #tpu.memory_space<vmem>>
    %dma_wait3A_112 = tpu.memref_squeeze %dma_wait3A_111 : memref<1x128xi32, #tpu.memory_space<vmem>> -> memref<128xi32, #tpu.memory_space<vmem>>
    %dma_wait3A_113 = arith.constant 0 : i32
    %dma_wait3A_114 = arith.constant 0 : i32
    %dma_wait3A_115 = tpu.memref_slice %arg10[%dma_wait3A_113, %dma_wait3A_114] : memref<10240x64xf32, #tpu.memory_space<vmem_shared>> -> memref<10240x64xf32, #tpu.memory_space<vmem_shared>>
    tpu.wait_indirect_dma semaphore(%arg12 : memref<!tpu.dma_semaphore, #tpu.memory_space<semaphore_mem>>) src(%dma_wait3A_109 : memref<128x64xf32, #tpu.memory_space<vmem>>) dst(%dma_wait3A_115 : memref<10240x64xf32, #tpu.memory_space<vmem_shared>>)
    %dma_wait3A_116 = arith.constant 9 : i32
    %dma_wait3A_117 = arith.constant 1152 : i32
    %dma_wait3A_118 = arith.constant 0 : i32
    %dma_wait3A_119 = tpu.memref_slice %arg9[%dma_wait3A_117, %dma_wait3A_118] : memref<1280x64xf32, #tpu.memory_space<vmem>> -> memref<128x64xf32, #tpu.memory_space<vmem>>
    %dma_wait3A_120 = arith.constant 0 : i32
    %dma_wait3A_121 = tpu.memref_slice %arg8[%dma_wait3A_116, %dma_wait3A_120] : memref<10x128xi32, #tpu.memory_space<vmem>> -> memref<1x128xi32, #tpu.memory_space<vmem>>
    %dma_wait3A_122 = tpu.memref_squeeze %dma_wait3A_121 : memref<1x128xi32, #tpu.memory_space<vmem>> -> memref<128xi32, #tpu.memory_space<vmem>>
    %dma_wait3A_123 = arith.constant 0 : i32
    %dma_wait3A_124 = arith.constant 0 : i32
    %dma_wait3A_125 = tpu.memref_slice %arg10[%dma_wait3A_123, %dma_wait3A_124] : memref<10240x64xf32, #tpu.memory_space<vmem_shared>> -> memref<10240x64xf32, #tpu.memory_space<vmem_shared>>
    tpu.wait_indirect_dma semaphore(%arg12 : memref<!tpu.dma_semaphore, #tpu.memory_space<semaphore_mem>>) src(%dma_wait3A_119 : memref<128x64xf32, #tpu.memory_space<vmem>>) dst(%dma_wait3A_125 : memref<10240x64xf32, #tpu.memory_space<vmem_shared>>)
    %barrier3A_126 = arith.constant 0 : index
    tpu.barrier barrier_id(%barrier3A_126)
    "tpu.region"() ({
      %run_scoped3A = tpu.sem_alloc : memref<!tpu.dma_semaphore, #tpu.memory_space<semaphore_mem>>
      %dma_start3A_127 = arith.constant 0 : i32
      %dma_start3A_128 = tpu.memref_slice %arg6[%arg0, %mul3A_0, %dma_start3A_127] : memref<2x10240x64xf32, #tpu.memory_space<hbm>> -> memref<1x640x64xf32, #tpu.memory_space<hbm>>
      %dma_start3A_129 = tpu.memref_squeeze %dma_start3A_128 : memref<1x640x64xf32, #tpu.memory_space<hbm>> -> memref<640x64xf32, #tpu.memory_space<hbm>>
      %dma_start3A_130 = arith.constant 0 : i32
      %dma_start3A_131 = tpu.memref_slice %arg10[%mul3A_0, %dma_start3A_130] : memref<10240x64xf32, #tpu.memory_space<vmem_shared>> -> memref<640x64xf32, #tpu.memory_space<vmem_shared>>
      tpu.enqueue_dma source(%dma_start3A_131 : memref<640x64xf32, #tpu.memory_space<vmem_shared>>) target(%dma_start3A_129 : memref<640x64xf32, #tpu.memory_space<hbm>>) target_semaphore(%run_scoped3A : memref<!tpu.dma_semaphore, #tpu.memory_space<semaphore_mem>>)
      %dma_wait3A_132 = arith.constant 0 : i32
      %dma_wait3A_133 = tpu.memref_slice %arg6[%arg0, %mul3A_0, %dma_wait3A_132] : memref<2x10240x64xf32, #tpu.memory_space<hbm>> -> memref<1x640x64xf32, #tpu.memory_space<hbm>>
      %dma_wait3A_134 = tpu.memref_squeeze %dma_wait3A_133 : memref<1x640x64xf32, #tpu.memory_space<hbm>> -> memref<640x64xf32, #tpu.memory_space<hbm>>
      %dma_wait3A_135 = arith.constant 0 : i32
      %dma_wait3A_136 = tpu.memref_slice %arg10[%mul3A_0, %dma_wait3A_135] : memref<10240x64xf32, #tpu.memory_space<vmem_shared>> -> memref<640x64xf32, #tpu.memory_space<vmem_shared>>
      tpu.wait_dma2 semaphore(%run_scoped3A : memref<!tpu.dma_semaphore, #tpu.memory_space<semaphore_mem>>) src(%dma_wait3A_136 : memref<640x64xf32, #tpu.memory_space<vmem_shared>>) dst(%dma_wait3A_134 : memref<640x64xf32, #tpu.memory_space<hbm>>)
      tpu.yield
    }) : () -> ()
    return
  }
}

#map = affine_map<(d0, d1) -> (0, 0)>
#map1 = affine_map<(d0, d1) -> (0, 0, 0)>
module attributes {stable_mosaic.version = 14 : i64} {
  func.func @body(%arg0: i32, %arg1: i32, %arg2: memref<2560x128xi32, #tpu.memory_space<hbm>>, %arg3: memref<640x16xf32, #tpu.memory_space<hbm>>, %arg4: memref<128x16xf32, #tpu.memory_space<hbm>>, %arg5: memref<2x10240x16xf32, #tpu.memory_space<hbm>>, %arg6: memref<80x128xi32, #tpu.memory_space<vmem>>, %arg7: memref<128x16xf32, #tpu.memory_space<vmem>>, %arg8: memref<10240x16xf32, #tpu.memory_space<vmem_shared>>, %arg9: memref<!tpu.dma_semaphore, #tpu.memory_space<semaphore_mem>>) attributes {dimension_semantics = [#tpu.dimension_semantics<core_parallel>, #tpu.dimension_semantics<subcore_parallel>], iteration_bounds = array<i64: 2, 16>, scalar_prefetch = 0 : i64, scratch_operands = 4 : i64, tpu.core_type = #tpu.core_type<sc_vector_subcore>, window_params = [{transform_indices = #map}, {transform_indices = #map}, {transform_indices = #map}, {transform_indices = #map1}]} {
    %mul3A = arith.constant 640 : i32
    %mul3A_0 = arith.muli %arg1, %mul3A : i32
    "tpu.region"() ({
      %run_scoped3A = tpu.sem_alloc : memref<!tpu.dma_semaphore, #tpu.memory_space<semaphore_mem>>
      %dma_start3A = arith.constant 0 : i32
      %dma_start3A_10 = tpu.memref_slice %arg8[%mul3A_0, %dma_start3A] : memref<10240x16xf32, #tpu.memory_space<vmem_shared>> -> memref<640x16xf32, #tpu.memory_space<vmem_shared>>
      tpu.enqueue_dma source(%arg3 : memref<640x16xf32, #tpu.memory_space<hbm>>) target(%dma_start3A_10 : memref<640x16xf32, #tpu.memory_space<vmem_shared>>) target_semaphore(%run_scoped3A : memref<!tpu.dma_semaphore, #tpu.memory_space<semaphore_mem>>)
      %dma_wait3A = arith.constant 0 : i32
      %dma_wait3A_11 = tpu.memref_slice %arg8[%mul3A_0, %dma_wait3A] : memref<10240x16xf32, #tpu.memory_space<vmem_shared>> -> memref<640x16xf32, #tpu.memory_space<vmem_shared>>
      tpu.wait_dma2 semaphore(%run_scoped3A : memref<!tpu.dma_semaphore, #tpu.memory_space<semaphore_mem>>) src(%arg3 : memref<640x16xf32, #tpu.memory_space<hbm>>) dst(%dma_wait3A_11 : memref<640x16xf32, #tpu.memory_space<vmem_shared>>)
      tpu.yield
    }) : () -> ()
    "tpu.region"() ({
      %run_scoped3A = tpu.sem_alloc : memref<!tpu.dma_semaphore, #tpu.memory_space<semaphore_mem>>
      tpu.enqueue_dma source(%arg4 : memref<128x16xf32, #tpu.memory_space<hbm>>) target(%arg7 : memref<128x16xf32, #tpu.memory_space<vmem>>) target_semaphore(%run_scoped3A : memref<!tpu.dma_semaphore, #tpu.memory_space<semaphore_mem>>)
      tpu.wait_dma2 semaphore(%run_scoped3A : memref<!tpu.dma_semaphore, #tpu.memory_space<semaphore_mem>>) src(%arg4 : memref<128x16xf32, #tpu.memory_space<hbm>>) dst(%arg7 : memref<128x16xf32, #tpu.memory_space<vmem>>)
      tpu.yield
    }) : () -> ()
    %barrier3A = arith.constant 0 : index
    tpu.barrier barrier_id(%barrier3A)
    %mul3A_1 = arith.constant 16 : i32
    %mul3A_2 = arith.muli %arg0, %mul3A_1 : i32
    %add3A = arith.addi %mul3A_2, %arg1 : i32
    %mul3A_3 = arith.constant 80 : i32
    %mul3A_4 = arith.muli %add3A, %mul3A_3 : i32
    "tpu.region"() ({
      %run_scoped3A = tpu.sem_alloc : memref<!tpu.dma_semaphore, #tpu.memory_space<semaphore_mem>>
      %dma_start3A = arith.constant 0 : i32
      %dma_start3A_10 = tpu.memref_slice %arg2[%mul3A_4, %dma_start3A] : memref<2560x128xi32, #tpu.memory_space<hbm>> -> memref<80x128xi32, #tpu.memory_space<hbm>>
      %dma_start3A_11 = arith.constant 0 : i32
      %dma_start3A_12 = tpu.memref_slice %arg2[%mul3A_4, %dma_start3A_11] : memref<2560x128xi32, #tpu.memory_space<hbm>> -> memref<80x128xi32, #tpu.memory_space<hbm>>
      tpu.enqueue_dma source(%dma_start3A_12 : memref<80x128xi32, #tpu.memory_space<hbm>>) target(%arg6 : memref<80x128xi32, #tpu.memory_space<vmem>>) target_semaphore(%run_scoped3A : memref<!tpu.dma_semaphore, #tpu.memory_space<semaphore_mem>>)
      %dma_wait3A = arith.constant 0 : i32
      %dma_wait3A_13 = tpu.memref_slice %arg2[%mul3A_4, %dma_wait3A] : memref<2560x128xi32, #tpu.memory_space<hbm>> -> memref<80x128xi32, #tpu.memory_space<hbm>>
      %dma_wait3A_14 = arith.constant 0 : i32
      %dma_wait3A_15 = tpu.memref_slice %arg2[%mul3A_4, %dma_wait3A_14] : memref<2560x128xi32, #tpu.memory_space<hbm>> -> memref<80x128xi32, #tpu.memory_space<hbm>>
      tpu.wait_dma2 semaphore(%run_scoped3A : memref<!tpu.dma_semaphore, #tpu.memory_space<semaphore_mem>>) src(%dma_wait3A_15 : memref<80x128xi32, #tpu.memory_space<hbm>>) dst(%arg6 : memref<80x128xi32, #tpu.memory_space<vmem>>)
      tpu.yield
    }) : () -> ()
    %scan3A = arith.constant 0 : i32
    %scan3A_5 = arith.constant 40 : i32
    %scan3A_6 = arith.addi %scan3A, %scan3A_5 : i32
    %scan3A_7 = arith.constant 1 : i32
    scf.for %scan3A_10 = %scan3A to %scan3A_6 step %scan3A_7  : i32 {
      %mul3A_11 = arith.constant 2 : i32
      %mul3A_12 = arith.muli %scan3A_10, %mul3A_11 : i32
      %add3A_13 = arith.constant 0 : i32
      %add3A_14 = arith.addi %add3A_13, %mul3A_12 : i32
      %dma_start3A = arith.constant 0 : i32
      %dma_start3A_15 = tpu.memref_slice %arg6[%add3A_14, %dma_start3A] : memref<80x128xi32, #tpu.memory_space<vmem>> -> memref<1x128xi32, #tpu.memory_space<vmem>>
      %dma_start3A_16 = tpu.memref_squeeze %dma_start3A_15 : memref<1x128xi32, #tpu.memory_space<vmem>> -> memref<128xi32, #tpu.memory_space<vmem>>
      %dma_start3A_17 = arith.constant 0 : i32
      %dma_start3A_18 = arith.constant 0 : i32
      %dma_start3A_19 = tpu.memref_slice %arg8[%dma_start3A_17, %dma_start3A_18] : memref<10240x16xf32, #tpu.memory_space<vmem_shared>> -> memref<10240x16xf32, #tpu.memory_space<vmem_shared>>
      tpu.enqueue_indirect_dma source(%arg7 : memref<128x16xf32, #tpu.memory_space<vmem>>) target(%dma_start3A_19 : memref<10240x16xf32, #tpu.memory_space<vmem_shared>>) offsets(%dma_start3A_16 : memref<128xi32, #tpu.memory_space<vmem>>) semaphore(%arg9 : memref<!tpu.dma_semaphore, #tpu.memory_space<semaphore_mem>>) {add = true}
      %add3A_20 = arith.constant 1 : i32
      %add3A_21 = arith.addi %add3A_14, %add3A_20 : i32
      %dma_start3A_22 = arith.constant 0 : i32
      %dma_start3A_23 = tpu.memref_slice %arg6[%add3A_21, %dma_start3A_22] : memref<80x128xi32, #tpu.memory_space<vmem>> -> memref<1x128xi32, #tpu.memory_space<vmem>>
      %dma_start3A_24 = tpu.memref_squeeze %dma_start3A_23 : memref<1x128xi32, #tpu.memory_space<vmem>> -> memref<128xi32, #tpu.memory_space<vmem>>
      %dma_start3A_25 = arith.constant 0 : i32
      %dma_start3A_26 = arith.constant 0 : i32
      %dma_start3A_27 = tpu.memref_slice %arg8[%dma_start3A_25, %dma_start3A_26] : memref<10240x16xf32, #tpu.memory_space<vmem_shared>> -> memref<10240x16xf32, #tpu.memory_space<vmem_shared>>
      tpu.enqueue_indirect_dma source(%arg7 : memref<128x16xf32, #tpu.memory_space<vmem>>) target(%dma_start3A_27 : memref<10240x16xf32, #tpu.memory_space<vmem_shared>>) offsets(%dma_start3A_24 : memref<128xi32, #tpu.memory_space<vmem>>) semaphore(%arg9 : memref<!tpu.dma_semaphore, #tpu.memory_space<semaphore_mem>>) {add = true}
      %dma_wait3A = arith.constant 0 : i32
      %dma_wait3A_28 = tpu.memref_slice %arg6[%add3A_14, %dma_wait3A] : memref<80x128xi32, #tpu.memory_space<vmem>> -> memref<1x128xi32, #tpu.memory_space<vmem>>
      %dma_wait3A_29 = tpu.memref_squeeze %dma_wait3A_28 : memref<1x128xi32, #tpu.memory_space<vmem>> -> memref<128xi32, #tpu.memory_space<vmem>>
      %dma_wait3A_30 = arith.constant 0 : i32
      %dma_wait3A_31 = arith.constant 0 : i32
      %dma_wait3A_32 = tpu.memref_slice %arg8[%dma_wait3A_30, %dma_wait3A_31] : memref<10240x16xf32, #tpu.memory_space<vmem_shared>> -> memref<10240x16xf32, #tpu.memory_space<vmem_shared>>
      tpu.wait_indirect_dma semaphore(%arg9 : memref<!tpu.dma_semaphore, #tpu.memory_space<semaphore_mem>>) src(%arg7 : memref<128x16xf32, #tpu.memory_space<vmem>>) dst(%dma_wait3A_32 : memref<10240x16xf32, #tpu.memory_space<vmem_shared>>)
      %add3A_33 = arith.constant 1 : i32
      %add3A_34 = arith.addi %add3A_14, %add3A_33 : i32
      %dma_wait3A_35 = arith.constant 0 : i32
      %dma_wait3A_36 = tpu.memref_slice %arg6[%add3A_34, %dma_wait3A_35] : memref<80x128xi32, #tpu.memory_space<vmem>> -> memref<1x128xi32, #tpu.memory_space<vmem>>
      %dma_wait3A_37 = tpu.memref_squeeze %dma_wait3A_36 : memref<1x128xi32, #tpu.memory_space<vmem>> -> memref<128xi32, #tpu.memory_space<vmem>>
      %dma_wait3A_38 = arith.constant 0 : i32
      %dma_wait3A_39 = arith.constant 0 : i32
      %dma_wait3A_40 = tpu.memref_slice %arg8[%dma_wait3A_38, %dma_wait3A_39] : memref<10240x16xf32, #tpu.memory_space<vmem_shared>> -> memref<10240x16xf32, #tpu.memory_space<vmem_shared>>
      tpu.wait_indirect_dma semaphore(%arg9 : memref<!tpu.dma_semaphore, #tpu.memory_space<semaphore_mem>>) src(%arg7 : memref<128x16xf32, #tpu.memory_space<vmem>>) dst(%dma_wait3A_40 : memref<10240x16xf32, #tpu.memory_space<vmem_shared>>)
    }
    %scan3A_8 = arith.constant 40 : i32
    %barrier3A_9 = arith.constant 0 : index
    tpu.barrier barrier_id(%barrier3A_9)
    "tpu.region"() ({
      %run_scoped3A = tpu.sem_alloc : memref<!tpu.dma_semaphore, #tpu.memory_space<semaphore_mem>>
      %dma_start3A = arith.constant 0 : i32
      %dma_start3A_10 = tpu.memref_slice %arg5[%arg0, %mul3A_0, %dma_start3A] : memref<2x10240x16xf32, #tpu.memory_space<hbm>> -> memref<1x640x16xf32, #tpu.memory_space<hbm>>
      %dma_start3A_11 = tpu.memref_squeeze %dma_start3A_10 : memref<1x640x16xf32, #tpu.memory_space<hbm>> -> memref<640x16xf32, #tpu.memory_space<hbm>>
      %dma_start3A_12 = arith.constant 0 : i32
      %dma_start3A_13 = tpu.memref_slice %arg8[%mul3A_0, %dma_start3A_12] : memref<10240x16xf32, #tpu.memory_space<vmem_shared>> -> memref<640x16xf32, #tpu.memory_space<vmem_shared>>
      tpu.enqueue_dma source(%dma_start3A_13 : memref<640x16xf32, #tpu.memory_space<vmem_shared>>) target(%dma_start3A_11 : memref<640x16xf32, #tpu.memory_space<hbm>>) target_semaphore(%run_scoped3A : memref<!tpu.dma_semaphore, #tpu.memory_space<semaphore_mem>>)
      %dma_wait3A = arith.constant 0 : i32
      %dma_wait3A_14 = tpu.memref_slice %arg5[%arg0, %mul3A_0, %dma_wait3A] : memref<2x10240x16xf32, #tpu.memory_space<hbm>> -> memref<1x640x16xf32, #tpu.memory_space<hbm>>
      %dma_wait3A_15 = tpu.memref_squeeze %dma_wait3A_14 : memref<1x640x16xf32, #tpu.memory_space<hbm>> -> memref<640x16xf32, #tpu.memory_space<hbm>>
      %dma_wait3A_16 = arith.constant 0 : i32
      %dma_wait3A_17 = tpu.memref_slice %arg8[%mul3A_0, %dma_wait3A_16] : memref<10240x16xf32, #tpu.memory_space<vmem_shared>> -> memref<640x16xf32, #tpu.memory_space<vmem_shared>>
      tpu.wait_dma2 semaphore(%run_scoped3A : memref<!tpu.dma_semaphore, #tpu.memory_space<semaphore_mem>>) src(%dma_wait3A_17 : memref<640x16xf32, #tpu.memory_space<vmem_shared>>) dst(%dma_wait3A_15 : memref<640x16xf32, #tpu.memory_space<hbm>>)
      tpu.yield
    }) : () -> ()
    return
  }
}

#map = affine_map<(d0, d1) -> (0, 0, 0)>
#map1 = affine_map<(d0, d1) -> (0, 0)>
module attributes {stable_mosaic.version = 14 : i64} {
  func.func @body(%arg0: i32, %arg1: i32, %arg2: memref<2x10240x64xf32, #tpu.memory_space<hbm>>, %arg3: memref<2560x128xi32, #tpu.memory_space<hbm>>, %arg4: memref<2560x128xi32, #tpu.memory_space<hbm>>, %arg5: memref<640x64xf32, #tpu.memory_space<hbm>>, %arg6: memref<2x10240x64xf32, #tpu.memory_space<hbm>>, %arg7: memref<10x128xi32, #tpu.memory_space<vmem>>, %arg8: memref<10x128xi32, #tpu.memory_space<vmem>>, %arg9: memref<1280x64xf32, #tpu.memory_space<vmem>>, %arg10: memref<10240x64xf32, #tpu.memory_space<vmem_shared>>, %arg11: memref<!tpu.dma_semaphore, #tpu.memory_space<semaphore_mem>>, %arg12: memref<!tpu.dma_semaphore, #tpu.memory_space<semaphore_mem>>) attributes {dimension_semantics = [#tpu.dimension_semantics<core_parallel>, #tpu.dimension_semantics<subcore_parallel>], iteration_bounds = array<i64: 2, 16>, scalar_prefetch = 0 : i64, scratch_operands = 6 : i64, tpu.core_type = #tpu.core_type<sc_vector_subcore>, window_params = [{transform_indices = #map}, {transform_indices = #map1}, {transform_indices = #map1}, {transform_indices = #map1}, {transform_indices = #map}]} {
    %mul3A = arith.constant 640 : i32
    %mul3A_0 = arith.muli %arg1, %mul3A : i32
    "tpu.region"() ({
      %run_scoped3A = tpu.sem_alloc : memref<!tpu.dma_semaphore, #tpu.memory_space<semaphore_mem>>
      %dma_start3A_127 = arith.constant 0 : i32
      %dma_start3A_128 = tpu.memref_slice %arg10[%mul3A_0, %dma_start3A_127] : memref<10240x64xf32, #tpu.memory_space<vmem_shared>> -> memref<640x64xf32, #tpu.memory_space<vmem_shared>>
      tpu.enqueue_dma source(%arg5 : memref<640x64xf32, #tpu.memory_space<hbm>>) target(%dma_start3A_128 : memref<640x64xf32, #tpu.memory_space<vmem_shared>>) target_semaphore(%run_scoped3A : memref<!tpu.dma_semaphore, #tpu.memory_space<semaphore_mem>>)
      %dma_wait3A_129 = arith.constant 0 : i32
      %dma_wait3A_130 = tpu.memref_slice %arg10[%mul3A_0, %dma_wait3A_129] : memref<10240x64xf32, #tpu.memory_space<vmem_shared>> -> memref<640x64xf32, #tpu.memory_space<vmem_shared>>
      tpu.wait_dma2 semaphore(%run_scoped3A : memref<!tpu.dma_semaphore, #tpu.memory_space<semaphore_mem>>) src(%arg5 : memref<640x64xf32, #tpu.memory_space<hbm>>) dst(%dma_wait3A_130 : memref<640x64xf32, #tpu.memory_space<vmem_shared>>)
      tpu.yield
    }) : () -> ()
    %barrier3A = arith.constant 0 : index
    tpu.barrier barrier_id(%barrier3A)
    %mul3A_1 = arith.constant 160 : i32
    %mul3A_2 = arith.muli %arg1, %mul3A_1 : i32
    %add3A = arith.constant 0 : i32
    %add3A_3 = arith.addi %mul3A_2, %add3A : i32
    "tpu.region"() ({
      %run_scoped3A = tpu.sem_alloc : memref<!tpu.dma_semaphore, #tpu.memory_space<semaphore_mem>>
      %dma_start3A_127 = arith.constant 0 : i32
      %dma_start3A_128 = arith.constant 0 : i32
      %dma_start3A_129 = tpu.memref_slice %arg7[%dma_start3A_127, %dma_start3A_128] : memref<10x128xi32, #tpu.memory_space<vmem>> -> memref<5x128xi32, #tpu.memory_space<vmem>>
      %dma_start3A_130 = arith.constant 0 : i32
      %dma_start3A_131 = tpu.memref_slice %arg3[%add3A_3, %dma_start3A_130] : memref<2560x128xi32, #tpu.memory_space<hbm>> -> memref<5x128xi32, #tpu.memory_space<hbm>>
      %dma_start3A_132 = arith.constant 0 : i32
      %dma_start3A_133 = arith.constant 0 : i32
      %dma_start3A_134 = tpu.memref_slice %arg7[%dma_start3A_132, %dma_start3A_133] : memref<10x128xi32, #tpu.memory_space<vmem>> -> memref<5x128xi32, #tpu.memory_space<vmem>>
      %dma_start3A_135 = arith.constant 0 : i32
      %dma_start3A_136 = tpu.memref_slice %arg3[%add3A_3, %dma_start3A_135] : memref<2560x128xi32, #tpu.memory_space<hbm>> -> memref<5x128xi32, #tpu.memory_space<hbm>>
      tpu.enqueue_dma source(%dma_start3A_136 : memref<5x128xi32, #tpu.memory_space<hbm>>) target(%dma_start3A_134 : memref<5x128xi32, #tpu.memory_space<vmem>>) target_semaphore(%run_scoped3A : memref<!tpu.dma_semaphore, #tpu.memory_space<semaphore_mem>>)
      %dma_wait3A_137 = arith.constant 0 : i32
      %dma_wait3A_138 = arith.constant 0 : i32
      %dma_wait3A_139 = tpu.memref_slice %arg7[%dma_wait3A_137, %dma_wait3A_138] : memref<10x128xi32, #tpu.memory_space<vmem>> -> memref<5x128xi32, #tpu.memory_space<vmem>>
      %dma_wait3A_140 = arith.constant 0 : i32
      %dma_wait3A_141 = tpu.memref_slice %arg3[%add3A_3, %dma_wait3A_140] : memref<2560x128xi32, #tpu.memory_space<hbm>> -> memref<5x128xi32, #tpu.memory_space<hbm>>
      %dma_wait3A_142 = arith.constant 0 : i32
      %dma_wait3A_143 = arith.constant 0 : i32
      %dma_wait3A_144 = tpu.memref_slice %arg7[%dma_wait3A_142, %dma_wait3A_143] : memref<10x128xi32, #tpu.memory_space<vmem>> -> memref<5x128xi32, #tpu.memory_space<vmem>>
      %dma_wait3A_145 = arith.constant 0 : i32
      %dma_wait3A_146 = tpu.memref_slice %arg3[%add3A_3, %dma_wait3A_145] : memref<2560x128xi32, #tpu.memory_space<hbm>> -> memref<5x128xi32, #tpu.memory_space<hbm>>
      tpu.wait_dma2 semaphore(%run_scoped3A : memref<!tpu.dma_semaphore, #tpu.memory_space<semaphore_mem>>) src(%dma_wait3A_146 : memref<5x128xi32, #tpu.memory_space<hbm>>) dst(%dma_wait3A_144 : memref<5x128xi32, #tpu.memory_space<vmem>>)
      tpu.yield
    }) : () -> ()
    "tpu.region"() ({
      %run_scoped3A = tpu.sem_alloc : memref<!tpu.dma_semaphore, #tpu.memory_space<semaphore_mem>>
      %dma_start3A_127 = arith.constant 0 : i32
      %dma_start3A_128 = arith.constant 0 : i32
      %dma_start3A_129 = tpu.memref_slice %arg8[%dma_start3A_127, %dma_start3A_128] : memref<10x128xi32, #tpu.memory_space<vmem>> -> memref<5x128xi32, #tpu.memory_space<vmem>>
      %dma_start3A_130 = arith.constant 0 : i32
      %dma_start3A_131 = tpu.memref_slice %arg4[%add3A_3, %dma_start3A_130] : memref<2560x128xi32, #tpu.memory_space<hbm>> -> memref<5x128xi32, #tpu.memory_space<hbm>>
      %dma_start3A_132 = arith.constant 0 : i32
      %dma_start3A_133 = arith.constant 0 : i32
      %dma_start3A_134 = tpu.memref_slice %arg8[%dma_start3A_132, %dma_start3A_133] : memref<10x128xi32, #tpu.memory_space<vmem>> -> memref<5x128xi32, #tpu.memory_space<vmem>>
      %dma_start3A_135 = arith.constant 0 : i32
      %dma_start3A_136 = tpu.memref_slice %arg4[%add3A_3, %dma_start3A_135] : memref<2560x128xi32, #tpu.memory_space<hbm>> -> memref<5x128xi32, #tpu.memory_space<hbm>>
      tpu.enqueue_dma source(%dma_start3A_136 : memref<5x128xi32, #tpu.memory_space<hbm>>) target(%dma_start3A_134 : memref<5x128xi32, #tpu.memory_space<vmem>>) target_semaphore(%run_scoped3A : memref<!tpu.dma_semaphore, #tpu.memory_space<semaphore_mem>>)
      %dma_wait3A_137 = arith.constant 0 : i32
      %dma_wait3A_138 = arith.constant 0 : i32
      %dma_wait3A_139 = tpu.memref_slice %arg8[%dma_wait3A_137, %dma_wait3A_138] : memref<10x128xi32, #tpu.memory_space<vmem>> -> memref<5x128xi32, #tpu.memory_space<vmem>>
      %dma_wait3A_140 = arith.constant 0 : i32
      %dma_wait3A_141 = tpu.memref_slice %arg4[%add3A_3, %dma_wait3A_140] : memref<2560x128xi32, #tpu.memory_space<hbm>> -> memref<5x128xi32, #tpu.memory_space<hbm>>
      %dma_wait3A_142 = arith.constant 0 : i32
      %dma_wait3A_143 = arith.constant 0 : i32
      %dma_wait3A_144 = tpu.memref_slice %arg8[%dma_wait3A_142, %dma_wait3A_143] : memref<10x128xi32, #tpu.memory_space<vmem>> -> memref<5x128xi32, #tpu.memory_space<vmem>>
      %dma_wait3A_145 = arith.constant 0 : i32
      %dma_wait3A_146 = tpu.memref_slice %arg4[%add3A_3, %dma_wait3A_145] : memref<2560x128xi32, #tpu.memory_space<hbm>> -> memref<5x128xi32, #tpu.memory_space<hbm>>
      tpu.wait_dma2 semaphore(%run_scoped3A : memref<!tpu.dma_semaphore, #tpu.memory_space<semaphore_mem>>) src(%dma_wait3A_146 : memref<5x128xi32, #tpu.memory_space<hbm>>) dst(%dma_wait3A_144 : memref<5x128xi32, #tpu.memory_space<vmem>>)
      tpu.yield
    }) : () -> ()
    %dma_start3A = arith.constant 0 : i32
    %dma_start3A_4 = arith.constant 0 : i32
    %dma_start3A_5 = arith.constant 0 : i32
    %dma_start3A_6 = tpu.memref_slice %arg9[%dma_start3A_4, %dma_start3A_5] : memref<1280x64xf32, #tpu.memory_space<vmem>> -> memref<128x64xf32, #tpu.memory_space<vmem>>
    %dma_start3A_7 = arith.constant 0 : i32
    %dma_start3A_8 = tpu.memref_slice %arg7[%dma_start3A, %dma_start3A_7] : memref<10x128xi32, #tpu.memory_space<vmem>> -> memref<1x128xi32, #tpu.memory_space<vmem>>
    %dma_start3A_9 = tpu.memref_squeeze %dma_start3A_8 : memref<1x128xi32, #tpu.memory_space<vmem>> -> memref<128xi32, #tpu.memory_space<vmem>>
    %dma_start3A_10 = arith.constant 0 : i32
    %dma_start3A_11 = arith.constant 0 : i32
    %dma_start3A_12 = tpu.memref_slice %arg2[%arg0, %dma_start3A_10, %dma_start3A_11] : memref<2x10240x64xf32, #tpu.memory_space<hbm>> -> memref<1x10240x64xf32, #tpu.memory_space<hbm>>
    %dma_start3A_13 = tpu.memref_squeeze %dma_start3A_12 : memref<1x10240x64xf32, #tpu.memory_space<hbm>> -> memref<10240x64xf32, #tpu.memory_space<hbm>>
    %dma_start3A_14 = arith.constant 0 : i32
    %dma_start3A_15 = arith.constant 0 : i32
    %dma_start3A_16 = tpu.memref_slice %dma_start3A_13[%dma_start3A_14, %dma_start3A_15] : memref<10240x64xf32, #tpu.memory_space<hbm>> -> memref<10240x64xf32, #tpu.memory_space<hbm>>
    tpu.enqueue_indirect_dma source(%dma_start3A_16 : memref<10240x64xf32, #tpu.memory_space<hbm>>) target(%dma_start3A_6 : memref<128x64xf32, #tpu.memory_space<vmem>>) offsets(%dma_start3A_9 : memref<128xi32, #tpu.memory_space<vmem>>) semaphore(%arg11 : memref<!tpu.dma_semaphore, #tpu.memory_space<semaphore_mem>>)
    %dma_start3A_17 = arith.constant 1 : i32
    %dma_start3A_18 = arith.constant 128 : i32
    %dma_start3A_19 = arith.constant 0 : i32
    %dma_start3A_20 = tpu.memref_slice %arg9[%dma_start3A_18, %dma_start3A_19] : memref<1280x64xf32, #tpu.memory_space<vmem>> -> memref<128x64xf32, #tpu.memory_space<vmem>>
    %dma_start3A_21 = arith.constant 0 : i32
    %dma_start3A_22 = tpu.memref_slice %arg7[%dma_start3A_17, %dma_start3A_21] : memref<10x128xi32, #tpu.memory_space<vmem>> -> memref<1x128xi32, #tpu.memory_space<vmem>>
    %dma_start3A_23 = tpu.memref_squeeze %dma_start3A_22 : memref<1x128xi32, #tpu.memory_space<vmem>> -> memref<128xi32, #tpu.memory_space<vmem>>
    %dma_start3A_24 = arith.constant 0 : i32
    %dma_start3A_25 = arith.constant 0 : i32
    %dma_start3A_26 = tpu.memref_slice %arg2[%arg0, %dma_start3A_24, %dma_start3A_25] : memref<2x10240x64xf32, #tpu.memory_space<hbm>> -> memref<1x10240x64xf32, #tpu.memory_space<hbm>>
    %dma_start3A_27 = tpu.memref_squeeze %dma_start3A_26 : memref<1x10240x64xf32, #tpu.memory_space<hbm>> -> memref<10240x64xf32, #tpu.memory_space<hbm>>
    %dma_start3A_28 = arith.constant 0 : i32
    %dma_start3A_29 = arith.constant 0 : i32
    %dma_start3A_30 = tpu.memref_slice %dma_start3A_27[%dma_start3A_28, %dma_start3A_29] : memref<10240x64xf32, #tpu.memory_space<hbm>> -> memref<10240x64xf32, #tpu.memory_space<hbm>>
    tpu.enqueue_indirect_dma source(%dma_start3A_30 : memref<10240x64xf32, #tpu.memory_space<hbm>>) target(%dma_start3A_20 : memref<128x64xf32, #tpu.memory_space<vmem>>) offsets(%dma_start3A_23 : memref<128xi32, #tpu.memory_space<vmem>>) semaphore(%arg11 : memref<!tpu.dma_semaphore, #tpu.memory_space<semaphore_mem>>)
    %dma_start3A_31 = arith.constant 2 : i32
    %dma_start3A_32 = arith.constant 256 : i32
    %dma_start3A_33 = arith.constant 0 : i32
    %dma_start3A_34 = tpu.memref_slice %arg9[%dma_start3A_32, %dma_start3A_33] : memref<1280x64xf32, #tpu.memory_space<vmem>> -> memref<128x64xf32, #tpu.memory_space<vmem>>
    %dma_start3A_35 = arith.constant 0 : i32
    %dma_start3A_36 = tpu.memref_slice %arg7[%dma_start3A_31, %dma_start3A_35] : memref<10x128xi32, #tpu.memory_space<vmem>> -> memref<1x128xi32, #tpu.memory_space<vmem>>
    %dma_start3A_37 = tpu.memref_squeeze %dma_start3A_36 : memref<1x128xi32, #tpu.memory_space<vmem>> -> memref<128xi32, #tpu.memory_space<vmem>>
    %dma_start3A_38 = arith.constant 0 : i32
    %dma_start3A_39 = arith.constant 0 : i32
    %dma_start3A_40 = tpu.memref_slice %arg2[%arg0, %dma_start3A_38, %dma_start3A_39] : memref<2x10240x64xf32, #tpu.memory_space<hbm>> -> memref<1x10240x64xf32, #tpu.memory_space<hbm>>
    %dma_start3A_41 = tpu.memref_squeeze %dma_start3A_40 : memref<1x10240x64xf32, #tpu.memory_space<hbm>> -> memref<10240x64xf32, #tpu.memory_space<hbm>>
    %dma_start3A_42 = arith.constant 0 : i32
    %dma_start3A_43 = arith.constant 0 : i32
    %dma_start3A_44 = tpu.memref_slice %dma_start3A_41[%dma_start3A_42, %dma_start3A_43] : memref<10240x64xf32, #tpu.memory_space<hbm>> -> memref<10240x64xf32, #tpu.memory_space<hbm>>
    tpu.enqueue_indirect_dma source(%dma_start3A_44 : memref<10240x64xf32, #tpu.memory_space<hbm>>) target(%dma_start3A_34 : memref<128x64xf32, #tpu.memory_space<vmem>>) offsets(%dma_start3A_37 : memref<128xi32, #tpu.memory_space<vmem>>) semaphore(%arg11 : memref<!tpu.dma_semaphore, #tpu.memory_space<semaphore_mem>>)
    %dma_start3A_45 = arith.constant 3 : i32
    %dma_start3A_46 = arith.constant 384 : i32
    %dma_start3A_47 = arith.constant 0 : i32
    %dma_start3A_48 = tpu.memref_slice %arg9[%dma_start3A_46, %dma_start3A_47] : memref<1280x64xf32, #tpu.memory_space<vmem>> -> memref<128x64xf32, #tpu.memory_space<vmem>>
    %dma_start3A_49 = arith.constant 0 : i32
    %dma_start3A_50 = tpu.memref_slice %arg7[%dma_start3A_45, %dma_start3A_49] : memref<10x128xi32, #tpu.memory_space<vmem>> -> memref<1x128xi32, #tpu.memory_space<vmem>>
    %dma_start3A_51 = tpu.memref_squeeze %dma_start3A_50 : memref<1x128xi32, #tpu.memory_space<vmem>> -> memref<128xi32, #tpu.memory_space<vmem>>
    %dma_start3A_52 = arith.constant 0 : i32
    %dma_start3A_53 = arith.constant 0 : i32
    %dma_start3A_54 = tpu.memref_slice %arg2[%arg0, %dma_start3A_52, %dma_start3A_53] : memref<2x10240x64xf32, #tpu.memory_space<hbm>> -> memref<1x10240x64xf32, #tpu.memory_space<hbm>>
    %dma_start3A_55 = tpu.memref_squeeze %dma_start3A_54 : memref<1x10240x64xf32, #tpu.memory_space<hbm>> -> memref<10240x64xf32, #tpu.memory_space<hbm>>
    %dma_start3A_56 = arith.constant 0 : i32
    %dma_start3A_57 = arith.constant 0 : i32
    %dma_start3A_58 = tpu.memref_slice %dma_start3A_55[%dma_start3A_56, %dma_start3A_57] : memref<10240x64xf32, #tpu.memory_space<hbm>> -> memref<10240x64xf32, #tpu.memory_space<hbm>>
    tpu.enqueue_indirect_dma source(%dma_start3A_58 : memref<10240x64xf32, #tpu.memory_space<hbm>>) target(%dma_start3A_48 : memref<128x64xf32, #tpu.memory_space<vmem>>) offsets(%dma_start3A_51 : memref<128xi32, #tpu.memory_space<vmem>>) semaphore(%arg11 : memref<!tpu.dma_semaphore, #tpu.memory_space<semaphore_mem>>)
    %dma_start3A_59 = arith.constant 4 : i32
    %dma_start3A_60 = arith.constant 512 : i32
    %dma_start3A_61 = arith.constant 0 : i32
    %dma_start3A_62 = tpu.memref_slice %arg9[%dma_start3A_60, %dma_start3A_61] : memref<1280x64xf32, #tpu.memory_space<vmem>> -> memref<128x64xf32, #tpu.memory_space<vmem>>
    %dma_start3A_63 = arith.constant 0 : i32
    %dma_start3A_64 = tpu.memref_slice %arg7[%dma_start3A_59, %dma_start3A_63] : memref<10x128xi32, #tpu.memory_space<vmem>> -> memref<1x128xi32, #tpu.memory_space<vmem>>
    %dma_start3A_65 = tpu.memref_squeeze %dma_start3A_64 : memref<1x128xi32, #tpu.memory_space<vmem>> -> memref<128xi32, #tpu.memory_space<vmem>>
    %dma_start3A_66 = arith.constant 0 : i32
    %dma_start3A_67 = arith.constant 0 : i32
    %dma_start3A_68 = tpu.memref_slice %arg2[%arg0, %dma_start3A_66, %dma_start3A_67] : memref<2x10240x64xf32, #tpu.memory_space<hbm>> -> memref<1x10240x64xf32, #tpu.memory_space<hbm>>
    %dma_start3A_69 = tpu.memref_squeeze %dma_start3A_68 : memref<1x10240x64xf32, #tpu.memory_space<hbm>> -> memref<10240x64xf32, #tpu.memory_space<hbm>>
    %dma_start3A_70 = arith.constant 0 : i32
    %dma_start3A_71 = arith.constant 0 : i32
    %dma_start3A_72 = tpu.memref_slice %dma_start3A_69[%dma_start3A_70, %dma_start3A_71] : memref<10240x64xf32, #tpu.memory_space<hbm>> -> memref<10240x64xf32, #tpu.memory_space<hbm>>
    tpu.enqueue_indirect_dma source(%dma_start3A_72 : memref<10240x64xf32, #tpu.memory_space<hbm>>) target(%dma_start3A_62 : memref<128x64xf32, #tpu.memory_space<vmem>>) offsets(%dma_start3A_65 : memref<128xi32, #tpu.memory_space<vmem>>) semaphore(%arg11 : memref<!tpu.dma_semaphore, #tpu.memory_space<semaphore_mem>>)
    %scan3A = arith.constant 0 : i32
    %scan3A_73 = arith.constant 16 : i32
    %scan3A_74 = arith.addi %scan3A, %scan3A_73 : i32
    %scan3A_75 = arith.constant 1 : i32
    scf.for %scan3A_127 = %scan3A to %scan3A_74 step %scan3A_75  : i32 {
      %mul3A_128 = arith.constant 2 : i32
      %mul3A_129 = arith.muli %scan3A_127, %mul3A_128 : i32
      %add3A_130 = arith.constant 0 : i32
      %add3A_131 = arith.addi %add3A_130, %mul3A_129 : i32
      %add3A_132 = arith.constant 1 : i32
      %add3A_133 = arith.addi %add3A_131, %add3A_132 : i32
      %mul3A_134 = arith.constant 5 : i32
      %mul3A_135 = arith.muli %add3A_133, %mul3A_134 : i32
      %add3A_136 = arith.addi %mul3A_2, %mul3A_135 : i32
      "tpu.region"() ({
        %run_scoped3A = tpu.sem_alloc : memref<!tpu.dma_semaphore, #tpu.memory_space<semaphore_mem>>
        %dma_start3A_511 = arith.constant 5 : i32
        %dma_start3A_512 = arith.constant 0 : i32
        %dma_start3A_513 = tpu.memref_slice %arg7[%dma_start3A_511, %dma_start3A_512] : memref<10x128xi32, #tpu.memory_space<vmem>> -> memref<5x128xi32, #tpu.memory_space<vmem>>
        %dma_start3A_514 = arith.constant 0 : i32
        %dma_start3A_515 = tpu.memref_slice %arg3[%add3A_136, %dma_start3A_514] : memref<2560x128xi32, #tpu.memory_space<hbm>> -> memref<5x128xi32, #tpu.memory_space<hbm>>
        %dma_start3A_516 = arith.constant 5 : i32
        %dma_start3A_517 = arith.constant 0 : i32
        %dma_start3A_518 = tpu.memref_slice %arg7[%dma_start3A_516, %dma_start3A_517] : memref<10x128xi32, #tpu.memory_space<vmem>> -> memref<5x128xi32, #tpu.memory_space<vmem>>
        %dma_start3A_519 = arith.constant 0 : i32
        %dma_start3A_520 = tpu.memref_slice %arg3[%add3A_136, %dma_start3A_519] : memref<2560x128xi32, #tpu.memory_space<hbm>> -> memref<5x128xi32, #tpu.memory_space<hbm>>
        tpu.enqueue_dma source(%dma_start3A_520 : memref<5x128xi32, #tpu.memory_space<hbm>>) target(%dma_start3A_518 : memref<5x128xi32, #tpu.memory_space<vmem>>) target_semaphore(%run_scoped3A : memref<!tpu.dma_semaphore, #tpu.memory_space<semaphore_mem>>)
        %dma_wait3A_521 = arith.constant 5 : i32
        %dma_wait3A_522 = arith.constant 0 : i32
        %dma_wait3A_523 = tpu.memref_slice %arg7[%dma_wait3A_521, %dma_wait3A_522] : memref<10x128xi32, #tpu.memory_space<vmem>> -> memref<5x128xi32, #tpu.memory_space<vmem>>
        %dma_wait3A_524 = arith.constant 0 : i32
        %dma_wait3A_525 = tpu.memref_slice %arg3[%add3A_136, %dma_wait3A_524] : memref<2560x128xi32, #tpu.memory_space<hbm>> -> memref<5x128xi32, #tpu.memory_space<hbm>>
        %dma_wait3A_526 = arith.constant 5 : i32
        %dma_wait3A_527 = arith.constant 0 : i32
        %dma_wait3A_528 = tpu.memref_slice %arg7[%dma_wait3A_526, %dma_wait3A_527] : memref<10x128xi32, #tpu.memory_space<vmem>> -> memref<5x128xi32, #tpu.memory_space<vmem>>
        %dma_wait3A_529 = arith.constant 0 : i32
        %dma_wait3A_530 = tpu.memref_slice %arg3[%add3A_136, %dma_wait3A_529] : memref<2560x128xi32, #tpu.memory_space<hbm>> -> memref<5x128xi32, #tpu.memory_space<hbm>>
        tpu.wait_dma2 semaphore(%run_scoped3A : memref<!tpu.dma_semaphore, #tpu.memory_space<semaphore_mem>>) src(%dma_wait3A_530 : memref<5x128xi32, #tpu.memory_space<hbm>>) dst(%dma_wait3A_528 : memref<5x128xi32, #tpu.memory_space<vmem>>)
        tpu.yield
      }) : () -> ()
      "tpu.region"() ({
        %run_scoped3A = tpu.sem_alloc : memref<!tpu.dma_semaphore, #tpu.memory_space<semaphore_mem>>
        %dma_start3A_511 = arith.constant 5 : i32
        %dma_start3A_512 = arith.constant 0 : i32
        %dma_start3A_513 = tpu.memref_slice %arg8[%dma_start3A_511, %dma_start3A_512] : memref<10x128xi32, #tpu.memory_space<vmem>> -> memref<5x128xi32, #tpu.memory_space<vmem>>
        %dma_start3A_514 = arith.constant 0 : i32
        %dma_start3A_515 = tpu.memref_slice %arg4[%add3A_136, %dma_start3A_514] : memref<2560x128xi32, #tpu.memory_space<hbm>> -> memref<5x128xi32, #tpu.memory_space<hbm>>
        %dma_start3A_516 = arith.constant 5 : i32
        %dma_start3A_517 = arith.constant 0 : i32
        %dma_start3A_518 = tpu.memref_slice %arg8[%dma_start3A_516, %dma_start3A_517] : memref<10x128xi32, #tpu.memory_space<vmem>> -> memref<5x128xi32, #tpu.memory_space<vmem>>
        %dma_start3A_519 = arith.constant 0 : i32
        %dma_start3A_520 = tpu.memref_slice %arg4[%add3A_136, %dma_start3A_519] : memref<2560x128xi32, #tpu.memory_space<hbm>> -> memref<5x128xi32, #tpu.memory_space<hbm>>
        tpu.enqueue_dma source(%dma_start3A_520 : memref<5x128xi32, #tpu.memory_space<hbm>>) target(%dma_start3A_518 : memref<5x128xi32, #tpu.memory_space<vmem>>) target_semaphore(%run_scoped3A : memref<!tpu.dma_semaphore, #tpu.memory_space<semaphore_mem>>)
        %dma_wait3A_521 = arith.constant 5 : i32
        %dma_wait3A_522 = arith.constant 0 : i32
        %dma_wait3A_523 = tpu.memref_slice %arg8[%dma_wait3A_521, %dma_wait3A_522] : memref<10x128xi32, #tpu.memory_space<vmem>> -> memref<5x128xi32, #tpu.memory_space<vmem>>
        %dma_wait3A_524 = arith.constant 0 : i32
        %dma_wait3A_525 = tpu.memref_slice %arg4[%add3A_136, %dma_wait3A_524] : memref<2560x128xi32, #tpu.memory_space<hbm>> -> memref<5x128xi32, #tpu.memory_space<hbm>>
        %dma_wait3A_526 = arith.constant 5 : i32
        %dma_wait3A_527 = arith.constant 0 : i32
        %dma_wait3A_528 = tpu.memref_slice %arg8[%dma_wait3A_526, %dma_wait3A_527] : memref<10x128xi32, #tpu.memory_space<vmem>> -> memref<5x128xi32, #tpu.memory_space<vmem>>
        %dma_wait3A_529 = arith.constant 0 : i32
        %dma_wait3A_530 = tpu.memref_slice %arg4[%add3A_136, %dma_wait3A_529] : memref<2560x128xi32, #tpu.memory_space<hbm>> -> memref<5x128xi32, #tpu.memory_space<hbm>>
        tpu.wait_dma2 semaphore(%run_scoped3A : memref<!tpu.dma_semaphore, #tpu.memory_space<semaphore_mem>>) src(%dma_wait3A_530 : memref<5x128xi32, #tpu.memory_space<hbm>>) dst(%dma_wait3A_528 : memref<5x128xi32, #tpu.memory_space<vmem>>)
        tpu.yield
      }) : () -> ()
      %dma_wait3A_137 = arith.constant 0 : i32
      %dma_wait3A_138 = arith.constant 0 : i32
      %dma_wait3A_139 = arith.constant 0 : i32
      %dma_wait3A_140 = tpu.memref_slice %arg9[%dma_wait3A_138, %dma_wait3A_139] : memref<1280x64xf32, #tpu.memory_space<vmem>> -> memref<128x64xf32, #tpu.memory_space<vmem>>
      %dma_wait3A_141 = arith.constant 0 : i32
      %dma_wait3A_142 = tpu.memref_slice %arg7[%dma_wait3A_137, %dma_wait3A_141] : memref<10x128xi32, #tpu.memory_space<vmem>> -> memref<1x128xi32, #tpu.memory_space<vmem>>
      %dma_wait3A_143 = tpu.memref_squeeze %dma_wait3A_142 : memref<1x128xi32, #tpu.memory_space<vmem>> -> memref<128xi32, #tpu.memory_space<vmem>>
      %dma_wait3A_144 = arith.constant 0 : i32
      %dma_wait3A_145 = arith.constant 0 : i32
      %dma_wait3A_146 = tpu.memref_slice %arg2[%arg0, %dma_wait3A_144, %dma_wait3A_145] : memref<2x10240x64xf32, #tpu.memory_space<hbm>> -> memref<1x10240x64xf32, #tpu.memory_space<hbm>>
      %dma_wait3A_147 = tpu.memref_squeeze %dma_wait3A_146 : memref<1x10240x64xf32, #tpu.memory_space<hbm>> -> memref<10240x64xf32, #tpu.memory_space<hbm>>
      %dma_wait3A_148 = arith.constant 0 : i32
      %dma_wait3A_149 = arith.constant 0 : i32
      %dma_wait3A_150 = tpu.memref_slice %dma_wait3A_147[%dma_wait3A_148, %dma_wait3A_149] : memref<10240x64xf32, #tpu.memory_space<hbm>> -> memref<10240x64xf32, #tpu.memory_space<hbm>>
      tpu.wait_indirect_dma semaphore(%arg11 : memref<!tpu.dma_semaphore, #tpu.memory_space<semaphore_mem>>) src(%dma_wait3A_150 : memref<10240x64xf32, #tpu.memory_space<hbm>>) dst(%dma_wait3A_140 : memref<128x64xf32, #tpu.memory_space<vmem>>)
      %dma_wait3A_151 = arith.constant 1 : i32
      %dma_wait3A_152 = arith.constant 128 : i32
      %dma_wait3A_153 = arith.constant 0 : i32
      %dma_wait3A_154 = tpu.memref_slice %arg9[%dma_wait3A_152, %dma_wait3A_153] : memref<1280x64xf32, #tpu.memory_space<vmem>> -> memref<128x64xf32, #tpu.memory_space<vmem>>
      %dma_wait3A_155 = arith.constant 0 : i32
      %dma_wait3A_156 = tpu.memref_slice %arg7[%dma_wait3A_151, %dma_wait3A_155] : memref<10x128xi32, #tpu.memory_space<vmem>> -> memref<1x128xi32, #tpu.memory_space<vmem>>
      %dma_wait3A_157 = tpu.memref_squeeze %dma_wait3A_156 : memref<1x128xi32, #tpu.memory_space<vmem>> -> memref<128xi32, #tpu.memory_space<vmem>>
      %dma_wait3A_158 = arith.constant 0 : i32
      %dma_wait3A_159 = arith.constant 0 : i32
      %dma_wait3A_160 = tpu.memref_slice %arg2[%arg0, %dma_wait3A_158, %dma_wait3A_159] : memref<2x10240x64xf32, #tpu.memory_space<hbm>> -> memref<1x10240x64xf32, #tpu.memory_space<hbm>>
      %dma_wait3A_161 = tpu.memref_squeeze %dma_wait3A_160 : memref<1x10240x64xf32, #tpu.memory_space<hbm>> -> memref<10240x64xf32, #tpu.memory_space<hbm>>
      %dma_wait3A_162 = arith.constant 0 : i32
      %dma_wait3A_163 = arith.constant 0 : i32
      %dma_wait3A_164 = tpu.memref_slice %dma_wait3A_161[%dma_wait3A_162, %dma_wait3A_163] : memref<10240x64xf32, #tpu.memory_space<hbm>> -> memref<10240x64xf32, #tpu.memory_space<hbm>>
      tpu.wait_indirect_dma semaphore(%arg11 : memref<!tpu.dma_semaphore, #tpu.memory_space<semaphore_mem>>) src(%dma_wait3A_164 : memref<10240x64xf32, #tpu.memory_space<hbm>>) dst(%dma_wait3A_154 : memref<128x64xf32, #tpu.memory_space<vmem>>)
      %dma_wait3A_165 = arith.constant 2 : i32
      %dma_wait3A_166 = arith.constant 256 : i32
      %dma_wait3A_167 = arith.constant 0 : i32
      %dma_wait3A_168 = tpu.memref_slice %arg9[%dma_wait3A_166, %dma_wait3A_167] : memref<1280x64xf32, #tpu.memory_space<vmem>> -> memref<128x64xf32, #tpu.memory_space<vmem>>
      %dma_wait3A_169 = arith.constant 0 : i32
      %dma_wait3A_170 = tpu.memref_slice %arg7[%dma_wait3A_165, %dma_wait3A_169] : memref<10x128xi32, #tpu.memory_space<vmem>> -> memref<1x128xi32, #tpu.memory_space<vmem>>
      %dma_wait3A_171 = tpu.memref_squeeze %dma_wait3A_170 : memref<1x128xi32, #tpu.memory_space<vmem>> -> memref<128xi32, #tpu.memory_space<vmem>>
      %dma_wait3A_172 = arith.constant 0 : i32
      %dma_wait3A_173 = arith.constant 0 : i32
      %dma_wait3A_174 = tpu.memref_slice %arg2[%arg0, %dma_wait3A_172, %dma_wait3A_173] : memref<2x10240x64xf32, #tpu.memory_space<hbm>> -> memref<1x10240x64xf32, #tpu.memory_space<hbm>>
      %dma_wait3A_175 = tpu.memref_squeeze %dma_wait3A_174 : memref<1x10240x64xf32, #tpu.memory_space<hbm>> -> memref<10240x64xf32, #tpu.memory_space<hbm>>
      %dma_wait3A_176 = arith.constant 0 : i32
      %dma_wait3A_177 = arith.constant 0 : i32
      %dma_wait3A_178 = tpu.memref_slice %dma_wait3A_175[%dma_wait3A_176, %dma_wait3A_177] : memref<10240x64xf32, #tpu.memory_space<hbm>> -> memref<10240x64xf32, #tpu.memory_space<hbm>>
      tpu.wait_indirect_dma semaphore(%arg11 : memref<!tpu.dma_semaphore, #tpu.memory_space<semaphore_mem>>) src(%dma_wait3A_178 : memref<10240x64xf32, #tpu.memory_space<hbm>>) dst(%dma_wait3A_168 : memref<128x64xf32, #tpu.memory_space<vmem>>)
      %dma_wait3A_179 = arith.constant 3 : i32
      %dma_wait3A_180 = arith.constant 384 : i32
      %dma_wait3A_181 = arith.constant 0 : i32
      %dma_wait3A_182 = tpu.memref_slice %arg9[%dma_wait3A_180, %dma_wait3A_181] : memref<1280x64xf32, #tpu.memory_space<vmem>> -> memref<128x64xf32, #tpu.memory_space<vmem>>
      %dma_wait3A_183 = arith.constant 0 : i32
      %dma_wait3A_184 = tpu.memref_slice %arg7[%dma_wait3A_179, %dma_wait3A_183] : memref<10x128xi32, #tpu.memory_space<vmem>> -> memref<1x128xi32, #tpu.memory_space<vmem>>
      %dma_wait3A_185 = tpu.memref_squeeze %dma_wait3A_184 : memref<1x128xi32, #tpu.memory_space<vmem>> -> memref<128xi32, #tpu.memory_space<vmem>>
      %dma_wait3A_186 = arith.constant 0 : i32
      %dma_wait3A_187 = arith.constant 0 : i32
      %dma_wait3A_188 = tpu.memref_slice %arg2[%arg0, %dma_wait3A_186, %dma_wait3A_187] : memref<2x10240x64xf32, #tpu.memory_space<hbm>> -> memref<1x10240x64xf32, #tpu.memory_space<hbm>>
      %dma_wait3A_189 = tpu.memref_squeeze %dma_wait3A_188 : memref<1x10240x64xf32, #tpu.memory_space<hbm>> -> memref<10240x64xf32, #tpu.memory_space<hbm>>
      %dma_wait3A_190 = arith.constant 0 : i32
      %dma_wait3A_191 = arith.constant 0 : i32
      %dma_wait3A_192 = tpu.memref_slice %dma_wait3A_189[%dma_wait3A_190, %dma_wait3A_191] : memref<10240x64xf32, #tpu.memory_space<hbm>> -> memref<10240x64xf32, #tpu.memory_space<hbm>>
      tpu.wait_indirect_dma semaphore(%arg11 : memref<!tpu.dma_semaphore, #tpu.memory_space<semaphore_mem>>) src(%dma_wait3A_192 : memref<10240x64xf32, #tpu.memory_space<hbm>>) dst(%dma_wait3A_182 : memref<128x64xf32, #tpu.memory_space<vmem>>)
      %dma_wait3A_193 = arith.constant 4 : i32
      %dma_wait3A_194 = arith.constant 512 : i32
      %dma_wait3A_195 = arith.constant 0 : i32
      %dma_wait3A_196 = tpu.memref_slice %arg9[%dma_wait3A_194, %dma_wait3A_195] : memref<1280x64xf32, #tpu.memory_space<vmem>> -> memref<128x64xf32, #tpu.memory_space<vmem>>
      %dma_wait3A_197 = arith.constant 0 : i32
      %dma_wait3A_198 = tpu.memref_slice %arg7[%dma_wait3A_193, %dma_wait3A_197] : memref<10x128xi32, #tpu.memory_space<vmem>> -> memref<1x128xi32, #tpu.memory_space<vmem>>
      %dma_wait3A_199 = tpu.memref_squeeze %dma_wait3A_198 : memref<1x128xi32, #tpu.memory_space<vmem>> -> memref<128xi32, #tpu.memory_space<vmem>>
      %dma_wait3A_200 = arith.constant 0 : i32
      %dma_wait3A_201 = arith.constant 0 : i32
      %dma_wait3A_202 = tpu.memref_slice %arg2[%arg0, %dma_wait3A_200, %dma_wait3A_201] : memref<2x10240x64xf32, #tpu.memory_space<hbm>> -> memref<1x10240x64xf32, #tpu.memory_space<hbm>>
      %dma_wait3A_203 = tpu.memref_squeeze %dma_wait3A_202 : memref<1x10240x64xf32, #tpu.memory_space<hbm>> -> memref<10240x64xf32, #tpu.memory_space<hbm>>
      %dma_wait3A_204 = arith.constant 0 : i32
      %dma_wait3A_205 = arith.constant 0 : i32
      %dma_wait3A_206 = tpu.memref_slice %dma_wait3A_203[%dma_wait3A_204, %dma_wait3A_205] : memref<10240x64xf32, #tpu.memory_space<hbm>> -> memref<10240x64xf32, #tpu.memory_space<hbm>>
      tpu.wait_indirect_dma semaphore(%arg11 : memref<!tpu.dma_semaphore, #tpu.memory_space<semaphore_mem>>) src(%dma_wait3A_206 : memref<10240x64xf32, #tpu.memory_space<hbm>>) dst(%dma_wait3A_196 : memref<128x64xf32, #tpu.memory_space<vmem>>)
      %dma_start3A_207 = arith.constant 0 : i32
      %dma_start3A_208 = arith.constant 0 : i32
      %dma_start3A_209 = arith.constant 0 : i32
      %dma_start3A_210 = tpu.memref_slice %arg9[%dma_start3A_208, %dma_start3A_209] : memref<1280x64xf32, #tpu.memory_space<vmem>> -> memref<128x64xf32, #tpu.memory_space<vmem>>
      %dma_start3A_211 = arith.constant 0 : i32
      %dma_start3A_212 = tpu.memref_slice %arg8[%dma_start3A_207, %dma_start3A_211] : memref<10x128xi32, #tpu.memory_space<vmem>> -> memref<1x128xi32, #tpu.memory_space<vmem>>
      %dma_start3A_213 = tpu.memref_squeeze %dma_start3A_212 : memref<1x128xi32, #tpu.memory_space<vmem>> -> memref<128xi32, #tpu.memory_space<vmem>>
      %dma_start3A_214 = arith.constant 0 : i32
      %dma_start3A_215 = arith.constant 0 : i32
      %dma_start3A_216 = tpu.memref_slice %arg10[%dma_start3A_214, %dma_start3A_215] : memref<10240x64xf32, #tpu.memory_space<vmem_shared>> -> memref<10240x64xf32, #tpu.memory_space<vmem_shared>>
      tpu.enqueue_indirect_dma source(%dma_start3A_210 : memref<128x64xf32, #tpu.memory_space<vmem>>) target(%dma_start3A_216 : memref<10240x64xf32, #tpu.memory_space<vmem_shared>>) offsets(%dma_start3A_213 : memref<128xi32, #tpu.memory_space<vmem>>) semaphore(%arg12 : memref<!tpu.dma_semaphore, #tpu.memory_space<semaphore_mem>>) {add = true}
      %dma_start3A_217 = arith.constant 1 : i32
      %dma_start3A_218 = arith.constant 128 : i32
      %dma_start3A_219 = arith.constant 0 : i32
      %dma_start3A_220 = tpu.memref_slice %arg9[%dma_start3A_218, %dma_start3A_219] : memref<1280x64xf32, #tpu.memory_space<vmem>> -> memref<128x64xf32, #tpu.memory_space<vmem>>
      %dma_start3A_221 = arith.constant 0 : i32
      %dma_start3A_222 = tpu.memref_slice %arg8[%dma_start3A_217, %dma_start3A_221] : memref<10x128xi32, #tpu.memory_space<vmem>> -> memref<1x128xi32, #tpu.memory_space<vmem>>
      %dma_start3A_223 = tpu.memref_squeeze %dma_start3A_222 : memref<1x128xi32, #tpu.memory_space<vmem>> -> memref<128xi32, #tpu.memory_space<vmem>>
      %dma_start3A_224 = arith.constant 0 : i32
      %dma_start3A_225 = arith.constant 0 : i32
      %dma_start3A_226 = tpu.memref_slice %arg10[%dma_start3A_224, %dma_start3A_225] : memref<10240x64xf32, #tpu.memory_space<vmem_shared>> -> memref<10240x64xf32, #tpu.memory_space<vmem_shared>>
      tpu.enqueue_indirect_dma source(%dma_start3A_220 : memref<128x64xf32, #tpu.memory_space<vmem>>) target(%dma_start3A_226 : memref<10240x64xf32, #tpu.memory_space<vmem_shared>>) offsets(%dma_start3A_223 : memref<128xi32, #tpu.memory_space<vmem>>) semaphore(%arg12 : memref<!tpu.dma_semaphore, #tpu.memory_space<semaphore_mem>>) {add = true}
      %dma_start3A_227 = arith.constant 2 : i32
      %dma_start3A_228 = arith.constant 256 : i32
      %dma_start3A_229 = arith.constant 0 : i32
      %dma_start3A_230 = tpu.memref_slice %arg9[%dma_start3A_228, %dma_start3A_229] : memref<1280x64xf32, #tpu.memory_space<vmem>> -> memref<128x64xf32, #tpu.memory_space<vmem>>
      %dma_start3A_231 = arith.constant 0 : i32
      %dma_start3A_232 = tpu.memref_slice %arg8[%dma_start3A_227, %dma_start3A_231] : memref<10x128xi32, #tpu.memory_space<vmem>> -> memref<1x128xi32, #tpu.memory_space<vmem>>
      %dma_start3A_233 = tpu.memref_squeeze %dma_start3A_232 : memref<1x128xi32, #tpu.memory_space<vmem>> -> memref<128xi32, #tpu.memory_space<vmem>>
      %dma_start3A_234 = arith.constant 0 : i32
      %dma_start3A_235 = arith.constant 0 : i32
      %dma_start3A_236 = tpu.memref_slice %arg10[%dma_start3A_234, %dma_start3A_235] : memref<10240x64xf32, #tpu.memory_space<vmem_shared>> -> memref<10240x64xf32, #tpu.memory_space<vmem_shared>>
      tpu.enqueue_indirect_dma source(%dma_start3A_230 : memref<128x64xf32, #tpu.memory_space<vmem>>) target(%dma_start3A_236 : memref<10240x64xf32, #tpu.memory_space<vmem_shared>>) offsets(%dma_start3A_233 : memref<128xi32, #tpu.memory_space<vmem>>) semaphore(%arg12 : memref<!tpu.dma_semaphore, #tpu.memory_space<semaphore_mem>>) {add = true}
      %dma_start3A_237 = arith.constant 3 : i32
      %dma_start3A_238 = arith.constant 384 : i32
      %dma_start3A_239 = arith.constant 0 : i32
      %dma_start3A_240 = tpu.memref_slice %arg9[%dma_start3A_238, %dma_start3A_239] : memref<1280x64xf32, #tpu.memory_space<vmem>> -> memref<128x64xf32, #tpu.memory_space<vmem>>
      %dma_start3A_241 = arith.constant 0 : i32
      %dma_start3A_242 = tpu.memref_slice %arg8[%dma_start3A_237, %dma_start3A_241] : memref<10x128xi32, #tpu.memory_space<vmem>> -> memref<1x128xi32, #tpu.memory_space<vmem>>
      %dma_start3A_243 = tpu.memref_squeeze %dma_start3A_242 : memref<1x128xi32, #tpu.memory_space<vmem>> -> memref<128xi32, #tpu.memory_space<vmem>>
      %dma_start3A_244 = arith.constant 0 : i32
      %dma_start3A_245 = arith.constant 0 : i32
      %dma_start3A_246 = tpu.memref_slice %arg10[%dma_start3A_244, %dma_start3A_245] : memref<10240x64xf32, #tpu.memory_space<vmem_shared>> -> memref<10240x64xf32, #tpu.memory_space<vmem_shared>>
      tpu.enqueue_indirect_dma source(%dma_start3A_240 : memref<128x64xf32, #tpu.memory_space<vmem>>) target(%dma_start3A_246 : memref<10240x64xf32, #tpu.memory_space<vmem_shared>>) offsets(%dma_start3A_243 : memref<128xi32, #tpu.memory_space<vmem>>) semaphore(%arg12 : memref<!tpu.dma_semaphore, #tpu.memory_space<semaphore_mem>>) {add = true}
      %dma_start3A_247 = arith.constant 4 : i32
      %dma_start3A_248 = arith.constant 512 : i32
      %dma_start3A_249 = arith.constant 0 : i32
      %dma_start3A_250 = tpu.memref_slice %arg9[%dma_start3A_248, %dma_start3A_249] : memref<1280x64xf32, #tpu.memory_space<vmem>> -> memref<128x64xf32, #tpu.memory_space<vmem>>
      %dma_start3A_251 = arith.constant 0 : i32
      %dma_start3A_252 = tpu.memref_slice %arg8[%dma_start3A_247, %dma_start3A_251] : memref<10x128xi32, #tpu.memory_space<vmem>> -> memref<1x128xi32, #tpu.memory_space<vmem>>
      %dma_start3A_253 = tpu.memref_squeeze %dma_start3A_252 : memref<1x128xi32, #tpu.memory_space<vmem>> -> memref<128xi32, #tpu.memory_space<vmem>>
      %dma_start3A_254 = arith.constant 0 : i32
      %dma_start3A_255 = arith.constant 0 : i32
      %dma_start3A_256 = tpu.memref_slice %arg10[%dma_start3A_254, %dma_start3A_255] : memref<10240x64xf32, #tpu.memory_space<vmem_shared>> -> memref<10240x64xf32, #tpu.memory_space<vmem_shared>>
      tpu.enqueue_indirect_dma source(%dma_start3A_250 : memref<128x64xf32, #tpu.memory_space<vmem>>) target(%dma_start3A_256 : memref<10240x64xf32, #tpu.memory_space<vmem_shared>>) offsets(%dma_start3A_253 : memref<128xi32, #tpu.memory_space<vmem>>) semaphore(%arg12 : memref<!tpu.dma_semaphore, #tpu.memory_space<semaphore_mem>>) {add = true}
      %gt3A = arith.constant 0 : i32
      %gt3A_257 = arith.cmpi sgt, %add3A_131, %gt3A : i32
      %convert_element_type3A = arith.extui %gt3A_257 : i1 to i32
      %cond3A = arith.constant 0 : i32
      %cond3A_258 = arith.cmpi ne, %convert_element_type3A, %cond3A : i32
      scf.if %cond3A_258 {
        %sub3A = arith.constant 1 : i32
        %sub3A_511 = arith.subi %add3A_131, %sub3A : i32
        %dma_wait3A_512 = arith.constant 5 : i32
        %dma_wait3A_513 = arith.constant 640 : i32
        %dma_wait3A_514 = arith.constant 0 : i32
        %dma_wait3A_515 = tpu.memref_slice %arg9[%dma_wait3A_513, %dma_wait3A_514] : memref<1280x64xf32, #tpu.memory_space<vmem>> -> memref<128x64xf32, #tpu.memory_space<vmem>>
        %dma_wait3A_516 = arith.constant 0 : i32
        %dma_wait3A_517 = tpu.memref_slice %arg8[%dma_wait3A_512, %dma_wait3A_516] : memref<10x128xi32, #tpu.memory_space<vmem>> -> memref<1x128xi32, #tpu.memory_space<vmem>>
        %dma_wait3A_518 = tpu.memref_squeeze %dma_wait3A_517 : memref<1x128xi32, #tpu.memory_space<vmem>> -> memref<128xi32, #tpu.memory_space<vmem>>
        %dma_wait3A_519 = arith.constant 0 : i32
        %dma_wait3A_520 = arith.constant 0 : i32
        %dma_wait3A_521 = tpu.memref_slice %arg10[%dma_wait3A_519, %dma_wait3A_520] : memref<10240x64xf32, #tpu.memory_space<vmem_shared>> -> memref<10240x64xf32, #tpu.memory_space<vmem_shared>>
        tpu.wait_indirect_dma semaphore(%arg12 : memref<!tpu.dma_semaphore, #tpu.memory_space<semaphore_mem>>) src(%dma_wait3A_515 : memref<128x64xf32, #tpu.memory_space<vmem>>) dst(%dma_wait3A_521 : memref<10240x64xf32, #tpu.memory_space<vmem_shared>>)
        %dma_wait3A_522 = arith.constant 6 : i32
        %dma_wait3A_523 = arith.constant 768 : i32
        %dma_wait3A_524 = arith.constant 0 : i32
        %dma_wait3A_525 = tpu.memref_slice %arg9[%dma_wait3A_523, %dma_wait3A_524] : memref<1280x64xf32, #tpu.memory_space<vmem>> -> memref<128x64xf32, #tpu.memory_space<vmem>>
        %dma_wait3A_526 = arith.constant 0 : i32
        %dma_wait3A_527 = tpu.memref_slice %arg8[%dma_wait3A_522, %dma_wait3A_526] : memref<10x128xi32, #tpu.memory_space<vmem>> -> memref<1x128xi32, #tpu.memory_space<vmem>>
        %dma_wait3A_528 = tpu.memref_squeeze %dma_wait3A_527 : memref<1x128xi32, #tpu.memory_space<vmem>> -> memref<128xi32, #tpu.memory_space<vmem>>
        %dma_wait3A_529 = arith.constant 0 : i32
        %dma_wait3A_530 = arith.constant 0 : i32
        %dma_wait3A_531 = tpu.memref_slice %arg10[%dma_wait3A_529, %dma_wait3A_530] : memref<10240x64xf32, #tpu.memory_space<vmem_shared>> -> memref<10240x64xf32, #tpu.memory_space<vmem_shared>>
        tpu.wait_indirect_dma semaphore(%arg12 : memref<!tpu.dma_semaphore, #tpu.memory_space<semaphore_mem>>) src(%dma_wait3A_525 : memref<128x64xf32, #tpu.memory_space<vmem>>) dst(%dma_wait3A_531 : memref<10240x64xf32, #tpu.memory_space<vmem_shared>>)
        %dma_wait3A_532 = arith.constant 7 : i32
        %dma_wait3A_533 = arith.constant 896 : i32
        %dma_wait3A_534 = arith.constant 0 : i32
        %dma_wait3A_535 = tpu.memref_slice %arg9[%dma_wait3A_533, %dma_wait3A_534] : memref<1280x64xf32, #tpu.memory_space<vmem>> -> memref<128x64xf32, #tpu.memory_space<vmem>>
        %dma_wait3A_536 = arith.constant 0 : i32
        %dma_wait3A_537 = tpu.memref_slice %arg8[%dma_wait3A_532, %dma_wait3A_536] : memref<10x128xi32, #tpu.memory_space<vmem>> -> memref<1x128xi32, #tpu.memory_space<vmem>>
        %dma_wait3A_538 = tpu.memref_squeeze %dma_wait3A_537 : memref<1x128xi32, #tpu.memory_space<vmem>> -> memref<128xi32, #tpu.memory_space<vmem>>
        %dma_wait3A_539 = arith.constant 0 : i32
        %dma_wait3A_540 = arith.constant 0 : i32
        %dma_wait3A_541 = tpu.memref_slice %arg10[%dma_wait3A_539, %dma_wait3A_540] : memref<10240x64xf32, #tpu.memory_space<vmem_shared>> -> memref<10240x64xf32, #tpu.memory_space<vmem_shared>>
        tpu.wait_indirect_dma semaphore(%arg12 : memref<!tpu.dma_semaphore, #tpu.memory_space<semaphore_mem>>) src(%dma_wait3A_535 : memref<128x64xf32, #tpu.memory_space<vmem>>) dst(%dma_wait3A_541 : memref<10240x64xf32, #tpu.memory_space<vmem_shared>>)
        %dma_wait3A_542 = arith.constant 8 : i32
        %dma_wait3A_543 = arith.constant 1024 : i32
        %dma_wait3A_544 = arith.constant 0 : i32
        %dma_wait3A_545 = tpu.memref_slice %arg9[%dma_wait3A_543, %dma_wait3A_544] : memref<1280x64xf32, #tpu.memory_space<vmem>> -> memref<128x64xf32, #tpu.memory_space<vmem>>
        %dma_wait3A_546 = arith.constant 0 : i32
        %dma_wait3A_547 = tpu.memref_slice %arg8[%dma_wait3A_542, %dma_wait3A_546] : memref<10x128xi32, #tpu.memory_space<vmem>> -> memref<1x128xi32, #tpu.memory_space<vmem>>
        %dma_wait3A_548 = tpu.memref_squeeze %dma_wait3A_547 : memref<1x128xi32, #tpu.memory_space<vmem>> -> memref<128xi32, #tpu.memory_space<vmem>>
        %dma_wait3A_549 = arith.constant 0 : i32
        %dma_wait3A_550 = arith.constant 0 : i32
        %dma_wait3A_551 = tpu.memref_slice %arg10[%dma_wait3A_549, %dma_wait3A_550] : memref<10240x64xf32, #tpu.memory_space<vmem_shared>> -> memref<10240x64xf32, #tpu.memory_space<vmem_shared>>
        tpu.wait_indirect_dma semaphore(%arg12 : memref<!tpu.dma_semaphore, #tpu.memory_space<semaphore_mem>>) src(%dma_wait3A_545 : memref<128x64xf32, #tpu.memory_space<vmem>>) dst(%dma_wait3A_551 : memref<10240x64xf32, #tpu.memory_space<vmem_shared>>)
        %dma_wait3A_552 = arith.constant 9 : i32
        %dma_wait3A_553 = arith.constant 1152 : i32
        %dma_wait3A_554 = arith.constant 0 : i32
        %dma_wait3A_555 = tpu.memref_slice %arg9[%dma_wait3A_553, %dma_wait3A_554] : memref<1280x64xf32, #tpu.memory_space<vmem>> -> memref<128x64xf32, #tpu.memory_space<vmem>>
        %dma_wait3A_556 = arith.constant 0 : i32
        %dma_wait3A_557 = tpu.memref_slice %arg8[%dma_wait3A_552, %dma_wait3A_556] : memref<10x128xi32, #tpu.memory_space<vmem>> -> memref<1x128xi32, #tpu.memory_space<vmem>>
        %dma_wait3A_558 = tpu.memref_squeeze %dma_wait3A_557 : memref<1x128xi32, #tpu.memory_space<vmem>> -> memref<128xi32, #tpu.memory_space<vmem>>
        %dma_wait3A_559 = arith.constant 0 : i32
        %dma_wait3A_560 = arith.constant 0 : i32
        %dma_wait3A_561 = tpu.memref_slice %arg10[%dma_wait3A_559, %dma_wait3A_560] : memref<10240x64xf32, #tpu.memory_space<vmem_shared>> -> memref<10240x64xf32, #tpu.memory_space<vmem_shared>>
        tpu.wait_indirect_dma semaphore(%arg12 : memref<!tpu.dma_semaphore, #tpu.memory_space<semaphore_mem>>) src(%dma_wait3A_555 : memref<128x64xf32, #tpu.memory_space<vmem>>) dst(%dma_wait3A_561 : memref<10240x64xf32, #tpu.memory_space<vmem_shared>>)
      } else {
      }
      %add3A_259 = arith.constant 1 : i32
      %add3A_260 = arith.addi %add3A_131, %add3A_259 : i32
      %dma_start3A_261 = arith.constant 5 : i32
      %dma_start3A_262 = arith.constant 640 : i32
      %dma_start3A_263 = arith.constant 0 : i32
      %dma_start3A_264 = tpu.memref_slice %arg9[%dma_start3A_262, %dma_start3A_263] : memref<1280x64xf32, #tpu.memory_space<vmem>> -> memref<128x64xf32, #tpu.memory_space<vmem>>
      %dma_start3A_265 = arith.constant 0 : i32
      %dma_start3A_266 = tpu.memref_slice %arg7[%dma_start3A_261, %dma_start3A_265] : memref<10x128xi32, #tpu.memory_space<vmem>> -> memref<1x128xi32, #tpu.memory_space<vmem>>
      %dma_start3A_267 = tpu.memref_squeeze %dma_start3A_266 : memref<1x128xi32, #tpu.memory_space<vmem>> -> memref<128xi32, #tpu.memory_space<vmem>>
      %dma_start3A_268 = arith.constant 0 : i32
      %dma_start3A_269 = arith.constant 0 : i32
      %dma_start3A_270 = tpu.memref_slice %arg2[%arg0, %dma_start3A_268, %dma_start3A_269] : memref<2x10240x64xf32, #tpu.memory_space<hbm>> -> memref<1x10240x64xf32, #tpu.memory_space<hbm>>
      %dma_start3A_271 = tpu.memref_squeeze %dma_start3A_270 : memref<1x10240x64xf32, #tpu.memory_space<hbm>> -> memref<10240x64xf32, #tpu.memory_space<hbm>>
      %dma_start3A_272 = arith.constant 0 : i32
      %dma_start3A_273 = arith.constant 0 : i32
      %dma_start3A_274 = tpu.memref_slice %dma_start3A_271[%dma_start3A_272, %dma_start3A_273] : memref<10240x64xf32, #tpu.memory_space<hbm>> -> memref<10240x64xf32, #tpu.memory_space<hbm>>
      tpu.enqueue_indirect_dma source(%dma_start3A_274 : memref<10240x64xf32, #tpu.memory_space<hbm>>) target(%dma_start3A_264 : memref<128x64xf32, #tpu.memory_space<vmem>>) offsets(%dma_start3A_267 : memref<128xi32, #tpu.memory_space<vmem>>) semaphore(%arg11 : memref<!tpu.dma_semaphore, #tpu.memory_space<semaphore_mem>>)
      %dma_start3A_275 = arith.constant 6 : i32
      %dma_start3A_276 = arith.constant 768 : i32
      %dma_start3A_277 = arith.constant 0 : i32
      %dma_start3A_278 = tpu.memref_slice %arg9[%dma_start3A_276, %dma_start3A_277] : memref<1280x64xf32, #tpu.memory_space<vmem>> -> memref<128x64xf32, #tpu.memory_space<vmem>>
      %dma_start3A_279 = arith.constant 0 : i32
      %dma_start3A_280 = tpu.memref_slice %arg7[%dma_start3A_275, %dma_start3A_279] : memref<10x128xi32, #tpu.memory_space<vmem>> -> memref<1x128xi32, #tpu.memory_space<vmem>>
      %dma_start3A_281 = tpu.memref_squeeze %dma_start3A_280 : memref<1x128xi32, #tpu.memory_space<vmem>> -> memref<128xi32, #tpu.memory_space<vmem>>
      %dma_start3A_282 = arith.constant 0 : i32
      %dma_start3A_283 = arith.constant 0 : i32
      %dma_start3A_284 = tpu.memref_slice %arg2[%arg0, %dma_start3A_282, %dma_start3A_283] : memref<2x10240x64xf32, #tpu.memory_space<hbm>> -> memref<1x10240x64xf32, #tpu.memory_space<hbm>>
      %dma_start3A_285 = tpu.memref_squeeze %dma_start3A_284 : memref<1x10240x64xf32, #tpu.memory_space<hbm>> -> memref<10240x64xf32, #tpu.memory_space<hbm>>
      %dma_start3A_286 = arith.constant 0 : i32
      %dma_start3A_287 = arith.constant 0 : i32
      %dma_start3A_288 = tpu.memref_slice %dma_start3A_285[%dma_start3A_286, %dma_start3A_287] : memref<10240x64xf32, #tpu.memory_space<hbm>> -> memref<10240x64xf32, #tpu.memory_space<hbm>>
      tpu.enqueue_indirect_dma source(%dma_start3A_288 : memref<10240x64xf32, #tpu.memory_space<hbm>>) target(%dma_start3A_278 : memref<128x64xf32, #tpu.memory_space<vmem>>) offsets(%dma_start3A_281 : memref<128xi32, #tpu.memory_space<vmem>>) semaphore(%arg11 : memref<!tpu.dma_semaphore, #tpu.memory_space<semaphore_mem>>)
      %dma_start3A_289 = arith.constant 7 : i32
      %dma_start3A_290 = arith.constant 896 : i32
      %dma_start3A_291 = arith.constant 0 : i32
      %dma_start3A_292 = tpu.memref_slice %arg9[%dma_start3A_290, %dma_start3A_291] : memref<1280x64xf32, #tpu.memory_space<vmem>> -> memref<128x64xf32, #tpu.memory_space<vmem>>
      %dma_start3A_293 = arith.constant 0 : i32
      %dma_start3A_294 = tpu.memref_slice %arg7[%dma_start3A_289, %dma_start3A_293] : memref<10x128xi32, #tpu.memory_space<vmem>> -> memref<1x128xi32, #tpu.memory_space<vmem>>
      %dma_start3A_295 = tpu.memref_squeeze %dma_start3A_294 : memref<1x128xi32, #tpu.memory_space<vmem>> -> memref<128xi32, #tpu.memory_space<vmem>>
      %dma_start3A_296 = arith.constant 0 : i32
      %dma_start3A_297 = arith.constant 0 : i32
      %dma_start3A_298 = tpu.memref_slice %arg2[%arg0, %dma_start3A_296, %dma_start3A_297] : memref<2x10240x64xf32, #tpu.memory_space<hbm>> -> memref<1x10240x64xf32, #tpu.memory_space<hbm>>
      %dma_start3A_299 = tpu.memref_squeeze %dma_start3A_298 : memref<1x10240x64xf32, #tpu.memory_space<hbm>> -> memref<10240x64xf32, #tpu.memory_space<hbm>>
      %dma_start3A_300 = arith.constant 0 : i32
      %dma_start3A_301 = arith.constant 0 : i32
      %dma_start3A_302 = tpu.memref_slice %dma_start3A_299[%dma_start3A_300, %dma_start3A_301] : memref<10240x64xf32, #tpu.memory_space<hbm>> -> memref<10240x64xf32, #tpu.memory_space<hbm>>
      tpu.enqueue_indirect_dma source(%dma_start3A_302 : memref<10240x64xf32, #tpu.memory_space<hbm>>) target(%dma_start3A_292 : memref<128x64xf32, #tpu.memory_space<vmem>>) offsets(%dma_start3A_295 : memref<128xi32, #tpu.memory_space<vmem>>) semaphore(%arg11 : memref<!tpu.dma_semaphore, #tpu.memory_space<semaphore_mem>>)
      %dma_start3A_303 = arith.constant 8 : i32
      %dma_start3A_304 = arith.constant 1024 : i32
      %dma_start3A_305 = arith.constant 0 : i32
      %dma_start3A_306 = tpu.memref_slice %arg9[%dma_start3A_304, %dma_start3A_305] : memref<1280x64xf32, #tpu.memory_space<vmem>> -> memref<128x64xf32, #tpu.memory_space<vmem>>
      %dma_start3A_307 = arith.constant 0 : i32
      %dma_start3A_308 = tpu.memref_slice %arg7[%dma_start3A_303, %dma_start3A_307] : memref<10x128xi32, #tpu.memory_space<vmem>> -> memref<1x128xi32, #tpu.memory_space<vmem>>
      %dma_start3A_309 = tpu.memref_squeeze %dma_start3A_308 : memref<1x128xi32, #tpu.memory_space<vmem>> -> memref<128xi32, #tpu.memory_space<vmem>>
      %dma_start3A_310 = arith.constant 0 : i32
      %dma_start3A_311 = arith.constant 0 : i32
      %dma_start3A_312 = tpu.memref_slice %arg2[%arg0, %dma_start3A_310, %dma_start3A_311] : memref<2x10240x64xf32, #tpu.memory_space<hbm>> -> memref<1x10240x64xf32, #tpu.memory_space<hbm>>
      %dma_start3A_313 = tpu.memref_squeeze %dma_start3A_312 : memref<1x10240x64xf32, #tpu.memory_space<hbm>> -> memref<10240x64xf32, #tpu.memory_space<hbm>>
      %dma_start3A_314 = arith.constant 0 : i32
      %dma_start3A_315 = arith.constant 0 : i32
      %dma_start3A_316 = tpu.memref_slice %dma_start3A_313[%dma_start3A_314, %dma_start3A_315] : memref<10240x64xf32, #tpu.memory_space<hbm>> -> memref<10240x64xf32, #tpu.memory_space<hbm>>
      tpu.enqueue_indirect_dma source(%dma_start3A_316 : memref<10240x64xf32, #tpu.memory_space<hbm>>) target(%dma_start3A_306 : memref<128x64xf32, #tpu.memory_space<vmem>>) offsets(%dma_start3A_309 : memref<128xi32, #tpu.memory_space<vmem>>) semaphore(%arg11 : memref<!tpu.dma_semaphore, #tpu.memory_space<semaphore_mem>>)
      %dma_start3A_317 = arith.constant 9 : i32
      %dma_start3A_318 = arith.constant 1152 : i32
      %dma_start3A_319 = arith.constant 0 : i32
      %dma_start3A_320 = tpu.memref_slice %arg9[%dma_start3A_318, %dma_start3A_319] : memref<1280x64xf32, #tpu.memory_space<vmem>> -> memref<128x64xf32, #tpu.memory_space<vmem>>
      %dma_start3A_321 = arith.constant 0 : i32
      %dma_start3A_322 = tpu.memref_slice %arg7[%dma_start3A_317, %dma_start3A_321] : memref<10x128xi32, #tpu.memory_space<vmem>> -> memref<1x128xi32, #tpu.memory_space<vmem>>
      %dma_start3A_323 = tpu.memref_squeeze %dma_start3A_322 : memref<1x128xi32, #tpu.memory_space<vmem>> -> memref<128xi32, #tpu.memory_space<vmem>>
      %dma_start3A_324 = arith.constant 0 : i32
      %dma_start3A_325 = arith.constant 0 : i32
      %dma_start3A_326 = tpu.memref_slice %arg2[%arg0, %dma_start3A_324, %dma_start3A_325] : memref<2x10240x64xf32, #tpu.memory_space<hbm>> -> memref<1x10240x64xf32, #tpu.memory_space<hbm>>
      %dma_start3A_327 = tpu.memref_squeeze %dma_start3A_326 : memref<1x10240x64xf32, #tpu.memory_space<hbm>> -> memref<10240x64xf32, #tpu.memory_space<hbm>>
      %dma_start3A_328 = arith.constant 0 : i32
      %dma_start3A_329 = arith.constant 0 : i32
      %dma_start3A_330 = tpu.memref_slice %dma_start3A_327[%dma_start3A_328, %dma_start3A_329] : memref<10240x64xf32, #tpu.memory_space<hbm>> -> memref<10240x64xf32, #tpu.memory_space<hbm>>
      tpu.enqueue_indirect_dma source(%dma_start3A_330 : memref<10240x64xf32, #tpu.memory_space<hbm>>) target(%dma_start3A_320 : memref<128x64xf32, #tpu.memory_space<vmem>>) offsets(%dma_start3A_323 : memref<128xi32, #tpu.memory_space<vmem>>) semaphore(%arg11 : memref<!tpu.dma_semaphore, #tpu.memory_space<semaphore_mem>>)
      %add3A_331 = arith.constant 1 : i32
      %add3A_332 = arith.addi %add3A_131, %add3A_331 : i32
      %dma_wait3A_333 = arith.constant 5 : i32
      %dma_wait3A_334 = arith.constant 640 : i32
      %dma_wait3A_335 = arith.constant 0 : i32
      %dma_wait3A_336 = tpu.memref_slice %arg9[%dma_wait3A_334, %dma_wait3A_335] : memref<1280x64xf32, #tpu.memory_space<vmem>> -> memref<128x64xf32, #tpu.memory_space<vmem>>
      %dma_wait3A_337 = arith.constant 0 : i32
      %dma_wait3A_338 = tpu.memref_slice %arg7[%dma_wait3A_333, %dma_wait3A_337] : memref<10x128xi32, #tpu.memory_space<vmem>> -> memref<1x128xi32, #tpu.memory_space<vmem>>
      %dma_wait3A_339 = tpu.memref_squeeze %dma_wait3A_338 : memref<1x128xi32, #tpu.memory_space<vmem>> -> memref<128xi32, #tpu.memory_space<vmem>>
      %dma_wait3A_340 = arith.constant 0 : i32
      %dma_wait3A_341 = arith.constant 0 : i32
      %dma_wait3A_342 = tpu.memref_slice %arg2[%arg0, %dma_wait3A_340, %dma_wait3A_341] : memref<2x10240x64xf32, #tpu.memory_space<hbm>> -> memref<1x10240x64xf32, #tpu.memory_space<hbm>>
      %dma_wait3A_343 = tpu.memref_squeeze %dma_wait3A_342 : memref<1x10240x64xf32, #tpu.memory_space<hbm>> -> memref<10240x64xf32, #tpu.memory_space<hbm>>
      %dma_wait3A_344 = arith.constant 0 : i32
      %dma_wait3A_345 = arith.constant 0 : i32
      %dma_wait3A_346 = tpu.memref_slice %dma_wait3A_343[%dma_wait3A_344, %dma_wait3A_345] : memref<10240x64xf32, #tpu.memory_space<hbm>> -> memref<10240x64xf32, #tpu.memory_space<hbm>>
      tpu.wait_indirect_dma semaphore(%arg11 : memref<!tpu.dma_semaphore, #tpu.memory_space<semaphore_mem>>) src(%dma_wait3A_346 : memref<10240x64xf32, #tpu.memory_space<hbm>>) dst(%dma_wait3A_336 : memref<128x64xf32, #tpu.memory_space<vmem>>)
      %dma_wait3A_347 = arith.constant 6 : i32
      %dma_wait3A_348 = arith.constant 768 : i32
      %dma_wait3A_349 = arith.constant 0 : i32
      %dma_wait3A_350 = tpu.memref_slice %arg9[%dma_wait3A_348, %dma_wait3A_349] : memref<1280x64xf32, #tpu.memory_space<vmem>> -> memref<128x64xf32, #tpu.memory_space<vmem>>
      %dma_wait3A_351 = arith.constant 0 : i32
      %dma_wait3A_352 = tpu.memref_slice %arg7[%dma_wait3A_347, %dma_wait3A_351] : memref<10x128xi32, #tpu.memory_space<vmem>> -> memref<1x128xi32, #tpu.memory_space<vmem>>
      %dma_wait3A_353 = tpu.memref_squeeze %dma_wait3A_352 : memref<1x128xi32, #tpu.memory_space<vmem>> -> memref<128xi32, #tpu.memory_space<vmem>>
      %dma_wait3A_354 = arith.constant 0 : i32
      %dma_wait3A_355 = arith.constant 0 : i32
      %dma_wait3A_356 = tpu.memref_slice %arg2[%arg0, %dma_wait3A_354, %dma_wait3A_355] : memref<2x10240x64xf32, #tpu.memory_space<hbm>> -> memref<1x10240x64xf32, #tpu.memory_space<hbm>>
      %dma_wait3A_357 = tpu.memref_squeeze %dma_wait3A_356 : memref<1x10240x64xf32, #tpu.memory_space<hbm>> -> memref<10240x64xf32, #tpu.memory_space<hbm>>
      %dma_wait3A_358 = arith.constant 0 : i32
      %dma_wait3A_359 = arith.constant 0 : i32
      %dma_wait3A_360 = tpu.memref_slice %dma_wait3A_357[%dma_wait3A_358, %dma_wait3A_359] : memref<10240x64xf32, #tpu.memory_space<hbm>> -> memref<10240x64xf32, #tpu.memory_space<hbm>>
      tpu.wait_indirect_dma semaphore(%arg11 : memref<!tpu.dma_semaphore, #tpu.memory_space<semaphore_mem>>) src(%dma_wait3A_360 : memref<10240x64xf32, #tpu.memory_space<hbm>>) dst(%dma_wait3A_350 : memref<128x64xf32, #tpu.memory_space<vmem>>)
      %dma_wait3A_361 = arith.constant 7 : i32
      %dma_wait3A_362 = arith.constant 896 : i32
      %dma_wait3A_363 = arith.constant 0 : i32
      %dma_wait3A_364 = tpu.memref_slice %arg9[%dma_wait3A_362, %dma_wait3A_363] : memref<1280x64xf32, #tpu.memory_space<vmem>> -> memref<128x64xf32, #tpu.memory_space<vmem>>
      %dma_wait3A_365 = arith.constant 0 : i32
      %dma_wait3A_366 = tpu.memref_slice %arg7[%dma_wait3A_361, %dma_wait3A_365] : memref<10x128xi32, #tpu.memory_space<vmem>> -> memref<1x128xi32, #tpu.memory_space<vmem>>
      %dma_wait3A_367 = tpu.memref_squeeze %dma_wait3A_366 : memref<1x128xi32, #tpu.memory_space<vmem>> -> memref<128xi32, #tpu.memory_space<vmem>>
      %dma_wait3A_368 = arith.constant 0 : i32
      %dma_wait3A_369 = arith.constant 0 : i32
      %dma_wait3A_370 = tpu.memref_slice %arg2[%arg0, %dma_wait3A_368, %dma_wait3A_369] : memref<2x10240x64xf32, #tpu.memory_space<hbm>> -> memref<1x10240x64xf32, #tpu.memory_space<hbm>>
      %dma_wait3A_371 = tpu.memref_squeeze %dma_wait3A_370 : memref<1x10240x64xf32, #tpu.memory_space<hbm>> -> memref<10240x64xf32, #tpu.memory_space<hbm>>
      %dma_wait3A_372 = arith.constant 0 : i32
      %dma_wait3A_373 = arith.constant 0 : i32
      %dma_wait3A_374 = tpu.memref_slice %dma_wait3A_371[%dma_wait3A_372, %dma_wait3A_373] : memref<10240x64xf32, #tpu.memory_space<hbm>> -> memref<10240x64xf32, #tpu.memory_space<hbm>>
      tpu.wait_indirect_dma semaphore(%arg11 : memref<!tpu.dma_semaphore, #tpu.memory_space<semaphore_mem>>) src(%dma_wait3A_374 : memref<10240x64xf32, #tpu.memory_space<hbm>>) dst(%dma_wait3A_364 : memref<128x64xf32, #tpu.memory_space<vmem>>)
      %dma_wait3A_375 = arith.constant 8 : i32
      %dma_wait3A_376 = arith.constant 1024 : i32
      %dma_wait3A_377 = arith.constant 0 : i32
      %dma_wait3A_378 = tpu.memref_slice %arg9[%dma_wait3A_376, %dma_wait3A_377] : memref<1280x64xf32, #tpu.memory_space<vmem>> -> memref<128x64xf32, #tpu.memory_space<vmem>>
      %dma_wait3A_379 = arith.constant 0 : i32
      %dma_wait3A_380 = tpu.memref_slice %arg7[%dma_wait3A_375, %dma_wait3A_379] : memref<10x128xi32, #tpu.memory_space<vmem>> -> memref<1x128xi32, #tpu.memory_space<vmem>>
      %dma_wait3A_381 = tpu.memref_squeeze %dma_wait3A_380 : memref<1x128xi32, #tpu.memory_space<vmem>> -> memref<128xi32, #tpu.memory_space<vmem>>
      %dma_wait3A_382 = arith.constant 0 : i32
      %dma_wait3A_383 = arith.constant 0 : i32
      %dma_wait3A_384 = tpu.memref_slice %arg2[%arg0, %dma_wait3A_382, %dma_wait3A_383] : memref<2x10240x64xf32, #tpu.memory_space<hbm>> -> memref<1x10240x64xf32, #tpu.memory_space<hbm>>
      %dma_wait3A_385 = tpu.memref_squeeze %dma_wait3A_384 : memref<1x10240x64xf32, #tpu.memory_space<hbm>> -> memref<10240x64xf32, #tpu.memory_space<hbm>>
      %dma_wait3A_386 = arith.constant 0 : i32
      %dma_wait3A_387 = arith.constant 0 : i32
      %dma_wait3A_388 = tpu.memref_slice %dma_wait3A_385[%dma_wait3A_386, %dma_wait3A_387] : memref<10240x64xf32, #tpu.memory_space<hbm>> -> memref<10240x64xf32, #tpu.memory_space<hbm>>
      tpu.wait_indirect_dma semaphore(%arg11 : memref<!tpu.dma_semaphore, #tpu.memory_space<semaphore_mem>>) src(%dma_wait3A_388 : memref<10240x64xf32, #tpu.memory_space<hbm>>) dst(%dma_wait3A_378 : memref<128x64xf32, #tpu.memory_space<vmem>>)
      %dma_wait3A_389 = arith.constant 9 : i32
      %dma_wait3A_390 = arith.constant 1152 : i32
      %dma_wait3A_391 = arith.constant 0 : i32
      %dma_wait3A_392 = tpu.memref_slice %arg9[%dma_wait3A_390, %dma_wait3A_391] : memref<1280x64xf32, #tpu.memory_space<vmem>> -> memref<128x64xf32, #tpu.memory_space<vmem>>
      %dma_wait3A_393 = arith.constant 0 : i32
      %dma_wait3A_394 = tpu.memref_slice %arg7[%dma_wait3A_389, %dma_wait3A_393] : memref<10x128xi32, #tpu.memory_space<vmem>> -> memref<1x128xi32, #tpu.memory_space<vmem>>
      %dma_wait3A_395 = tpu.memref_squeeze %dma_wait3A_394 : memref<1x128xi32, #tpu.memory_space<vmem>> -> memref<128xi32, #tpu.memory_space<vmem>>
      %dma_wait3A_396 = arith.constant 0 : i32
      %dma_wait3A_397 = arith.constant 0 : i32
      %dma_wait3A_398 = tpu.memref_slice %arg2[%arg0, %dma_wait3A_396, %dma_wait3A_397] : memref<2x10240x64xf32, #tpu.memory_space<hbm>> -> memref<1x10240x64xf32, #tpu.memory_space<hbm>>
      %dma_wait3A_399 = tpu.memref_squeeze %dma_wait3A_398 : memref<1x10240x64xf32, #tpu.memory_space<hbm>> -> memref<10240x64xf32, #tpu.memory_space<hbm>>
      %dma_wait3A_400 = arith.constant 0 : i32
      %dma_wait3A_401 = arith.constant 0 : i32
      %dma_wait3A_402 = tpu.memref_slice %dma_wait3A_399[%dma_wait3A_400, %dma_wait3A_401] : memref<10240x64xf32, #tpu.memory_space<hbm>> -> memref<10240x64xf32, #tpu.memory_space<hbm>>
      tpu.wait_indirect_dma semaphore(%arg11 : memref<!tpu.dma_semaphore, #tpu.memory_space<semaphore_mem>>) src(%dma_wait3A_402 : memref<10240x64xf32, #tpu.memory_space<hbm>>) dst(%dma_wait3A_392 : memref<128x64xf32, #tpu.memory_space<vmem>>)
      %add3A_403 = arith.constant 1 : i32
      %add3A_404 = arith.addi %add3A_131, %add3A_403 : i32
      %dma_start3A_405 = arith.constant 5 : i32
      %dma_start3A_406 = arith.constant 640 : i32
      %dma_start3A_407 = arith.constant 0 : i32
      %dma_start3A_408 = tpu.memref_slice %arg9[%dma_start3A_406, %dma_start3A_407] : memref<1280x64xf32, #tpu.memory_space<vmem>> -> memref<128x64xf32, #tpu.memory_space<vmem>>
      %dma_start3A_409 = arith.constant 0 : i32
      %dma_start3A_410 = tpu.memref_slice %arg8[%dma_start3A_405, %dma_start3A_409] : memref<10x128xi32, #tpu.memory_space<vmem>> -> memref<1x128xi32, #tpu.memory_space<vmem>>
      %dma_start3A_411 = tpu.memref_squeeze %dma_start3A_410 : memref<1x128xi32, #tpu.memory_space<vmem>> -> memref<128xi32, #tpu.memory_space<vmem>>
      %dma_start3A_412 = arith.constant 0 : i32
      %dma_start3A_413 = arith.constant 0 : i32
      %dma_start3A_414 = tpu.memref_slice %arg10[%dma_start3A_412, %dma_start3A_413] : memref<10240x64xf32, #tpu.memory_space<vmem_shared>> -> memref<10240x64xf32, #tpu.memory_space<vmem_shared>>
      tpu.enqueue_indirect_dma source(%dma_start3A_408 : memref<128x64xf32, #tpu.memory_space<vmem>>) target(%dma_start3A_414 : memref<10240x64xf32, #tpu.memory_space<vmem_shared>>) offsets(%dma_start3A_411 : memref<128xi32, #tpu.memory_space<vmem>>) semaphore(%arg12 : memref<!tpu.dma_semaphore, #tpu.memory_space<semaphore_mem>>) {add = true}
      %dma_start3A_415 = arith.constant 6 : i32
      %dma_start3A_416 = arith.constant 768 : i32
      %dma_start3A_417 = arith.constant 0 : i32
      %dma_start3A_418 = tpu.memref_slice %arg9[%dma_start3A_416, %dma_start3A_417] : memref<1280x64xf32, #tpu.memory_space<vmem>> -> memref<128x64xf32, #tpu.memory_space<vmem>>
      %dma_start3A_419 = arith.constant 0 : i32
      %dma_start3A_420 = tpu.memref_slice %arg8[%dma_start3A_415, %dma_start3A_419] : memref<10x128xi32, #tpu.memory_space<vmem>> -> memref<1x128xi32, #tpu.memory_space<vmem>>
      %dma_start3A_421 = tpu.memref_squeeze %dma_start3A_420 : memref<1x128xi32, #tpu.memory_space<vmem>> -> memref<128xi32, #tpu.memory_space<vmem>>
      %dma_start3A_422 = arith.constant 0 : i32
      %dma_start3A_423 = arith.constant 0 : i32
      %dma_start3A_424 = tpu.memref_slice %arg10[%dma_start3A_422, %dma_start3A_423] : memref<10240x64xf32, #tpu.memory_space<vmem_shared>> -> memref<10240x64xf32, #tpu.memory_space<vmem_shared>>
      tpu.enqueue_indirect_dma source(%dma_start3A_418 : memref<128x64xf32, #tpu.memory_space<vmem>>) target(%dma_start3A_424 : memref<10240x64xf32, #tpu.memory_space<vmem_shared>>) offsets(%dma_start3A_421 : memref<128xi32, #tpu.memory_space<vmem>>) semaphore(%arg12 : memref<!tpu.dma_semaphore, #tpu.memory_space<semaphore_mem>>) {add = true}
      %dma_start3A_425 = arith.constant 7 : i32
      %dma_start3A_426 = arith.constant 896 : i32
      %dma_start3A_427 = arith.constant 0 : i32
      %dma_start3A_428 = tpu.memref_slice %arg9[%dma_start3A_426, %dma_start3A_427] : memref<1280x64xf32, #tpu.memory_space<vmem>> -> memref<128x64xf32, #tpu.memory_space<vmem>>
      %dma_start3A_429 = arith.constant 0 : i32
      %dma_start3A_430 = tpu.memref_slice %arg8[%dma_start3A_425, %dma_start3A_429] : memref<10x128xi32, #tpu.memory_space<vmem>> -> memref<1x128xi32, #tpu.memory_space<vmem>>
      %dma_start3A_431 = tpu.memref_squeeze %dma_start3A_430 : memref<1x128xi32, #tpu.memory_space<vmem>> -> memref<128xi32, #tpu.memory_space<vmem>>
      %dma_start3A_432 = arith.constant 0 : i32
      %dma_start3A_433 = arith.constant 0 : i32
      %dma_start3A_434 = tpu.memref_slice %arg10[%dma_start3A_432, %dma_start3A_433] : memref<10240x64xf32, #tpu.memory_space<vmem_shared>> -> memref<10240x64xf32, #tpu.memory_space<vmem_shared>>
      tpu.enqueue_indirect_dma source(%dma_start3A_428 : memref<128x64xf32, #tpu.memory_space<vmem>>) target(%dma_start3A_434 : memref<10240x64xf32, #tpu.memory_space<vmem_shared>>) offsets(%dma_start3A_431 : memref<128xi32, #tpu.memory_space<vmem>>) semaphore(%arg12 : memref<!tpu.dma_semaphore, #tpu.memory_space<semaphore_mem>>) {add = true}
      %dma_start3A_435 = arith.constant 8 : i32
      %dma_start3A_436 = arith.constant 1024 : i32
      %dma_start3A_437 = arith.constant 0 : i32
      %dma_start3A_438 = tpu.memref_slice %arg9[%dma_start3A_436, %dma_start3A_437] : memref<1280x64xf32, #tpu.memory_space<vmem>> -> memref<128x64xf32, #tpu.memory_space<vmem>>
      %dma_start3A_439 = arith.constant 0 : i32
      %dma_start3A_440 = tpu.memref_slice %arg8[%dma_start3A_435, %dma_start3A_439] : memref<10x128xi32, #tpu.memory_space<vmem>> -> memref<1x128xi32, #tpu.memory_space<vmem>>
      %dma_start3A_441 = tpu.memref_squeeze %dma_start3A_440 : memref<1x128xi32, #tpu.memory_space<vmem>> -> memref<128xi32, #tpu.memory_space<vmem>>
      %dma_start3A_442 = arith.constant 0 : i32
      %dma_start3A_443 = arith.constant 0 : i32
      %dma_start3A_444 = tpu.memref_slice %arg10[%dma_start3A_442, %dma_start3A_443] : memref<10240x64xf32, #tpu.memory_space<vmem_shared>> -> memref<10240x64xf32, #tpu.memory_space<vmem_shared>>
      tpu.enqueue_indirect_dma source(%dma_start3A_438 : memref<128x64xf32, #tpu.memory_space<vmem>>) target(%dma_start3A_444 : memref<10240x64xf32, #tpu.memory_space<vmem_shared>>) offsets(%dma_start3A_441 : memref<128xi32, #tpu.memory_space<vmem>>) semaphore(%arg12 : memref<!tpu.dma_semaphore, #tpu.memory_space<semaphore_mem>>) {add = true}
      %dma_start3A_445 = arith.constant 9 : i32
      %dma_start3A_446 = arith.constant 1152 : i32
      %dma_start3A_447 = arith.constant 0 : i32
      %dma_start3A_448 = tpu.memref_slice %arg9[%dma_start3A_446, %dma_start3A_447] : memref<1280x64xf32, #tpu.memory_space<vmem>> -> memref<128x64xf32, #tpu.memory_space<vmem>>
      %dma_start3A_449 = arith.constant 0 : i32
      %dma_start3A_450 = tpu.memref_slice %arg8[%dma_start3A_445, %dma_start3A_449] : memref<10x128xi32, #tpu.memory_space<vmem>> -> memref<1x128xi32, #tpu.memory_space<vmem>>
      %dma_start3A_451 = tpu.memref_squeeze %dma_start3A_450 : memref<1x128xi32, #tpu.memory_space<vmem>> -> memref<128xi32, #tpu.memory_space<vmem>>
      %dma_start3A_452 = arith.constant 0 : i32
      %dma_start3A_453 = arith.constant 0 : i32
      %dma_start3A_454 = tpu.memref_slice %arg10[%dma_start3A_452, %dma_start3A_453] : memref<10240x64xf32, #tpu.memory_space<vmem_shared>> -> memref<10240x64xf32, #tpu.memory_space<vmem_shared>>
      tpu.enqueue_indirect_dma source(%dma_start3A_448 : memref<128x64xf32, #tpu.memory_space<vmem>>) target(%dma_start3A_454 : memref<10240x64xf32, #tpu.memory_space<vmem_shared>>) offsets(%dma_start3A_451 : memref<128xi32, #tpu.memory_space<vmem>>) semaphore(%arg12 : memref<!tpu.dma_semaphore, #tpu.memory_space<semaphore_mem>>) {add = true}
      %dma_wait3A_455 = arith.constant 0 : i32
      %dma_wait3A_456 = arith.constant 0 : i32
      %dma_wait3A_457 = arith.constant 0 : i32
      %dma_wait3A_458 = tpu.memref_slice %arg9[%dma_wait3A_456, %dma_wait3A_457] : memref<1280x64xf32, #tpu.memory_space<vmem>> -> memref<128x64xf32, #tpu.memory_space<vmem>>
      %dma_wait3A_459 = arith.constant 0 : i32
      %dma_wait3A_460 = tpu.memref_slice %arg8[%dma_wait3A_455, %dma_wait3A_459] : memref<10x128xi32, #tpu.memory_space<vmem>> -> memref<1x128xi32, #tpu.memory_space<vmem>>
      %dma_wait3A_461 = tpu.memref_squeeze %dma_wait3A_460 : memref<1x128xi32, #tpu.memory_space<vmem>> -> memref<128xi32, #tpu.memory_space<vmem>>
      %dma_wait3A_462 = arith.constant 0 : i32
      %dma_wait3A_463 = arith.constant 0 : i32
      %dma_wait3A_464 = tpu.memref_slice %arg10[%dma_wait3A_462, %dma_wait3A_463] : memref<10240x64xf32, #tpu.memory_space<vmem_shared>> -> memref<10240x64xf32, #tpu.memory_space<vmem_shared>>
      tpu.wait_indirect_dma semaphore(%arg12 : memref<!tpu.dma_semaphore, #tpu.memory_space<semaphore_mem>>) src(%dma_wait3A_458 : memref<128x64xf32, #tpu.memory_space<vmem>>) dst(%dma_wait3A_464 : memref<10240x64xf32, #tpu.memory_space<vmem_shared>>)
      %dma_wait3A_465 = arith.constant 1 : i32
      %dma_wait3A_466 = arith.constant 128 : i32
      %dma_wait3A_467 = arith.constant 0 : i32
      %dma_wait3A_468 = tpu.memref_slice %arg9[%dma_wait3A_466, %dma_wait3A_467] : memref<1280x64xf32, #tpu.memory_space<vmem>> -> memref<128x64xf32, #tpu.memory_space<vmem>>
      %dma_wait3A_469 = arith.constant 0 : i32
      %dma_wait3A_470 = tpu.memref_slice %arg8[%dma_wait3A_465, %dma_wait3A_469] : memref<10x128xi32, #tpu.memory_space<vmem>> -> memref<1x128xi32, #tpu.memory_space<vmem>>
      %dma_wait3A_471 = tpu.memref_squeeze %dma_wait3A_470 : memref<1x128xi32, #tpu.memory_space<vmem>> -> memref<128xi32, #tpu.memory_space<vmem>>
      %dma_wait3A_472 = arith.constant 0 : i32
      %dma_wait3A_473 = arith.constant 0 : i32
      %dma_wait3A_474 = tpu.memref_slice %arg10[%dma_wait3A_472, %dma_wait3A_473] : memref<10240x64xf32, #tpu.memory_space<vmem_shared>> -> memref<10240x64xf32, #tpu.memory_space<vmem_shared>>
      tpu.wait_indirect_dma semaphore(%arg12 : memref<!tpu.dma_semaphore, #tpu.memory_space<semaphore_mem>>) src(%dma_wait3A_468 : memref<128x64xf32, #tpu.memory_space<vmem>>) dst(%dma_wait3A_474 : memref<10240x64xf32, #tpu.memory_space<vmem_shared>>)
      %dma_wait3A_475 = arith.constant 2 : i32
      %dma_wait3A_476 = arith.constant 256 : i32
      %dma_wait3A_477 = arith.constant 0 : i32
      %dma_wait3A_478 = tpu.memref_slice %arg9[%dma_wait3A_476, %dma_wait3A_477] : memref<1280x64xf32, #tpu.memory_space<vmem>> -> memref<128x64xf32, #tpu.memory_space<vmem>>
      %dma_wait3A_479 = arith.constant 0 : i32
      %dma_wait3A_480 = tpu.memref_slice %arg8[%dma_wait3A_475, %dma_wait3A_479] : memref<10x128xi32, #tpu.memory_space<vmem>> -> memref<1x128xi32, #tpu.memory_space<vmem>>
      %dma_wait3A_481 = tpu.memref_squeeze %dma_wait3A_480 : memref<1x128xi32, #tpu.memory_space<vmem>> -> memref<128xi32, #tpu.memory_space<vmem>>
      %dma_wait3A_482 = arith.constant 0 : i32
      %dma_wait3A_483 = arith.constant 0 : i32
      %dma_wait3A_484 = tpu.memref_slice %arg10[%dma_wait3A_482, %dma_wait3A_483] : memref<10240x64xf32, #tpu.memory_space<vmem_shared>> -> memref<10240x64xf32, #tpu.memory_space<vmem_shared>>
      tpu.wait_indirect_dma semaphore(%arg12 : memref<!tpu.dma_semaphore, #tpu.memory_space<semaphore_mem>>) src(%dma_wait3A_478 : memref<128x64xf32, #tpu.memory_space<vmem>>) dst(%dma_wait3A_484 : memref<10240x64xf32, #tpu.memory_space<vmem_shared>>)
      %dma_wait3A_485 = arith.constant 3 : i32
      %dma_wait3A_486 = arith.constant 384 : i32
      %dma_wait3A_487 = arith.constant 0 : i32
      %dma_wait3A_488 = tpu.memref_slice %arg9[%dma_wait3A_486, %dma_wait3A_487] : memref<1280x64xf32, #tpu.memory_space<vmem>> -> memref<128x64xf32, #tpu.memory_space<vmem>>
      %dma_wait3A_489 = arith.constant 0 : i32
      %dma_wait3A_490 = tpu.memref_slice %arg8[%dma_wait3A_485, %dma_wait3A_489] : memref<10x128xi32, #tpu.memory_space<vmem>> -> memref<1x128xi32, #tpu.memory_space<vmem>>
      %dma_wait3A_491 = tpu.memref_squeeze %dma_wait3A_490 : memref<1x128xi32, #tpu.memory_space<vmem>> -> memref<128xi32, #tpu.memory_space<vmem>>
      %dma_wait3A_492 = arith.constant 0 : i32
      %dma_wait3A_493 = arith.constant 0 : i32
      %dma_wait3A_494 = tpu.memref_slice %arg10[%dma_wait3A_492, %dma_wait3A_493] : memref<10240x64xf32, #tpu.memory_space<vmem_shared>> -> memref<10240x64xf32, #tpu.memory_space<vmem_shared>>
      tpu.wait_indirect_dma semaphore(%arg12 : memref<!tpu.dma_semaphore, #tpu.memory_space<semaphore_mem>>) src(%dma_wait3A_488 : memref<128x64xf32, #tpu.memory_space<vmem>>) dst(%dma_wait3A_494 : memref<10240x64xf32, #tpu.memory_space<vmem_shared>>)
      %dma_wait3A_495 = arith.constant 4 : i32
      %dma_wait3A_496 = arith.constant 512 : i32
      %dma_wait3A_497 = arith.constant 0 : i32
      %dma_wait3A_498 = tpu.memref_slice %arg9[%dma_wait3A_496, %dma_wait3A_497] : memref<1280x64xf32, #tpu.memory_space<vmem>> -> memref<128x64xf32, #tpu.memory_space<vmem>>
      %dma_wait3A_499 = arith.constant 0 : i32
      %dma_wait3A_500 = tpu.memref_slice %arg8[%dma_wait3A_495, %dma_wait3A_499] : memref<10x128xi32, #tpu.memory_space<vmem>> -> memref<1x128xi32, #tpu.memory_space<vmem>>
      %dma_wait3A_501 = tpu.memref_squeeze %dma_wait3A_500 : memref<1x128xi32, #tpu.memory_space<vmem>> -> memref<128xi32, #tpu.memory_space<vmem>>
      %dma_wait3A_502 = arith.constant 0 : i32
      %dma_wait3A_503 = arith.constant 0 : i32
      %dma_wait3A_504 = tpu.memref_slice %arg10[%dma_wait3A_502, %dma_wait3A_503] : memref<10240x64xf32, #tpu.memory_space<vmem_shared>> -> memref<10240x64xf32, #tpu.memory_space<vmem_shared>>
      tpu.wait_indirect_dma semaphore(%arg12 : memref<!tpu.dma_semaphore, #tpu.memory_space<semaphore_mem>>) src(%dma_wait3A_498 : memref<128x64xf32, #tpu.memory_space<vmem>>) dst(%dma_wait3A_504 : memref<10240x64xf32, #tpu.memory_space<vmem_shared>>)
      %add3A_505 = arith.constant 2 : i32
      %add3A_506 = arith.addi %add3A_131, %add3A_505 : i32
      %lt3A = arith.constant 32 : i32
      %lt3A_507 = arith.cmpi slt, %add3A_506, %lt3A : i32
      %convert_element_type3A_508 = arith.extui %lt3A_507 : i1 to i32
      %cond3A_509 = arith.constant 0 : i32
      %cond3A_510 = arith.cmpi ne, %convert_element_type3A_508, %cond3A_509 : i32
      scf.if %cond3A_510 {
        %add3A_511 = arith.constant 2 : i32
        %add3A_512 = arith.addi %add3A_131, %add3A_511 : i32
        %mul3A_513 = arith.constant 5 : i32
        %mul3A_514 = arith.muli %add3A_512, %mul3A_513 : i32
        %add3A_515 = arith.addi %mul3A_2, %mul3A_514 : i32
        "tpu.region"() ({
          %run_scoped3A = tpu.sem_alloc : memref<!tpu.dma_semaphore, #tpu.memory_space<semaphore_mem>>
          %dma_start3A_588 = arith.constant 0 : i32
          %dma_start3A_589 = arith.constant 0 : i32
          %dma_start3A_590 = tpu.memref_slice %arg7[%dma_start3A_588, %dma_start3A_589] : memref<10x128xi32, #tpu.memory_space<vmem>> -> memref<5x128xi32, #tpu.memory_space<vmem>>
          %dma_start3A_591 = arith.constant 0 : i32
          %dma_start3A_592 = tpu.memref_slice %arg3[%add3A_515, %dma_start3A_591] : memref<2560x128xi32, #tpu.memory_space<hbm>> -> memref<5x128xi32, #tpu.memory_space<hbm>>
          %dma_start3A_593 = arith.constant 0 : i32
          %dma_start3A_594 = arith.constant 0 : i32
          %dma_start3A_595 = tpu.memref_slice %arg7[%dma_start3A_593, %dma_start3A_594] : memref<10x128xi32, #tpu.memory_space<vmem>> -> memref<5x128xi32, #tpu.memory_space<vmem>>
          %dma_start3A_596 = arith.constant 0 : i32
          %dma_start3A_597 = tpu.memref_slice %arg3[%add3A_515, %dma_start3A_596] : memref<2560x128xi32, #tpu.memory_space<hbm>> -> memref<5x128xi32, #tpu.memory_space<hbm>>
          tpu.enqueue_dma source(%dma_start3A_597 : memref<5x128xi32, #tpu.memory_space<hbm>>) target(%dma_start3A_595 : memref<5x128xi32, #tpu.memory_space<vmem>>) target_semaphore(%run_scoped3A : memref<!tpu.dma_semaphore, #tpu.memory_space<semaphore_mem>>)
          %dma_wait3A_598 = arith.constant 0 : i32
          %dma_wait3A_599 = arith.constant 0 : i32
          %dma_wait3A_600 = tpu.memref_slice %arg7[%dma_wait3A_598, %dma_wait3A_599] : memref<10x128xi32, #tpu.memory_space<vmem>> -> memref<5x128xi32, #tpu.memory_space<vmem>>
          %dma_wait3A_601 = arith.constant 0 : i32
          %dma_wait3A_602 = tpu.memref_slice %arg3[%add3A_515, %dma_wait3A_601] : memref<2560x128xi32, #tpu.memory_space<hbm>> -> memref<5x128xi32, #tpu.memory_space<hbm>>
          %dma_wait3A_603 = arith.constant 0 : i32
          %dma_wait3A_604 = arith.constant 0 : i32
          %dma_wait3A_605 = tpu.memref_slice %arg7[%dma_wait3A_603, %dma_wait3A_604] : memref<10x128xi32, #tpu.memory_space<vmem>> -> memref<5x128xi32, #tpu.memory_space<vmem>>
          %dma_wait3A_606 = arith.constant 0 : i32
          %dma_wait3A_607 = tpu.memref_slice %arg3[%add3A_515, %dma_wait3A_606] : memref<2560x128xi32, #tpu.memory_space<hbm>> -> memref<5x128xi32, #tpu.memory_space<hbm>>
          tpu.wait_dma2 semaphore(%run_scoped3A : memref<!tpu.dma_semaphore, #tpu.memory_space<semaphore_mem>>) src(%dma_wait3A_607 : memref<5x128xi32, #tpu.memory_space<hbm>>) dst(%dma_wait3A_605 : memref<5x128xi32, #tpu.memory_space<vmem>>)
          tpu.yield
        }) : () -> ()
        "tpu.region"() ({
          %run_scoped3A = tpu.sem_alloc : memref<!tpu.dma_semaphore, #tpu.memory_space<semaphore_mem>>
          %dma_start3A_588 = arith.constant 0 : i32
          %dma_start3A_589 = arith.constant 0 : i32
          %dma_start3A_590 = tpu.memref_slice %arg8[%dma_start3A_588, %dma_start3A_589] : memref<10x128xi32, #tpu.memory_space<vmem>> -> memref<5x128xi32, #tpu.memory_space<vmem>>
          %dma_start3A_591 = arith.constant 0 : i32
          %dma_start3A_592 = tpu.memref_slice %arg4[%add3A_515, %dma_start3A_591] : memref<2560x128xi32, #tpu.memory_space<hbm>> -> memref<5x128xi32, #tpu.memory_space<hbm>>
          %dma_start3A_593 = arith.constant 0 : i32
          %dma_start3A_594 = arith.constant 0 : i32
          %dma_start3A_595 = tpu.memref_slice %arg8[%dma_start3A_593, %dma_start3A_594] : memref<10x128xi32, #tpu.memory_space<vmem>> -> memref<5x128xi32, #tpu.memory_space<vmem>>
          %dma_start3A_596 = arith.constant 0 : i32
          %dma_start3A_597 = tpu.memref_slice %arg4[%add3A_515, %dma_start3A_596] : memref<2560x128xi32, #tpu.memory_space<hbm>> -> memref<5x128xi32, #tpu.memory_space<hbm>>
          tpu.enqueue_dma source(%dma_start3A_597 : memref<5x128xi32, #tpu.memory_space<hbm>>) target(%dma_start3A_595 : memref<5x128xi32, #tpu.memory_space<vmem>>) target_semaphore(%run_scoped3A : memref<!tpu.dma_semaphore, #tpu.memory_space<semaphore_mem>>)
          %dma_wait3A_598 = arith.constant 0 : i32
          %dma_wait3A_599 = arith.constant 0 : i32
          %dma_wait3A_600 = tpu.memref_slice %arg8[%dma_wait3A_598, %dma_wait3A_599] : memref<10x128xi32, #tpu.memory_space<vmem>> -> memref<5x128xi32, #tpu.memory_space<vmem>>
          %dma_wait3A_601 = arith.constant 0 : i32
          %dma_wait3A_602 = tpu.memref_slice %arg4[%add3A_515, %dma_wait3A_601] : memref<2560x128xi32, #tpu.memory_space<hbm>> -> memref<5x128xi32, #tpu.memory_space<hbm>>
          %dma_wait3A_603 = arith.constant 0 : i32
          %dma_wait3A_604 = arith.constant 0 : i32
          %dma_wait3A_605 = tpu.memref_slice %arg8[%dma_wait3A_603, %dma_wait3A_604] : memref<10x128xi32, #tpu.memory_space<vmem>> -> memref<5x128xi32, #tpu.memory_space<vmem>>
          %dma_wait3A_606 = arith.constant 0 : i32
          %dma_wait3A_607 = tpu.memref_slice %arg4[%add3A_515, %dma_wait3A_606] : memref<2560x128xi32, #tpu.memory_space<hbm>> -> memref<5x128xi32, #tpu.memory_space<hbm>>
          tpu.wait_dma2 semaphore(%run_scoped3A : memref<!tpu.dma_semaphore, #tpu.memory_space<semaphore_mem>>) src(%dma_wait3A_607 : memref<5x128xi32, #tpu.memory_space<hbm>>) dst(%dma_wait3A_605 : memref<5x128xi32, #tpu.memory_space<vmem>>)
          tpu.yield
        }) : () -> ()
        %add3A_516 = arith.constant 2 : i32
        %add3A_517 = arith.addi %add3A_131, %add3A_516 : i32
        %dma_start3A_518 = arith.constant 0 : i32
        %dma_start3A_519 = arith.constant 0 : i32
        %dma_start3A_520 = arith.constant 0 : i32
        %dma_start3A_521 = tpu.memref_slice %arg9[%dma_start3A_519, %dma_start3A_520] : memref<1280x64xf32, #tpu.memory_space<vmem>> -> memref<128x64xf32, #tpu.memory_space<vmem>>
        %dma_start3A_522 = arith.constant 0 : i32
        %dma_start3A_523 = tpu.memref_slice %arg7[%dma_start3A_518, %dma_start3A_522] : memref<10x128xi32, #tpu.memory_space<vmem>> -> memref<1x128xi32, #tpu.memory_space<vmem>>
        %dma_start3A_524 = tpu.memref_squeeze %dma_start3A_523 : memref<1x128xi32, #tpu.memory_space<vmem>> -> memref<128xi32, #tpu.memory_space<vmem>>
        %dma_start3A_525 = arith.constant 0 : i32
        %dma_start3A_526 = arith.constant 0 : i32
        %dma_start3A_527 = tpu.memref_slice %arg2[%arg0, %dma_start3A_525, %dma_start3A_526] : memref<2x10240x64xf32, #tpu.memory_space<hbm>> -> memref<1x10240x64xf32, #tpu.memory_space<hbm>>
        %dma_start3A_528 = tpu.memref_squeeze %dma_start3A_527 : memref<1x10240x64xf32, #tpu.memory_space<hbm>> -> memref<10240x64xf32, #tpu.memory_space<hbm>>
        %dma_start3A_529 = arith.constant 0 : i32
        %dma_start3A_530 = arith.constant 0 : i32
        %dma_start3A_531 = tpu.memref_slice %dma_start3A_528[%dma_start3A_529, %dma_start3A_530] : memref<10240x64xf32, #tpu.memory_space<hbm>> -> memref<10240x64xf32, #tpu.memory_space<hbm>>
        tpu.enqueue_indirect_dma source(%dma_start3A_531 : memref<10240x64xf32, #tpu.memory_space<hbm>>) target(%dma_start3A_521 : memref<128x64xf32, #tpu.memory_space<vmem>>) offsets(%dma_start3A_524 : memref<128xi32, #tpu.memory_space<vmem>>) semaphore(%arg11 : memref<!tpu.dma_semaphore, #tpu.memory_space<semaphore_mem>>)
        %dma_start3A_532 = arith.constant 1 : i32
        %dma_start3A_533 = arith.constant 128 : i32
        %dma_start3A_534 = arith.constant 0 : i32
        %dma_start3A_535 = tpu.memref_slice %arg9[%dma_start3A_533, %dma_start3A_534] : memref<1280x64xf32, #tpu.memory_space<vmem>> -> memref<128x64xf32, #tpu.memory_space<vmem>>
        %dma_start3A_536 = arith.constant 0 : i32
        %dma_start3A_537 = tpu.memref_slice %arg7[%dma_start3A_532, %dma_start3A_536] : memref<10x128xi32, #tpu.memory_space<vmem>> -> memref<1x128xi32, #tpu.memory_space<vmem>>
        %dma_start3A_538 = tpu.memref_squeeze %dma_start3A_537 : memref<1x128xi32, #tpu.memory_space<vmem>> -> memref<128xi32, #tpu.memory_space<vmem>>
        %dma_start3A_539 = arith.constant 0 : i32
        %dma_start3A_540 = arith.constant 0 : i32
        %dma_start3A_541 = tpu.memref_slice %arg2[%arg0, %dma_start3A_539, %dma_start3A_540] : memref<2x10240x64xf32, #tpu.memory_space<hbm>> -> memref<1x10240x64xf32, #tpu.memory_space<hbm>>
        %dma_start3A_542 = tpu.memref_squeeze %dma_start3A_541 : memref<1x10240x64xf32, #tpu.memory_space<hbm>> -> memref<10240x64xf32, #tpu.memory_space<hbm>>
        %dma_start3A_543 = arith.constant 0 : i32
        %dma_start3A_544 = arith.constant 0 : i32
        %dma_start3A_545 = tpu.memref_slice %dma_start3A_542[%dma_start3A_543, %dma_start3A_544] : memref<10240x64xf32, #tpu.memory_space<hbm>> -> memref<10240x64xf32, #tpu.memory_space<hbm>>
        tpu.enqueue_indirect_dma source(%dma_start3A_545 : memref<10240x64xf32, #tpu.memory_space<hbm>>) target(%dma_start3A_535 : memref<128x64xf32, #tpu.memory_space<vmem>>) offsets(%dma_start3A_538 : memref<128xi32, #tpu.memory_space<vmem>>) semaphore(%arg11 : memref<!tpu.dma_semaphore, #tpu.memory_space<semaphore_mem>>)
        %dma_start3A_546 = arith.constant 2 : i32
        %dma_start3A_547 = arith.constant 256 : i32
        %dma_start3A_548 = arith.constant 0 : i32
        %dma_start3A_549 = tpu.memref_slice %arg9[%dma_start3A_547, %dma_start3A_548] : memref<1280x64xf32, #tpu.memory_space<vmem>> -> memref<128x64xf32, #tpu.memory_space<vmem>>
        %dma_start3A_550 = arith.constant 0 : i32
        %dma_start3A_551 = tpu.memref_slice %arg7[%dma_start3A_546, %dma_start3A_550] : memref<10x128xi32, #tpu.memory_space<vmem>> -> memref<1x128xi32, #tpu.memory_space<vmem>>
        %dma_start3A_552 = tpu.memref_squeeze %dma_start3A_551 : memref<1x128xi32, #tpu.memory_space<vmem>> -> memref<128xi32, #tpu.memory_space<vmem>>
        %dma_start3A_553 = arith.constant 0 : i32
        %dma_start3A_554 = arith.constant 0 : i32
        %dma_start3A_555 = tpu.memref_slice %arg2[%arg0, %dma_start3A_553, %dma_start3A_554] : memref<2x10240x64xf32, #tpu.memory_space<hbm>> -> memref<1x10240x64xf32, #tpu.memory_space<hbm>>
        %dma_start3A_556 = tpu.memref_squeeze %dma_start3A_555 : memref<1x10240x64xf32, #tpu.memory_space<hbm>> -> memref<10240x64xf32, #tpu.memory_space<hbm>>
        %dma_start3A_557 = arith.constant 0 : i32
        %dma_start3A_558 = arith.constant 0 : i32
        %dma_start3A_559 = tpu.memref_slice %dma_start3A_556[%dma_start3A_557, %dma_start3A_558] : memref<10240x64xf32, #tpu.memory_space<hbm>> -> memref<10240x64xf32, #tpu.memory_space<hbm>>
        tpu.enqueue_indirect_dma source(%dma_start3A_559 : memref<10240x64xf32, #tpu.memory_space<hbm>>) target(%dma_start3A_549 : memref<128x64xf32, #tpu.memory_space<vmem>>) offsets(%dma_start3A_552 : memref<128xi32, #tpu.memory_space<vmem>>) semaphore(%arg11 : memref<!tpu.dma_semaphore, #tpu.memory_space<semaphore_mem>>)
        %dma_start3A_560 = arith.constant 3 : i32
        %dma_start3A_561 = arith.constant 384 : i32
        %dma_start3A_562 = arith.constant 0 : i32
        %dma_start3A_563 = tpu.memref_slice %arg9[%dma_start3A_561, %dma_start3A_562] : memref<1280x64xf32, #tpu.memory_space<vmem>> -> memref<128x64xf32, #tpu.memory_space<vmem>>
        %dma_start3A_564 = arith.constant 0 : i32
        %dma_start3A_565 = tpu.memref_slice %arg7[%dma_start3A_560, %dma_start3A_564] : memref<10x128xi32, #tpu.memory_space<vmem>> -> memref<1x128xi32, #tpu.memory_space<vmem>>
        %dma_start3A_566 = tpu.memref_squeeze %dma_start3A_565 : memref<1x128xi32, #tpu.memory_space<vmem>> -> memref<128xi32, #tpu.memory_space<vmem>>
        %dma_start3A_567 = arith.constant 0 : i32
        %dma_start3A_568 = arith.constant 0 : i32
        %dma_start3A_569 = tpu.memref_slice %arg2[%arg0, %dma_start3A_567, %dma_start3A_568] : memref<2x10240x64xf32, #tpu.memory_space<hbm>> -> memref<1x10240x64xf32, #tpu.memory_space<hbm>>
        %dma_start3A_570 = tpu.memref_squeeze %dma_start3A_569 : memref<1x10240x64xf32, #tpu.memory_space<hbm>> -> memref<10240x64xf32, #tpu.memory_space<hbm>>
        %dma_start3A_571 = arith.constant 0 : i32
        %dma_start3A_572 = arith.constant 0 : i32
        %dma_start3A_573 = tpu.memref_slice %dma_start3A_570[%dma_start3A_571, %dma_start3A_572] : memref<10240x64xf32, #tpu.memory_space<hbm>> -> memref<10240x64xf32, #tpu.memory_space<hbm>>
        tpu.enqueue_indirect_dma source(%dma_start3A_573 : memref<10240x64xf32, #tpu.memory_space<hbm>>) target(%dma_start3A_563 : memref<128x64xf32, #tpu.memory_space<vmem>>) offsets(%dma_start3A_566 : memref<128xi32, #tpu.memory_space<vmem>>) semaphore(%arg11 : memref<!tpu.dma_semaphore, #tpu.memory_space<semaphore_mem>>)
        %dma_start3A_574 = arith.constant 4 : i32
        %dma_start3A_575 = arith.constant 512 : i32
        %dma_start3A_576 = arith.constant 0 : i32
        %dma_start3A_577 = tpu.memref_slice %arg9[%dma_start3A_575, %dma_start3A_576] : memref<1280x64xf32, #tpu.memory_space<vmem>> -> memref<128x64xf32, #tpu.memory_space<vmem>>
        %dma_start3A_578 = arith.constant 0 : i32
        %dma_start3A_579 = tpu.memref_slice %arg7[%dma_start3A_574, %dma_start3A_578] : memref<10x128xi32, #tpu.memory_space<vmem>> -> memref<1x128xi32, #tpu.memory_space<vmem>>
        %dma_start3A_580 = tpu.memref_squeeze %dma_start3A_579 : memref<1x128xi32, #tpu.memory_space<vmem>> -> memref<128xi32, #tpu.memory_space<vmem>>
        %dma_start3A_581 = arith.constant 0 : i32
        %dma_start3A_582 = arith.constant 0 : i32
        %dma_start3A_583 = tpu.memref_slice %arg2[%arg0, %dma_start3A_581, %dma_start3A_582] : memref<2x10240x64xf32, #tpu.memory_space<hbm>> -> memref<1x10240x64xf32, #tpu.memory_space<hbm>>
        %dma_start3A_584 = tpu.memref_squeeze %dma_start3A_583 : memref<1x10240x64xf32, #tpu.memory_space<hbm>> -> memref<10240x64xf32, #tpu.memory_space<hbm>>
        %dma_start3A_585 = arith.constant 0 : i32
        %dma_start3A_586 = arith.constant 0 : i32
        %dma_start3A_587 = tpu.memref_slice %dma_start3A_584[%dma_start3A_585, %dma_start3A_586] : memref<10240x64xf32, #tpu.memory_space<hbm>> -> memref<10240x64xf32, #tpu.memory_space<hbm>>
        tpu.enqueue_indirect_dma source(%dma_start3A_587 : memref<10240x64xf32, #tpu.memory_space<hbm>>) target(%dma_start3A_577 : memref<128x64xf32, #tpu.memory_space<vmem>>) offsets(%dma_start3A_580 : memref<128xi32, #tpu.memory_space<vmem>>) semaphore(%arg11 : memref<!tpu.dma_semaphore, #tpu.memory_space<semaphore_mem>>)
      } else {
      }
    }
    %scan3A_76 = arith.constant 16 : i32
    %dma_wait3A = arith.constant 5 : i32
    %dma_wait3A_77 = arith.constant 640 : i32
    %dma_wait3A_78 = arith.constant 0 : i32
    %dma_wait3A_79 = tpu.memref_slice %arg9[%dma_wait3A_77, %dma_wait3A_78] : memref<1280x64xf32, #tpu.memory_space<vmem>> -> memref<128x64xf32, #tpu.memory_space<vmem>>
    %dma_wait3A_80 = arith.constant 0 : i32
    %dma_wait3A_81 = tpu.memref_slice %arg8[%dma_wait3A, %dma_wait3A_80] : memref<10x128xi32, #tpu.memory_space<vmem>> -> memref<1x128xi32, #tpu.memory_space<vmem>>
    %dma_wait3A_82 = tpu.memref_squeeze %dma_wait3A_81 : memref<1x128xi32, #tpu.memory_space<vmem>> -> memref<128xi32, #tpu.memory_space<vmem>>
    %dma_wait3A_83 = arith.constant 0 : i32
    %dma_wait3A_84 = arith.constant 0 : i32
    %dma_wait3A_85 = tpu.memref_slice %arg10[%dma_wait3A_83, %dma_wait3A_84] : memref<10240x64xf32, #tpu.memory_space<vmem_shared>> -> memref<10240x64xf32, #tpu.memory_space<vmem_shared>>
    tpu.wait_indirect_dma semaphore(%arg12 : memref<!tpu.dma_semaphore, #tpu.memory_space<semaphore_mem>>) src(%dma_wait3A_79 : memref<128x64xf32, #tpu.memory_space<vmem>>) dst(%dma_wait3A_85 : memref<10240x64xf32, #tpu.memory_space<vmem_shared>>)
    %dma_wait3A_86 = arith.constant 6 : i32
    %dma_wait3A_87 = arith.constant 768 : i32
    %dma_wait3A_88 = arith.constant 0 : i32
    %dma_wait3A_89 = tpu.memref_slice %arg9[%dma_wait3A_87, %dma_wait3A_88] : memref<1280x64xf32, #tpu.memory_space<vmem>> -> memref<128x64xf32, #tpu.memory_space<vmem>>
    %dma_wait3A_90 = arith.constant 0 : i32
    %dma_wait3A_91 = tpu.memref_slice %arg8[%dma_wait3A_86, %dma_wait3A_90] : memref<10x128xi32, #tpu.memory_space<vmem>> -> memref<1x128xi32, #tpu.memory_space<vmem>>
    %dma_wait3A_92 = tpu.memref_squeeze %dma_wait3A_91 : memref<1x128xi32, #tpu.memory_space<vmem>> -> memref<128xi32, #tpu.memory_space<vmem>>
    %dma_wait3A_93 = arith.constant 0 : i32
    %dma_wait3A_94 = arith.constant 0 : i32
    %dma_wait3A_95 = tpu.memref_slice %arg10[%dma_wait3A_93, %dma_wait3A_94] : memref<10240x64xf32, #tpu.memory_space<vmem_shared>> -> memref<10240x64xf32, #tpu.memory_space<vmem_shared>>
    tpu.wait_indirect_dma semaphore(%arg12 : memref<!tpu.dma_semaphore, #tpu.memory_space<semaphore_mem>>) src(%dma_wait3A_89 : memref<128x64xf32, #tpu.memory_space<vmem>>) dst(%dma_wait3A_95 : memref<10240x64xf32, #tpu.memory_space<vmem_shared>>)
    %dma_wait3A_96 = arith.constant 7 : i32
    %dma_wait3A_97 = arith.constant 896 : i32
    %dma_wait3A_98 = arith.constant 0 : i32
    %dma_wait3A_99 = tpu.memref_slice %arg9[%dma_wait3A_97, %dma_wait3A_98] : memref<1280x64xf32, #tpu.memory_space<vmem>> -> memref<128x64xf32, #tpu.memory_space<vmem>>
    %dma_wait3A_100 = arith.constant 0 : i32
    %dma_wait3A_101 = tpu.memref_slice %arg8[%dma_wait3A_96, %dma_wait3A_100] : memref<10x128xi32, #tpu.memory_space<vmem>> -> memref<1x128xi32, #tpu.memory_space<vmem>>
    %dma_wait3A_102 = tpu.memref_squeeze %dma_wait3A_101 : memref<1x128xi32, #tpu.memory_space<vmem>> -> memref<128xi32, #tpu.memory_space<vmem>>
    %dma_wait3A_103 = arith.constant 0 : i32
    %dma_wait3A_104 = arith.constant 0 : i32
    %dma_wait3A_105 = tpu.memref_slice %arg10[%dma_wait3A_103, %dma_wait3A_104] : memref<10240x64xf32, #tpu.memory_space<vmem_shared>> -> memref<10240x64xf32, #tpu.memory_space<vmem_shared>>
    tpu.wait_indirect_dma semaphore(%arg12 : memref<!tpu.dma_semaphore, #tpu.memory_space<semaphore_mem>>) src(%dma_wait3A_99 : memref<128x64xf32, #tpu.memory_space<vmem>>) dst(%dma_wait3A_105 : memref<10240x64xf32, #tpu.memory_space<vmem_shared>>)
    %dma_wait3A_106 = arith.constant 8 : i32
    %dma_wait3A_107 = arith.constant 1024 : i32
    %dma_wait3A_108 = arith.constant 0 : i32
    %dma_wait3A_109 = tpu.memref_slice %arg9[%dma_wait3A_107, %dma_wait3A_108] : memref<1280x64xf32, #tpu.memory_space<vmem>> -> memref<128x64xf32, #tpu.memory_space<vmem>>
    %dma_wait3A_110 = arith.constant 0 : i32
    %dma_wait3A_111 = tpu.memref_slice %arg8[%dma_wait3A_106, %dma_wait3A_110] : memref<10x128xi32, #tpu.memory_space<vmem>> -> memref<1x128xi32, #tpu.memory_space<vmem>>
    %dma_wait3A_112 = tpu.memref_squeeze %dma_wait3A_111 : memref<1x128xi32, #tpu.memory_space<vmem>> -> memref<128xi32, #tpu.memory_space<vmem>>
    %dma_wait3A_113 = arith.constant 0 : i32
    %dma_wait3A_114 = arith.constant 0 : i32
    %dma_wait3A_115 = tpu.memref_slice %arg10[%dma_wait3A_113, %dma_wait3A_114] : memref<10240x64xf32, #tpu.memory_space<vmem_shared>> -> memref<10240x64xf32, #tpu.memory_space<vmem_shared>>
    tpu.wait_indirect_dma semaphore(%arg12 : memref<!tpu.dma_semaphore, #tpu.memory_space<semaphore_mem>>) src(%dma_wait3A_109 : memref<128x64xf32, #tpu.memory_space<vmem>>) dst(%dma_wait3A_115 : memref<10240x64xf32, #tpu.memory_space<vmem_shared>>)
    %dma_wait3A_116 = arith.constant 9 : i32
    %dma_wait3A_117 = arith.constant 1152 : i32
    %dma_wait3A_118 = arith.constant 0 : i32
    %dma_wait3A_119 = tpu.memref_slice %arg9[%dma_wait3A_117, %dma_wait3A_118] : memref<1280x64xf32, #tpu.memory_space<vmem>> -> memref<128x64xf32, #tpu.memory_space<vmem>>
    %dma_wait3A_120 = arith.constant 0 : i32
    %dma_wait3A_121 = tpu.memref_slice %arg8[%dma_wait3A_116, %dma_wait3A_120] : memref<10x128xi32, #tpu.memory_space<vmem>> -> memref<1x128xi32, #tpu.memory_space<vmem>>
    %dma_wait3A_122 = tpu.memref_squeeze %dma_wait3A_121 : memref<1x128xi32, #tpu.memory_space<vmem>> -> memref<128xi32, #tpu.memory_space<vmem>>
    %dma_wait3A_123 = arith.constant 0 : i32
    %dma_wait3A_124 = arith.constant 0 : i32
    %dma_wait3A_125 = tpu.memref_slice %arg10[%dma_wait3A_123, %dma_wait3A_124] : memref<10240x64xf32, #tpu.memory_space<vmem_shared>> -> memref<10240x64xf32, #tpu.memory_space<vmem_shared>>
    tpu.wait_indirect_dma semaphore(%arg12 : memref<!tpu.dma_semaphore, #tpu.memory_space<semaphore_mem>>) src(%dma_wait3A_119 : memref<128x64xf32, #tpu.memory_space<vmem>>) dst(%dma_wait3A_125 : memref<10240x64xf32, #tpu.memory_space<vmem_shared>>)
    %barrier3A_126 = arith.constant 0 : index
    tpu.barrier barrier_id(%barrier3A_126)
    "tpu.region"() ({
      %run_scoped3A = tpu.sem_alloc : memref<!tpu.dma_semaphore, #tpu.memory_space<semaphore_mem>>
      %dma_start3A_127 = arith.constant 0 : i32
      %dma_start3A_128 = tpu.memref_slice %arg6[%arg0, %mul3A_0, %dma_start3A_127] : memref<2x10240x64xf32, #tpu.memory_space<hbm>> -> memref<1x640x64xf32, #tpu.memory_space<hbm>>
      %dma_start3A_129 = tpu.memref_squeeze %dma_start3A_128 : memref<1x640x64xf32, #tpu.memory_space<hbm>> -> memref<640x64xf32, #tpu.memory_space<hbm>>
      %dma_start3A_130 = arith.constant 0 : i32
      %dma_start3A_131 = tpu.memref_slice %arg10[%mul3A_0, %dma_start3A_130] : memref<10240x64xf32, #tpu.memory_space<vmem_shared>> -> memref<640x64xf32, #tpu.memory_space<vmem_shared>>
      tpu.enqueue_dma source(%dma_start3A_131 : memref<640x64xf32, #tpu.memory_space<vmem_shared>>) target(%dma_start3A_129 : memref<640x64xf32, #tpu.memory_space<hbm>>) target_semaphore(%run_scoped3A : memref<!tpu.dma_semaphore, #tpu.memory_space<semaphore_mem>>)
      %dma_wait3A_132 = arith.constant 0 : i32
      %dma_wait3A_133 = tpu.memref_slice %arg6[%arg0, %mul3A_0, %dma_wait3A_132] : memref<2x10240x64xf32, #tpu.memory_space<hbm>> -> memref<1x640x64xf32, #tpu.memory_space<hbm>>
      %dma_wait3A_134 = tpu.memref_squeeze %dma_wait3A_133 : memref<1x640x64xf32, #tpu.memory_space<hbm>> -> memref<640x64xf32, #tpu.memory_space<hbm>>
      %dma_wait3A_135 = arith.constant 0 : i32
      %dma_wait3A_136 = tpu.memref_slice %arg10[%mul3A_0, %dma_wait3A_135] : memref<10240x64xf32, #tpu.memory_space<vmem_shared>> -> memref<640x64xf32, #tpu.memory_space<vmem_shared>>
      tpu.wait_dma2 semaphore(%run_scoped3A : memref<!tpu.dma_semaphore, #tpu.memory_space<semaphore_mem>>) src(%dma_wait3A_136 : memref<640x64xf32, #tpu.memory_space<vmem_shared>>) dst(%dma_wait3A_134 : memref<640x64xf32, #tpu.memory_space<hbm>>)
      tpu.yield
    }) : () -> ()
    return
  }
}

module attributes {stable_mosaic.version = 14 : i64} {
  func.func @_tc_layer_body(%arg0: i32, %arg1: memref<2x2048x64xf32, #tpu.memory_space<vmem>>, %arg2: memref<2x2048x16xf32, #tpu.memory_space<vmem>>, %arg3: memref<2x2048x64xf32, #tpu.memory_space<vmem>>, %arg4: memref<128x128xf32, #tpu.memory_space<vmem>>, %arg5: memref<1x128xf32, #tpu.memory_space<vmem>>, %arg6: memref<128x128xf32, #tpu.memory_space<vmem>>, %arg7: memref<1x128xf32, #tpu.memory_space<vmem>>, %arg8: memref<2x2048x64xf32, #tpu.memory_space<vmem>>) attributes {dimension_semantics = [#tpu.dimension_semantics<arbitrary>], iteration_bounds = array<i64: 5>, scalar_prefetch = 0 : i64, scratch_operands = 0 : i64, tpu.core_type = #tpu.core_type<tc>, window_params = [{transform_indices = @transform_0, window_bounds = array<i64: 2, 2048, 64>}, {transform_indices = @transform_1, window_bounds = array<i64: 2, 2048, 16>}, {transform_indices = @transform_2, window_bounds = array<i64: 2, 2048, 64>}, {pipeline_mode = #tpu.pipeline_mode<synchronous>, transform_indices = @transform_3, window_bounds = array<i64: 128, 128>}, {pipeline_mode = #tpu.pipeline_mode<synchronous>, transform_indices = @transform_4, window_bounds = array<i64: 1, 128>}, {pipeline_mode = #tpu.pipeline_mode<synchronous>, transform_indices = @transform_5, window_bounds = array<i64: 128, 128>}, {pipeline_mode = #tpu.pipeline_mode<synchronous>, transform_indices = @transform_6, window_bounds = array<i64: 1, 128>}, {transform_indices = @transform_7, window_bounds = array<i64: 2, 2048, 64>}]} {
    %get3A = arith.constant 0 : index
    %get3A_0 = arith.constant 0 : index
    %get3A_1 = arith.constant 0 : index
    %get3A_2 = vector.load %arg1[%get3A, %get3A_0, %get3A_1] : memref<2x2048x64xf32, #tpu.memory_space<vmem>>, vector<1x2048x64xf32>
    %get3A_3 = vector.shape_cast %get3A_2 : vector<1x2048x64xf32> to vector<2048x64xf32>
    %get3A_4 = arith.constant 1 : index
    %get3A_5 = arith.constant 0 : index
    %get3A_6 = arith.constant 0 : index
    %get3A_7 = vector.load %arg1[%get3A_4, %get3A_5, %get3A_6] : memref<2x2048x64xf32, #tpu.memory_space<vmem>>, vector<1x2048x64xf32>
    %get3A_8 = vector.shape_cast %get3A_7 : vector<1x2048x64xf32> to vector<2048x64xf32>
    %concatenate3A = tpu.concatenate %get3A_3, %get3A_8 in 1 : vector<2048x64xf32>, vector<2048x64xf32> -> vector<2048x128xf32>
    %get3A_9 = arith.constant 0 : index
    %get3A_10 = arith.constant 0 : index
    %get3A_11 = arith.constant 0 : index
    %get3A_12 = vector.load %arg2[%get3A_9, %get3A_10, %get3A_11] : memref<2x2048x16xf32, #tpu.memory_space<vmem>>, vector<1x2048x16xf32>
    %get3A_13 = vector.shape_cast %get3A_12 : vector<1x2048x16xf32> to vector<2048x16xf32>
    %slice3A = vector.extract_strided_slice %get3A_13 {offsets = [0, 0], sizes = [2048, 1], strides = [1, 1]} : vector<2048x16xf32> to vector<2048x1xf32>
    %get3A_14 = arith.constant 1 : index
    %get3A_15 = arith.constant 0 : index
    %get3A_16 = arith.constant 0 : index
    %get3A_17 = vector.load %arg2[%get3A_14, %get3A_15, %get3A_16] : memref<2x2048x16xf32, #tpu.memory_space<vmem>>, vector<1x2048x16xf32>
    %get3A_18 = vector.shape_cast %get3A_17 : vector<1x2048x16xf32> to vector<2048x16xf32>
    %slice3A_19 = vector.extract_strided_slice %get3A_18 {offsets = [0, 0], sizes = [2048, 1], strides = [1, 1]} : vector<2048x16xf32> to vector<2048x1xf32>
    %add3A = arith.addf %slice3A, %slice3A_19 : vector<2048x1xf32>
    %max3A = arith.constant 1.000000e+00 : f32
    %max3A_20 = vector.broadcast %max3A : f32 to vector<2048x1xf32>
    %max3A_21 = arith.maximumf %add3A, %max3A_20 : vector<2048x1xf32>
    %div3A = vector.broadcast %max3A_21 : vector<2048x1xf32> to vector<2048x128xf32>
    %div3A_22 = arith.divf %concatenate3A, %div3A : vector<2048x128xf32>
    %get3A_23 = arith.constant 0 : index
    %get3A_24 = arith.constant 0 : index
    %get3A_25 = arith.constant 0 : index
    %get3A_26 = vector.load %arg3[%get3A_23, %get3A_24, %get3A_25] : memref<2x2048x64xf32, #tpu.memory_space<vmem>>, vector<1x2048x64xf32>
    %get3A_27 = vector.shape_cast %get3A_26 : vector<1x2048x64xf32> to vector<2048x64xf32>
    %get3A_28 = arith.constant 1 : index
    %get3A_29 = arith.constant 0 : index
    %get3A_30 = arith.constant 0 : index
    %get3A_31 = vector.load %arg3[%get3A_28, %get3A_29, %get3A_30] : memref<2x2048x64xf32, #tpu.memory_space<vmem>>, vector<1x2048x64xf32>
    %get3A_32 = vector.shape_cast %get3A_31 : vector<1x2048x64xf32> to vector<2048x64xf32>
    %concatenate3A_33 = tpu.concatenate %get3A_27, %get3A_32 in 1 : vector<2048x64xf32>, vector<2048x64xf32> -> vector<2048x128xf32>
    %get3A_34 = arith.constant 0 : index
    %get3A_35 = arith.constant 0 : index
    %get3A_36 = vector.load %arg4[%get3A_34, %get3A_35] : memref<128x128xf32, #tpu.memory_space<vmem>>, vector<128x128xf32>
    %dot_general3A = arith.constant dense<0.000000e+00> : vector<2048x128xf32>
    %dot_general3A_37 = tpu.matmul %div3A_22, %get3A_36, %dot_general3A {dimension_numbers = #tpu.dot_dimension_numbers<[1], [0], [0], [1], [0, 0, 1, 1], [], []>, transpose_lhs_hint = false} : vector<2048x128xf32>, vector<128x128xf32>, vector<2048x128xf32> -> vector<2048x128xf32>
    %get3A_38 = arith.constant 0 : index
    %get3A_39 = arith.constant 0 : index
    %get3A_40 = vector.load %arg5[%get3A_38, %get3A_39] : memref<1x128xf32, #tpu.memory_space<vmem>>, vector<1x128xf32>
    %add3A_41 = vector.broadcast %get3A_40 : vector<1x128xf32> to vector<2048x128xf32>
    %add3A_42 = arith.addf %dot_general3A_37, %add3A_41 : vector<2048x128xf32>
    %max3A_43 = arith.constant 0.000000e+00 : f32
    %max3A_44 = vector.broadcast %max3A_43 : f32 to vector<2048x128xf32>
    %max3A_45 = arith.maximumf %add3A_42, %max3A_44 : vector<2048x128xf32>
    %get3A_46 = arith.constant 0 : index
    %get3A_47 = arith.constant 0 : index
    %get3A_48 = vector.load %arg6[%get3A_46, %get3A_47] : memref<128x128xf32, #tpu.memory_space<vmem>>, vector<128x128xf32>
    %dot_general3A_49 = arith.constant dense<0.000000e+00> : vector<2048x128xf32>
    %dot_general3A_50 = tpu.matmul %concatenate3A_33, %get3A_48, %dot_general3A_49 {dimension_numbers = #tpu.dot_dimension_numbers<[1], [0], [0], [1], [0, 0, 1, 1], [], []>, transpose_lhs_hint = false} : vector<2048x128xf32>, vector<128x128xf32>, vector<2048x128xf32> -> vector<2048x128xf32>
    %add3A_51 = arith.addf %max3A_45, %dot_general3A_50 : vector<2048x128xf32>
    %get3A_52 = arith.constant 0 : index
    %get3A_53 = arith.constant 0 : index
    %get3A_54 = vector.load %arg7[%get3A_52, %get3A_53] : memref<1x128xf32, #tpu.memory_space<vmem>>, vector<1x128xf32>
    %add3A_55 = vector.broadcast %get3A_54 : vector<1x128xf32> to vector<2048x128xf32>
    %add3A_56 = arith.addf %add3A_51, %add3A_55 : vector<2048x128xf32>
    %mul3A = arith.mulf %add3A_56, %add3A_56 : vector<2048x128xf32>
    %reduce_sum3A = arith.constant dense<0.000000e+00> : vector<2048xf32>
    %reduce_sum3A_57 = vector.multi_reduction <add>, %mul3A, %reduce_sum3A [1] : vector<2048x128xf32> to vector<2048xf32>
    %broadcast_in_dim3A = vector.shape_cast %reduce_sum3A_57 : vector<2048xf32> to vector<2048x1xf32>
    %sqrt3A = math.sqrt %broadcast_in_dim3A : vector<2048x1xf32>
    %max3A_58 = arith.constant 9.99999996E-13 : f32
    %max3A_59 = vector.broadcast %max3A_58 : f32 to vector<2048x1xf32>
    %max3A_60 = arith.maximumf %sqrt3A, %max3A_59 : vector<2048x1xf32>
    %div3A_61 = vector.broadcast %max3A_60 : vector<2048x1xf32> to vector<2048x128xf32>
    %div3A_62 = arith.divf %add3A_56, %div3A_61 : vector<2048x128xf32>
    %max3A_63 = arith.constant 0.000000e+00 : f32
    %max3A_64 = vector.broadcast %max3A_63 : f32 to vector<2048x128xf32>
    %max3A_65 = arith.maximumf %div3A_62, %max3A_64 : vector<2048x128xf32>
    %slice3A_66 = vector.extract_strided_slice %max3A_65 {offsets = [0, 0], sizes = [2048, 64], strides = [1, 1]} : vector<2048x128xf32> to vector<2048x64xf32>
    %swap3A = arith.constant 0 : index
    %swap3A_67 = arith.constant 0 : index
    %swap3A_68 = arith.constant 0 : index
    %swap3A_69 = vector.load %arg8[%swap3A, %swap3A_67, %swap3A_68] : memref<2x2048x64xf32, #tpu.memory_space<vmem>>, vector<1x2048x64xf32>
    %swap3A_70 = vector.shape_cast %swap3A_69 : vector<1x2048x64xf32> to vector<2048x64xf32>
    %swap3A_71 = vector.shape_cast %slice3A_66 : vector<2048x64xf32> to vector<1x2048x64xf32>
    tpu.vector_store %arg8[%swap3A, %swap3A_67, %swap3A_68], %swap3A_71 {strides = array<i32>} : memref<2x2048x64xf32, #tpu.memory_space<vmem>>, vector<1x2048x64xf32>,
    %slice3A_72 = vector.extract_strided_slice %max3A_65 {offsets = [0, 64], sizes = [2048, 64], strides = [1, 1]} : vector<2048x128xf32> to vector<2048x64xf32>
    %swap3A_73 = arith.constant 1 : index
    %swap3A_74 = arith.constant 0 : index
    %swap3A_75 = arith.constant 0 : index
    %swap3A_76 = vector.load %arg8[%swap3A_73, %swap3A_74, %swap3A_75] : memref<2x2048x64xf32, #tpu.memory_space<vmem>>, vector<1x2048x64xf32>
    %swap3A_77 = vector.shape_cast %swap3A_76 : vector<1x2048x64xf32> to vector<2048x64xf32>
    %swap3A_78 = vector.shape_cast %slice3A_72 : vector<2048x64xf32> to vector<1x2048x64xf32>
    tpu.vector_store %arg8[%swap3A_73, %swap3A_74, %swap3A_75], %swap3A_78 {strides = array<i32>} : memref<2x2048x64xf32, #tpu.memory_space<vmem>>, vector<1x2048x64xf32>,
    return
  }
  func.func @transform_0(%arg0: i32) -> (i32, i32, i32) {
    %c0_i32 = arith.constant 0 : i32
    %c0_i32_0 = arith.constant 0 : i32
    %c0_i32_1 = arith.constant 0 : i32
    return %c0_i32, %arg0, %c0_i32_0 : i32, i32, i32
  }
  func.func @transform_1(%arg0: i32) -> (i32, i32, i32) {
    %c0_i32 = arith.constant 0 : i32
    %c0_i32_0 = arith.constant 0 : i32
    %c0_i32_1 = arith.constant 0 : i32
    return %c0_i32, %arg0, %c0_i32_0 : i32, i32, i32
  }
  func.func @transform_2(%arg0: i32) -> (i32, i32, i32) {
    %c0_i32 = arith.constant 0 : i32
    %c0_i32_0 = arith.constant 0 : i32
    %c0_i32_1 = arith.constant 0 : i32
    return %c0_i32, %arg0, %c0_i32_0 : i32, i32, i32
  }
  func.func @transform_3(%arg0: i32) -> (i32, i32) {
    %c0_i32 = arith.constant 0 : i32
    %c0_i32_0 = arith.constant 0 : i32
    %c0_i32_1 = arith.constant 0 : i32
    return %c0_i32, %c0_i32_0 : i32, i32
  }
  func.func @transform_4(%arg0: i32) -> (i32, i32) {
    %c0_i32 = arith.constant 0 : i32
    %c0_i32_0 = arith.constant 0 : i32
    %c0_i32_1 = arith.constant 0 : i32
    return %c0_i32, %c0_i32_0 : i32, i32
  }
  func.func @transform_5(%arg0: i32) -> (i32, i32) {
    %c0_i32 = arith.constant 0 : i32
    %c0_i32_0 = arith.constant 0 : i32
    %c0_i32_1 = arith.constant 0 : i32
    return %c0_i32, %c0_i32_0 : i32, i32
  }
  func.func @transform_6(%arg0: i32) -> (i32, i32) {
    %c0_i32 = arith.constant 0 : i32
    %c0_i32_0 = arith.constant 0 : i32
    %c0_i32_1 = arith.constant 0 : i32
    return %c0_i32, %c0_i32_0 : i32, i32
  }
  func.func @transform_7(%arg0: i32) -> (i32, i32, i32) {
    %c0_i32 = arith.constant 0 : i32
    %c0_i32_0 = arith.constant 0 : i32
    %c0_i32_1 = arith.constant 0 : i32
    return %c0_i32, %arg0, %c0_i32_0 : i32, i32, i32
  }
}

module attributes {stable_mosaic.version = 14 : i64} {
  func.func @_tc_mlp_body(%arg0: i32, %arg1: memref<2x2048x64xf32, #tpu.memory_space<vmem>>, %arg2: memref<128x128xf32, #tpu.memory_space<vmem>>, %arg3: memref<1x128xf32, #tpu.memory_space<vmem>>, %arg4: memref<128x64xf32, #tpu.memory_space<vmem>>, %arg5: memref<1x64xf32, #tpu.memory_space<vmem>>, %arg6: memref<2048x64xf32, #tpu.memory_space<vmem>>) attributes {dimension_semantics = [#tpu.dimension_semantics<arbitrary>], iteration_bounds = array<i64: 5>, scalar_prefetch = 0 : i64, scratch_operands = 0 : i64, tpu.core_type = #tpu.core_type<tc>, window_params = [{transform_indices = @transform_0, window_bounds = array<i64: 2, 2048, 64>}, {pipeline_mode = #tpu.pipeline_mode<synchronous>, transform_indices = @transform_1, window_bounds = array<i64: 128, 128>}, {pipeline_mode = #tpu.pipeline_mode<synchronous>, transform_indices = @transform_2, window_bounds = array<i64: 1, 128>}, {pipeline_mode = #tpu.pipeline_mode<synchronous>, transform_indices = @transform_3, window_bounds = array<i64: 128, 64>}, {pipeline_mode = #tpu.pipeline_mode<synchronous>, transform_indices = @transform_4, window_bounds = array<i64: 1, 64>}, {transform_indices = @transform_5, window_bounds = array<i64: 2048, 64>}]} {
    %get3A = arith.constant 0 : index
    %get3A_0 = arith.constant 0 : index
    %get3A_1 = arith.constant 0 : index
    %get3A_2 = vector.load %arg1[%get3A, %get3A_0, %get3A_1] : memref<2x2048x64xf32, #tpu.memory_space<vmem>>, vector<1x2048x64xf32>
    %get3A_3 = vector.shape_cast %get3A_2 : vector<1x2048x64xf32> to vector<2048x64xf32>
    %get3A_4 = arith.constant 1 : index
    %get3A_5 = arith.constant 0 : index
    %get3A_6 = arith.constant 0 : index
    %get3A_7 = vector.load %arg1[%get3A_4, %get3A_5, %get3A_6] : memref<2x2048x64xf32, #tpu.memory_space<vmem>>, vector<1x2048x64xf32>
    %get3A_8 = vector.shape_cast %get3A_7 : vector<1x2048x64xf32> to vector<2048x64xf32>
    %concatenate3A = tpu.concatenate %get3A_3, %get3A_8 in 1 : vector<2048x64xf32>, vector<2048x64xf32> -> vector<2048x128xf32>
    %get3A_9 = arith.constant 0 : index
    %get3A_10 = arith.constant 0 : index
    %get3A_11 = vector.load %arg2[%get3A_9, %get3A_10] : memref<128x128xf32, #tpu.memory_space<vmem>>, vector<128x128xf32>
    %dot_general3A = arith.constant dense<0.000000e+00> : vector<2048x128xf32>
    %dot_general3A_12 = tpu.matmul %concatenate3A, %get3A_11, %dot_general3A {dimension_numbers = #tpu.dot_dimension_numbers<[1], [0], [0], [1], [0, 0, 1, 1], [], []>, transpose_lhs_hint = false} : vector<2048x128xf32>, vector<128x128xf32>, vector<2048x128xf32> -> vector<2048x128xf32>
    %get3A_13 = arith.constant 0 : index
    %get3A_14 = arith.constant 0 : index
    %get3A_15 = vector.load %arg3[%get3A_13, %get3A_14] : memref<1x128xf32, #tpu.memory_space<vmem>>, vector<1x128xf32>
    %add3A = vector.broadcast %get3A_15 : vector<1x128xf32> to vector<2048x128xf32>
    %add3A_16 = arith.addf %dot_general3A_12, %add3A : vector<2048x128xf32>
    %get3A_17 = arith.constant 0 : index
    %get3A_18 = arith.constant 0 : index
    %get3A_19 = vector.load %arg4[%get3A_17, %get3A_18] : memref<128x64xf32, #tpu.memory_space<vmem>>, vector<128x64xf32>
    %dot_general3A_20 = arith.constant dense<0.000000e+00> : vector<2048x64xf32>
    %dot_general3A_21 = tpu.matmul %add3A_16, %get3A_19, %dot_general3A_20 {dimension_numbers = #tpu.dot_dimension_numbers<[1], [0], [0], [1], [0, 0, 1, 1], [], []>, transpose_lhs_hint = false} : vector<2048x128xf32>, vector<128x64xf32>, vector<2048x64xf32> -> vector<2048x64xf32>
    %get3A_22 = arith.constant 0 : index
    %get3A_23 = arith.constant 0 : index
    %get3A_24 = vector.load %arg5[%get3A_22, %get3A_23] : memref<1x64xf32, #tpu.memory_space<vmem>>, vector<1x64xf32>
    %add3A_25 = vector.broadcast %get3A_24 : vector<1x64xf32> to vector<2048x64xf32>
    %add3A_26 = arith.addf %dot_general3A_21, %add3A_25 : vector<2048x64xf32>
    %reduce_max3A = arith.constant dense<0xFF800000> : vector<2048xf32>
    %reduce_max3A_27 = vector.multi_reduction <maximumf>, %add3A_26, %reduce_max3A [1] : vector<2048x64xf32> to vector<2048xf32>
    %broadcast_in_dim3A = vector.shape_cast %reduce_max3A_27 : vector<2048xf32> to vector<2048x1xf32>
    %sub3A = vector.broadcast %broadcast_in_dim3A : vector<2048x1xf32> to vector<2048x64xf32>
    %sub3A_28 = arith.subf %add3A_26, %sub3A : vector<2048x64xf32>
    %exp3A = math.exp %sub3A_28 : vector<2048x64xf32>
    %sub3A_29 = vector.broadcast %broadcast_in_dim3A : vector<2048x1xf32> to vector<2048x64xf32>
    %sub3A_30 = arith.subf %add3A_26, %sub3A_29 : vector<2048x64xf32>
    %reduce_sum3A = arith.constant dense<0.000000e+00> : vector<2048xf32>
    %reduce_sum3A_31 = vector.multi_reduction <add>, %exp3A, %reduce_sum3A [1] : vector<2048x64xf32> to vector<2048xf32>
    %broadcast_in_dim3A_32 = vector.shape_cast %reduce_sum3A_31 : vector<2048xf32> to vector<2048x1xf32>
    %log3A = math.log %broadcast_in_dim3A_32 : vector<2048x1xf32>
    %sub3A_33 = vector.broadcast %log3A : vector<2048x1xf32> to vector<2048x64xf32>
    %sub3A_34 = arith.subf %sub3A_30, %sub3A_33 : vector<2048x64xf32>
    %swap3A = arith.constant 0 : index
    %swap3A_35 = arith.constant 0 : index
    %swap3A_36 = vector.load %arg6[%swap3A, %swap3A_35] : memref<2048x64xf32, #tpu.memory_space<vmem>>, vector<2048x64xf32>
    tpu.vector_store %arg6[%swap3A, %swap3A_35], %sub3A_34 {strides = array<i32>} : memref<2048x64xf32, #tpu.memory_space<vmem>>, vector<2048x64xf32>,
    return
  }
  func.func @transform_0(%arg0: i32) -> (i32, i32, i32) {
    %c0_i32 = arith.constant 0 : i32
    %c0_i32_0 = arith.constant 0 : i32
    %c0_i32_1 = arith.constant 0 : i32
    return %c0_i32, %arg0, %c0_i32_0 : i32, i32, i32
  }
  func.func @transform_1(%arg0: i32) -> (i32, i32) {
    %c0_i32 = arith.constant 0 : i32
    %c0_i32_0 = arith.constant 0 : i32
    %c0_i32_1 = arith.constant 0 : i32
    return %c0_i32, %c0_i32_0 : i32, i32
  }
  func.func @transform_2(%arg0: i32) -> (i32, i32) {
    %c0_i32 = arith.constant 0 : i32
    %c0_i32_0 = arith.constant 0 : i32
    %c0_i32_1 = arith.constant 0 : i32
    return %c0_i32, %c0_i32_0 : i32, i32
  }
  func.func @transform_3(%arg0: i32) -> (i32, i32) {
    %c0_i32 = arith.constant 0 : i32
    %c0_i32_0 = arith.constant 0 : i32
    %c0_i32_1 = arith.constant 0 : i32
    return %c0_i32, %c0_i32_0 : i32, i32
  }
  func.func @transform_4(%arg0: i32) -> (i32, i32) {
    %c0_i32 = arith.constant 0 : i32
    %c0_i32_0 = arith.constant 0 : i32
    %c0_i32_1 = arith.constant 0 : i32
    return %c0_i32, %c0_i32_0 : i32, i32
  }
  func.func @transform_5(%arg0: i32) -> (i32, i32) {
    %c0_i32 = arith.constant 0 : i32
    %c0_i32_0 = arith.constant 0 : i32
    return %arg0, %c0_i32 : i32, i32
  }
}

</mosaic_0001>

<sc_bundles>
// kernel: kernel.11.cloned.1.call-start
scs
__scs_entry_jumppad:
0x0: {  	(pc) =	sbr.rel $0x88, $3  }
0x1: {  	(tag) =	ssettag $0x0;
	lr =	simm.s32 $0x1  }
0x2: {  	[smem:$0x3F93] =	sst lr;
	_ =	strace $0xD0000000  }
0x3: {  	_ = 	snop  }
0x4: {  	_ = 	snop  }
0x5: {  	_ = 	snop  }
0x6: {  	_ = 	snop  }
0x7: {  	_ = 	snop  }
__scs_overlays_trampoline_lowered:
0x8: {  	[smem:$0x3FA2] =	sst s0  }
0x9: {  	[smem:$0x3FA3] =	sst s1  }
0xa: {  	[smem:$0x3FA4] =	sst s2  }
0xb: {  	[smem:$0x3FA5] =	sst s3  }
0xc: {  	[smem:$0x3FA6] =	sst s4  }
0xd: {  	[smem:$0x3FA7] =	sst s5  }
0xe: {  	[smem:$0x3FA8] =	sst s6  }
0xf: {  	[smem:$0x3FA9] =	sst s7  }
0x10: {  	[smem:$0x3FAA] =	sst s8  }
0x11: {  	[smem:$0x3FAB] =	sst s9;
	s0 =	simm.s32 @!p0 $0x0  }
0x12: {  	s1 =	sld [smem:$0x3F91];
	s0 =	simm.s32 @p0 $0x1  }
0x13: {  	[smem:$0x3FAC] =	sst s0;
	s0 =	simm.s32 @!p1 $0x0  }
0x14: {  	s2 =	sld [smem:$0x3F90];
	s0 =	simm.s32 @p1 $0x1  }
0x15: {  	[smem:$0x3FAD] =	sst s0;
	s0 =	simm.s32 @!p2 $0x0  }
0x16: {  	s3 =	sld [smem:$0x3FDB];
	s0 =	simm.s32 @p2 $0x1  }
0x17: {  	s4 =	simm.s32 $0x1BF5;
	[smem:$0x3FAF] =	sst s0  }
0x18: {  	s0 =	sld [smem:$0x3F92];
	_ =	swait.ge [sflag:s4], $0x0  }
0x19: {  	s7 =	sld [smem:$0x3F93]  }
0x1a: {  	s8 =	sadd.s32 $0xFFFFE003, lr  }
0x1b: {  	s9 =	sadd.s32 $0xFFFFFEF7, lr;
	s5 =	simm.s32 $0xFFFFFFFF;
	p2 =	slt.u32 s8, $0xFFFFF086  }
0x1c: {  	p1 =	slt.u32 s9, $0xF7A;
	s5 =	simm.s32 @!p2 $0x0  }
0x1d: {  	s5 =	simm.s32 @p1 $0x1;
	p0 =	seq.s32 s7, s2  }
0x1e: {  	s7 =	smul.u32 @!p0 $0xF7A, s2;
	p2 =	seq.s32 @!p0 s5, $0x0  }
0x1f: {  	s9 =	smul.u32 $0xF7A, s1;
	s8 =	simm.s32 @!p0 $0x1BF5;
	p2 =	por !p2, p0  }
0x20: {  	[sflag:s8] =	ssyncset.s32 @!p0 $0xFFFFF086;
	s6 =	sadd.s32 @!p0 s3, s7;
	s7 =	simm.s32 @!p0 $0x108  }
0x21: {  	s3 =	sadd.s32 s3, s9;
	s6 =	sadd.s32 @!p0 $0x88, s6;
	s7 =	simm.s32 @p2 $0x1082  }
0x22: {  	[simem:s7], [sflag:s8] =	dma.local @!p0 [hbm:s6], $0xF7A  }
0x23: {  	s9 =	sor.u32 $0xD0000000, s2;
	s6 =	simm.s32 $0x108;
	_ =	swait.ge @!p0 [sflag:s8], $0x0  }
0x24: {  	s3 =	sadd.s32 $0x88, s3;
	s6 =	simm.s32 @!p1 $0x1082;
	[sflag:s4] =	ssyncset.s32 $0xFFFFF086  }
0x25: {  	[simem:s6], [sflag:s4] =	dma.local [hbm:s3], $0xF7A  }
0x26: {  	[smem:$0x3F93] =	sst s1;
	(tag) =	ssettag s2;
	_ =	strace s9  }
0x27: {  	s1 =	sld [smem:$0x3FA3]  }
0x28: {  	s2 =	sld [smem:$0x3FA4]  }
0x29: {  	s4 =	sld [smem:$0x3FA6]  }
0x2a: {  	p0 =	seq.s32 s5, $0x0;
	s5 =	sld [smem:$0x3FA7]  }
0x2b: {  	s6 =	sld [smem:$0x3FA8]  }
0x2c: {  	s7 =	sld [smem:$0x3FA9]  }
0x2d: {  	s3 =	simm.s32 $0x108;
	s8 =	sld [smem:$0x3FAA]  }
0x2e: {  	s3 =	simm.s32 @!p0 $0x1082;
	s9 =	sld [smem:$0x3FAB]  }
0x2f: {  	lr =	sadd.s32 s0, s3;
	s0 =	sld [smem:$0x3FA2]  }
0x30: {  	s3 =	sld [smem:$0x3FA5]  }
0x31: {  	[smem:$0x3FAE] =	sst s10  }
0x32: {  	s10 =	sld [smem:$0x3FAC];
	_ =	sdelay $0x3  }
0x33: {  	p0 =	seq.s32 s10, $0x1;
	s10 =	sld [smem:$0x3FAE];
	_ =	sdelay $0x3  }
0x34: {  	[smem:$0x3FAE] =	sst s10  }
0x35: {  	s10 =	sld [smem:$0x3FAD];
	_ =	sdelay $0x3  }
0x36: {  	p1 =	seq.s32 s10, $0x1;
	s10 =	sld [smem:$0x3FAE];
	_ =	sdelay $0x3  }
0x37: {  	[smem:$0x3FAE] =	sst s10  }
0x38: {  	s10 =	sld [smem:$0x3FAF]  }
0x39: {  	_ = 	snop;
	(pc) =	sbr.ind lr, $3  }
0x3a: {  	_ = 	snop  }
0x3b: {  	_ = 	snop  }
0x3c: {  	p2 =	seq.s32 s10, $0x1;
	s10 =	sld [smem:$0x3FAE]  }
0x3d: {  	_ =	shalt  }
0x3e: {  	_ =	shalt  }
0x3f: {  	_ =	shalt  }
0x40: {  	_ =	shalt  }
0x41: {  	_ =	shalt  }
0x42: {  	_ =	shalt  }
0x43: {  	_ =	shalt  }
0x44: {  	_ =	shalt  }
0x45: {  	_ =	shalt  }
0x46: {  	_ =	shalt  }
0x47: {  	_ =	shalt  }
0x48: {  	_ =	shalt  }
0x49: {  	_ =	shalt  }
0x4a: {  	_ =	shalt  }
0x4b: {  	_ =	shalt  }
0x4c: {  	_ =	shalt  }
0x4d: {  	_ =	shalt  }
0x4e: {  	_ =	shalt  }
0x4f: {  	_ =	shalt  }
0x50: {  	_ =	shalt  }
0x51: {  	_ =	shalt  }
0x52: {  	_ =	shalt  }
0x53: {  	_ =	shalt  }
0x54: {  	_ =	shalt  }
0x55: {  	_ =	shalt  }
0x56: {  	_ =	shalt  }
0x57: {  	_ =	shalt  }
0x58: {  	_ =	shalt  }
0x59: {  	_ =	shalt  }
0x5a: {  	_ =	shalt  }
0x5b: {  	_ =	shalt  }
0x5c: {  	_ =	shalt  }
0x5d: {  	_ =	shalt  }
0x5e: {  	_ =	shalt  }
0x5f: {  	_ =	shalt  }
0x60: {  	_ =	shalt  }
0x61: {  	_ =	shalt  }
0x62: {  	_ =	shalt  }
0x63: {  	_ =	shalt  }
0x64: {  	_ =	shalt  }
0x65: {  	_ =	shalt  }
0x66: {  	_ =	shalt  }
0x67: {  	_ =	shalt  }
0x68: {  	_ =	shalt  }
0x69: {  	_ =	shalt  }
0x6a: {  	_ =	shalt  }
0x6b: {  	_ =	shalt  }
0x6c: {  	_ =	shalt  }
0x6d: {  	_ =	shalt  }
0x6e: {  	_ =	shalt  }
0x6f: {  	_ =	shalt  }
0x70: {  	_ =	shalt  }
0x71: {  	_ =	shalt  }
0x72: {  	_ =	shalt  }
0x73: {  	_ =	shalt  }
0x74: {  	_ =	shalt  }
0x75: {  	_ =	shalt  }
0x76: {  	_ =	shalt  }
0x77: {  	_ =	shalt  }
0x78: {  	_ =	shalt  }
0x79: {  	_ =	shalt  }
0x7a: {  	_ =	shalt  }
0x7b: {  	_ =	shalt  }
0x7c: {  	_ =	shalt  }
0x7d: {  	_ =	shalt  }
0x7e: {  	_ =	shalt  }
0x7f: {  	_ =	shalt  }
0x80: {  	_ =	shalt  }
0x81: {  	_ =	shalt  }
0x82: {  	_ =	shalt  }
0x83: {  	_ =	shalt  }
0x84: {  	_ =	shalt  }
0x85: {  	_ =	shalt  }
0x86: {  	_ =	shalt  }
0x87: {  	_ =	shalt  }
.Lfunc_end0:
.L_simem_size_0:
called_computation.1_lowered:
.L_overlay_start_0:
0x88: {  	s2 =	sld [smem:$0x3FD9]  }
0x89: {  	s3 =	sld [smem:$0x3FFE];
	_ =	sdelay $0x1  }
0x8a: {  	s1 =	srdreg.scid  }
0x8b: {  	s0 =	sand.u32 $0x1, s1  }
0x8c: {  	s17 =	sshll.u32 s0, $0xA;
	s2 =	sadd.s32 s3, s2  }
0x8d: {  	s2 =	sadd.s32 s2, s17  }
0x8e: {  	[smem:$0x3FBA] =	sst s2  }
0x8f: {  	_ = 	snop  }
0x90: {  	s2 =	sld [smem:$0x3FD0];
	(tm) =	ssettm $0x1  }
0x91: {  	s18 =	sld [smem:$0x3FFB];
	_ =	sdelay $0x3  }
0x92: {  	_ =	strace s18  }
0x93: {  	s3 =	sld [smem:$0x3FFC];
	_ =	sdelay $0x3  }
0x94: {  	_ =	strace s3  }
0x95: {  	s3 =	sld [smem:$0x3FFD];
	_ =	sdelay $0x3  }
0x96: {  	_ =	strace s3  }
0x97: {  	_ =	strace $0x8FFFFFFF  }
0x98: {  	s19 =	sld [smem:$0x3FDB];
	_ =	sdelay $0x1  }
0x99: {  	s4 =	simm.s32 $_scs_section_size  }
0x9a: {  	s5 =	simm.s32 $_size__tile_overlayer_lowered;
	s6 =	simm.s32 $_tile_overlayer_lowered  }
0x9b: {  	s22 =	simm.s32 $0x1BFF;
	s21 =	sshll.u32 s6, $0x1;
	s3 =	sadd.s32 s4, s19  }
0x9c: {  	s7 =	simm.s32 $0x0;
	s20 =	sshll.u32 s5, $0x1;
	s5 =	sadd.s32 s21, s3  }
0x9d: {  	[timem:s7], [sflag:s22] =	dma.local [hbm:s5], s20  }
0x9e: {  	_ =	swait.ge [sflag:s22], s20  }
0x9f: {  	s4 =	ssub.s32 $0x0, s20;
	[sflag:s22] =	ssyncset.done $0x0  }
0xa0: {  	[sflag:s22] =	ssyncadd.s32 s4;
	_ =	sdelay $0x1  }
0xa1: {  	s23 =	simm.s32 $0x1B8B  }
0xa2: {  	_ =	swait.ge [sflag:s23], $0x1  }
0xa3: {  	[sflag:s23] =	ssyncset.done $0x0  }
0xa4: {  	s25 =	simm.s32 $0x1B8E;
	s24 =	sld [smem:$0x3FFE];
	[sflag:s23] =	ssyncadd.s32 $0xFFFFFFFF  }
0xa5: {  	s26 =	simm.s32 $execute0_lowered;
	[smem:$0x3FD2] =	sst s25  }
0xa6: {  	s5 =	sshll.u32 s26, $0x1;
	_ =	strace $0x80000046;
	[dreg:$0x1] =	wrdreg $0xFFFFFFFF  }
0xa7: {  	s28 =	simm.s32 $_size_execute0_lowered;
	s3 =	sadd.s32 s3, s5;
	[dreg:$0x0] =	wrdreg $0x0  }
0xa8: {  	s5 =	sshll.u32 s28, $0x1;
	[dreg:$0x2] =	wrdreg s3  }
0xa9: {  	[dreg:$0x3] =	wrdreg s5  }
0xaa: {  	[dreg:$0x4] =	wrdreg $0xC0  }
0xab: {  	_ =	task [dreg:s7], $0x5FFFF  }
0xac: {  	[dreg:$0x1] =	wrdreg $0xFFFFFFFF  }
0xad: {  	[dreg:$0x0] =	wrdreg $0x60  }
0xae: {  	[dreg:$0x2] =	wrdreg s24  }
0xaf: {  	[dreg:$0x3] =	wrdreg s2  }
0xb0: {  	[dreg:$0x4] =	wrdreg $0x14A000  }
0xb1: {  	[dreg:$0x5] =	wrdreg $0xA  }
0xb2: {  	_ =	task.clear_ibuf [dreg:s7], $0x6FFFF;
	_ =	strace $0x90000046  }
0xb3: {  	s29 =	simm.s32 $0xA;
	_ =	strace $0x80000048  }
0xb4: {  	_ =	swait.ge [sflag:s29], $0x1  }
0xb5: {  	[sflag:s29] =	ssyncadd.s32 $0xFFFFFFFF  }
0xb6: {  	_ =	strace $0x90000048  }
0xb7: {  	_ =	sfence  }
0xb8: {  	s30 =	sld [smem:$0x0];
	_ =	sdelay $0x2  }
0xb9: {  	s31 =	sshll.u32 s1, $0xD;
	s1 =	sshrl.u32 s1, $0x2  }
0xba: {  	s3 =	sand.u32 $0x4000, s31;
	s1 =	sadd.s32 s1, s30  }
0xbb: {  	s0 =	sor.u32 s3, s0;
	s1 =	sshll.u32 s1, $0x11  }
0xbc: {  	s0 =	sor.u32 s1, s0  }
0xbd: {  	s0 =	sadd.s32 $0x8F2B, s0  }
0xbe: {  	[sflag:s0] =	ssyncadd.remote.s32 $0x1  }
0xbf: {  	_ =	sfence.sel $0xFFFF  }
0xc0: {  	[dreg:$0x0] =	wrdreg $0xFFFFFFFF;
	(pc) =	sbr.abs _section_cstart, $3  }
0xc1: {  	[dreg:$0x1] =	wrdreg $0xFFFFFFFF  }
0xc2: {  	_ =	task.clear_ibuf [dreg:s7], $0x2FFFF;
	_ =	strace $0x9FFFFFFF  }
0xc3: {  	(tm) =	ssettm $0x7FFFFFFF  }
tec
execute0_lowered:
.L_overlay_start_1:
0x0: {  	(tag) =	ssettag $0x1  }
0x1: {  	s0 =	rddreg [dreg:$0x0]  }
0x2: {  	s1 =	rddreg [dreg:$0x1];
	s3 =	srdreg.scid  }
0x3: {  	s2 =	rddreg [dreg:$0x2];
	s10 =	stileid.u32;
	s12 =	simm.s32 $0x3  }
0x4: {  	s13 =	simm.s32 $0x500;
	s14 =	simm.s32 $0x80;
	s15 =	simm.s32 $0xA00  }
0x5: {  	s16 =	simm.s32 $0x2A00;
	s18 =	simm.s32 $0x4A00;
	s20 =	simm.s32 $0x6A00  }
0x6: {  	s22 =	simm.s32 $0x8A00;
	s23 =	simm.s32 $0x280;
	s31 =	simm.s32 $0xAA00  }
0x7: {  	s17 =	simm.s32 $0x12A00;
	s19 =	simm.s32 $0x800;
	s21 =	simm.s32 $0x880  }
0x8: {  	s28 =	simm.s32 $0x980;
	s29 =	simm.s32 $0x2;
	s30 =	simm.s32 $0x0  }
0x9: {  	s4 =	sand.u32 $0x1, s3;
	s3 =	simm.s32 $0x0;
	s6 =	smul.u32 $0xA00, s10  }
0xa: {  	s7 =	smul.u32 $0xA000, s10;
	s11 =	sadd.s32 $0x84200, s0;
	s10 =	sshll.u32 s10, $0x6  }
0xb: {  	s5 =	smul.u32 $0xA0000, s4;
	[smem:$0x7FF] =	sst s3;
	s4 =	ssub.s32 $0x2, s4  }
0xc: {  	s10 =	sor.u32 $0x1C03, s10;
	_ =	strace $0x80000047;
	s9 =	sadd.s32 s6, s0  }
0xd: {  	[dreg:$0x4] =	wrdreg s11;
	s24 =	sshrl.u32 s4, $0x1;
	s25 =	sadd.s32 s7, s2  }
0xe: {  	s6 =	sadd.s32 s1, s6;
	s1 =	simm.s32 $0xCA00;
	s11 =	simm.s32 $0x480  }
0xf: {  	[dreg:$0x5] =	wrdreg s10;
	s8 =	sshrl.u32 s5, $0x3;
	s5 =	sadd.s32 s7, s5  }
0x10: {  	s4 =	ssub.s32 s4, s24;
	s7 =	sadd.s32 $0x7A200, s9;
	s24 =	simm.s32 $0x780  }
.Ltmp0:
0x11: {  	s9 =	simm.s32 $0xEA00;
	s8 =	sadd.s32 s8, s0;
	(pc) =	sbr.rel .LBB2_1-.Ltmp0, $4  }
0x12: {  	s5 =	sshrl.u32 s5, $0x3;
	s26 =	smax.u32 s4, $0x1;
	s4 =	sshrl.u32 s25, $0x3  }
0x13: {  	s25 =	simm.s32 $0x1;
	s0 =	sadd.s32 s5, s0;
	[dreg:$0x7] =	wrdreg s26  }
0x14: {  	s8 =	sadd.s32 $0x52200, s8;
	[dreg:$0x8] =	wrdreg s4;
	s0 =	sadd.s32 $0x85600, s0  }
0x15: {  	s5 =	simm.s32 $0x10A00;
	s26 =	simm.s32 $0x900;
	[dreg:$0x6] =	wrdreg s0  }
.LBB2_4:
0x16: {  	_ =	swait.ge [sflag:s29], $0x2000  }
0x17: {  	[sflag:s29] =	ssyncset.done $0x0  }
0x18: {  	[sflag:s29] =	ssyncadd.s32 $0xFFFFE000  }
0x19: {  	_ =	swait.ge [sflag:s29], $0x2000  }
0x1a: {  	[sflag:s29] =	ssyncset.done $0x0  }
0x1b: {  	[sflag:s29] =	ssyncadd.s32 $0xFFFFE000  }
0x1c: {  	_ =	swait.ge [sflag:s29], $0x2000  }
0x1d: {  	[sflag:s29] =	ssyncset.done $0x0  }
0x1e: {  	[sflag:s29] =	ssyncadd.s32 $0xFFFFE000  }
0x1f: {  	_ =	swait.ge [sflag:s29], $0x2000  }
0x20: {  	[sflag:s29] =	ssyncset.done $0x0  }
0x21: {  	[sflag:s29] =	ssyncadd.s32 $0xFFFFE000  }
0x22: {  	_ =	swait.ge [sflag:s29], $0x2000  }
0x23: {  	[sflag:s29] =	ssyncset.done $0x0  }
0x24: {  	[sflag:s29] =	ssyncadd.s32 $0xFFFFE000  }
0x25: {  	[bflag:$0x0] =	sbarrier.arrive $0xFFFF  }
0x26: {  	s10 =	rddreg [dreg:$0x5]  }
0x27: {  	s0 =	rddreg [dreg:$0x6]  }
0x28: {  	s4 =	rddreg [dreg:$0x8]  }
0x29: {  	[hbm:s0], [sflag:s10] =	dma.local [spmem:s4], $0x1400  }
0x2a: {  	_ =	swait.ge [sflag:s12], $0x1400  }
0x2b: {  	s30 =	rddreg [dreg:$0x9]  }
0x2c: {  	s0 =	rddreg [dreg:$0x7];
	s30 =	sadd.s32 $0x1, s30  }
0x2d: {  	p0 =	sne.s32 s30, s0  }
.Ltmp1:
0x2e: {  	_ = 	snop;
	(pc) =	sbr.rel @!p0 .LBB2_5-.Ltmp1, $3  }
0x2f: {  	_ =	sdelay $0x1  }
0x30: {  	[sflag:s12] =	ssyncset.done $0x0  }
0x31: {  	[sflag:s12] =	ssyncadd.s32 $0xFFFFEC00  }
.LBB2_1:
0x32: {  	[dreg:$0x9] =	wrdreg s30  }
0x33: {  	s0 =	rddreg [dreg:$0x4]  }
0x34: {  	[spmem:s4], [sflag:s10] =	dma.local [hbm:s0], $0x1400  }
0x35: {  	_ =	swait.ge [sflag:s12], $0x1400  }
0x36: {  	[sflag:s12] =	ssyncset.done $0x0  }
0x37: {  	[sflag:s12] =	ssyncadd.s32 $0xFFFFEC00  }
0x38: {  	[bflag:$0x0] =	sbarrier.arrive $0xFFFF  }
0x39: {  	[tilespmem:s3], [sflag:$0x3] =	stream.linear.gather [hbm4b:s6+s3], $0x280, $0x38;
	[tilespmem:$0x1EA00] =	vst v63  }
0x3a: {  	_ =	swait.ge [sflag:s12], $0x280  }
0x3b: {  	[sflag:s12] =	ssyncset.done $0x0  }
0x3c: {  	[sflag:s12] =	ssyncadd.s32 $0xFFFFFD80  }
0x3d: {  	[tilespmem:s13], [sflag:$0x3] =	stream.linear.gather [hbm4b:s7+s3], $0x280, $0x38;
	[tilespmem:$0x1EA00] =	vst v63  }
0x3e: {  	_ =	swait.ge [sflag:s12], $0x280  }
0x3f: {  	[sflag:s12] =	ssyncset.done $0x0  }
0x40: {  	[sflag:s12] =	ssyncadd.s32 $0xFFFFFD80  }
0x41: {  	[tilespmem:s15], [sflag:$0x1] =	stream.indirect.gather [hbm4b:s8+s14], $0x40, s3, s14, $0xb8;
	[tilespmem:$0x1EA00] =	vst v63  }
0x42: {  	_ = 	snop  }
0x43: {  	[tilespmem:s16], [sflag:$0x1] =	stream.indirect.gather [hbm4b:s8+s14], $0x40, s14, s14, $0xb8;
	[tilespmem:$0x1EA00] =	vst v63  }
0x44: {  	s10 =	simm.s32 $0x100  }
0x45: {  	[tilespmem:s18], [sflag:$0x1] =	stream.indirect.gather [hbm4b:s8+s14], $0x40, s10, s14, $0xb8;
	[tilespmem:$0x1EA00] =	vst v63  }
0x46: {  	s4 =	simm.s32 $0x180  }
0x47: {  	[tilespmem:s20], [sflag:$0x1] =	stream.indirect.gather [hbm4b:s8+s14], $0x40, s4, s14, $0xb8;
	[tilespmem:$0x1EA00] =	vst v63  }
0x48: {  	s30 =	simm.s32 $0x0;
	s10 =	simm.s32 $0x200  }
0x49: {  	[tilespmem:s22], [sflag:$0x1] =	stream.indirect.gather [hbm4b:s8+s14], $0x40, s10, s14, $0xb8;
	[tilespmem:$0x1EA00] =	vst v63  }
.LBB2_2:
0x4a: {  	s0 =	sadd.s32 s30, s6  }
0x4b: {  	s4 =	sadd.s32 $0x50, s0  }
0x4c: {  	[tilespmem:s23], [sflag:$0x3] =	stream.linear.gather [hbm4b:s4+s3], $0x280, $0x38;
	[tilespmem:$0x1EA00] =	vst v63  }
0x4d: {  	_ =	swait.ge [sflag:s12], $0x280  }
0x4e: {  	s4 =	sadd.s32 s30, s7;
	[sflag:s12] =	ssyncset.done $0x0  }
0x4f: {  	s10 =	sadd.s32 $0x50, s4;
	[sflag:s12] =	ssyncadd.s32 $0xFFFFFD80  }
0x50: {  	[tilespmem:s24], [sflag:$0x3] =	stream.linear.gather [hbm4b:s10+s3], $0x280, $0x38;
	[tilespmem:$0x1EA00] =	vst v63  }
0x51: {  	_ =	swait.ge [sflag:s12], $0x280  }
0x52: {  	[sflag:s12] =	ssyncset.done $0x0  }
0x53: {  	[sflag:s12] =	ssyncadd.s32 $0xFFFFFD80  }
0x54: {  	_ =	swait.ge [sflag:s25], $0x2000  }
0x55: {  	[sflag:s25] =	ssyncset.done $0x0  }
0x56: {  	[sflag:s25] =	ssyncadd.s32 $0xFFFFE000  }
0x57: {  	_ =	swait.ge [sflag:s25], $0x2000  }
0x58: {  	[sflag:s25] =	ssyncset.done $0x0  }
0x59: {  	[sflag:s25] =	ssyncadd.s32 $0xFFFFE000  }
0x5a: {  	_ =	swait.ge [sflag:s25], $0x2000  }
0x5b: {  	[sflag:s25] =	ssyncset.done $0x0  }
0x5c: {  	[sflag:s25] =	ssyncadd.s32 $0xFFFFE000  }
0x5d: {  	_ =	swait.ge [sflag:s25], $0x2000  }
0x5e: {  	[sflag:s25] =	ssyncset.done $0x0  }
0x5f: {  	[sflag:s25] =	ssyncadd.s32 $0xFFFFE000  }
0x60: {  	_ =	swait.ge [sflag:s25], $0x2000  }
0x61: {  	[sflag:s25] =	ssyncset.done $0x0  }
0x62: {  	[sflag:s25] =	ssyncadd.s32 $0xFFFFE000  }
0x63: {  	[spmem:s2] =	stream.indirect.scatter.add.f32 [tilespmem:s15], [sflag:$0x2], $0x40, s13, s14, $0xb8;
	[tilespmem:$0x1EA00] =	vst v63  }
0x64: {  	s10 =	simm.s32 $0x580  }
0x65: {  	[spmem:s2] =	stream.indirect.scatter.add.f32 [tilespmem:s16], [sflag:$0x2], $0x40, s10, s14, $0xb8;
	[tilespmem:$0x1EA00] =	vst v63  }
0x66: {  	s10 =	simm.s32 $0x600  }
0x67: {  	[spmem:s2] =	stream.indirect.scatter.add.f32 [tilespmem:s18], [sflag:$0x2], $0x40, s10, s14, $0xb8;
	[tilespmem:$0x1EA00] =	vst v63  }
0x68: {  	s10 =	simm.s32 $0x680  }
0x69: {  	[spmem:s2] =	stream.indirect.scatter.add.f32 [tilespmem:s20], [sflag:$0x2], $0x40, s10, s14, $0xb8;
	[tilespmem:$0x1EA00] =	vst v63  }
0x6a: {  	p0 =	seq.s32 s30, $0x0;
	s10 =	simm.s32 $0x700  }
0x6b: {  	[spmem:s2] =	stream.indirect.scatter.add.f32 [tilespmem:s22], [sflag:$0x2], $0x40, s10, s14, $0xb8;
	[tilespmem:$0x1EA00] =	vst v63  }
0x6c: {  	s10 =	simm.s32 @!p0 $0x2  }
0x6d: {  	_ =	swait.ge @!p0 [sflag:s10], $0x2000  }
0x6e: {  	[sflag:s10] =	ssyncset.done @!p0 $0x0  }
0x6f: {  	[sflag:s10] =	ssyncadd.s32 @!p0 $0xFFFFE000  }
0x70: {  	_ =	swait.ge @!p0 [sflag:s10], $0x2000  }
0x71: {  	[sflag:s10] =	ssyncset.done @!p0 $0x0  }
0x72: {  	[sflag:s10] =	ssyncadd.s32 @!p0 $0xFFFFE000  }
0x73: {  	_ =	swait.ge @!p0 [sflag:s10], $0x2000  }
0x74: {  	[sflag:s10] =	ssyncset.done @!p0 $0x0  }
0x75: {  	[sflag:s10] =	ssyncadd.s32 @!p0 $0xFFFFE000  }
0x76: {  	_ =	swait.ge @!p0 [sflag:s10], $0x2000  }
0x77: {  	[sflag:s10] =	ssyncset.done @!p0 $0x0  }
0x78: {  	[sflag:s10] =	ssyncadd.s32 @!p0 $0xFFFFE000  }
0x79: {  	_ =	swait.ge @!p0 [sflag:s10], $0x2000  }
0x7a: {  	[sflag:s10] =	ssyncset.done @!p0 $0x0  }
0x7b: {  	[sflag:s10] =	ssyncadd.s32 @!p0 $0xFFFFE000  }
0x7c: {  	[tilespmem:s31], [sflag:$0x1] =	stream.indirect.gather [hbm4b:s8+s14], $0x40, s23, s14, $0xb8;
	[tilespmem:$0x1EA00] =	vst v63  }
0x7d: {  	s10 =	simm.s32 $0x300  }
0x7e: {  	[tilespmem:s1], [sflag:$0x1] =	stream.indirect.gather [hbm4b:s8+s14], $0x40, s10, s14, $0xb8;
	[tilespmem:$0x1EA00] =	vst v63  }
0x7f: {  	s10 =	simm.s32 $0x380  }
0x80: {  	[tilespmem:s9], [sflag:$0x1] =	stream.indirect.gather [hbm4b:s8+s14], $0x40, s10, s14, $0xb8;
	[tilespmem:$0x1EA00] =	vst v63  }
0x81: {  	s10 =	simm.s32 $0x400  }
0x82: {  	[tilespmem:s5], [sflag:$0x1] =	stream.indirect.gather [hbm4b:s8+s14], $0x40, s10, s14, $0xb8;
	[tilespmem:$0x1EA00] =	vst v63  }
0x83: {  	_ = 	snop  }
0x84: {  	[tilespmem:s17], [sflag:$0x1] =	stream.indirect.gather [hbm4b:s8+s14], $0x40, s11, s14, $0xb8;
	[tilespmem:$0x1EA00] =	vst v63  }
0x85: {  	_ =	swait.ge [sflag:s25], $0x2000  }
0x86: {  	[sflag:s25] =	ssyncset.done $0x0  }
0x87: {  	[sflag:s25] =	ssyncadd.s32 $0xFFFFE000  }
0x88: {  	_ =	swait.ge [sflag:s25], $0x2000  }
0x89: {  	[sflag:s25] =	ssyncset.done $0x0  }
0x8a: {  	[sflag:s25] =	ssyncadd.s32 $0xFFFFE000  }
0x8b: {  	_ =	swait.ge [sflag:s25], $0x2000  }
0x8c: {  	[sflag:s25] =	ssyncset.done $0x0  }
0x8d: {  	[sflag:s25] =	ssyncadd.s32 $0xFFFFE000  }
0x8e: {  	_ =	swait.ge [sflag:s25], $0x2000  }
0x8f: {  	[sflag:s25] =	ssyncset.done $0x0  }
0x90: {  	[sflag:s25] =	ssyncadd.s32 $0xFFFFE000  }
0x91: {  	_ =	swait.ge [sflag:s25], $0x2000  }
0x92: {  	[sflag:s25] =	ssyncset.done $0x0  }
0x93: {  	[sflag:s25] =	ssyncadd.s32 $0xFFFFE000  }
0x94: {  	[spmem:s2] =	stream.indirect.scatter.add.f32 [tilespmem:s31], [sflag:$0x2], $0x40, s24, s14, $0xb8;
	[tilespmem:$0x1EA00] =	vst v63  }
0x95: {  	_ = 	snop  }
0x96: {  	[spmem:s2] =	stream.indirect.scatter.add.f32 [tilespmem:s1], [sflag:$0x2], $0x40, s19, s14, $0xb8;
	[tilespmem:$0x1EA00] =	vst v63  }
0x97: {  	_ = 	snop  }
0x98: {  	[spmem:s2] =	stream.indirect.scatter.add.f32 [tilespmem:s9], [sflag:$0x2], $0x40, s21, s14, $0xb8;
	[tilespmem:$0x1EA00] =	vst v63  }
0x99: {  	_ = 	snop  }
0x9a: {  	[spmem:s2] =	stream.indirect.scatter.add.f32 [tilespmem:s5], [sflag:$0x2], $0x40, s26, s14, $0xb8;
	[tilespmem:$0x1EA00] =	vst v63  }
0x9b: {  	_ = 	snop  }
0x9c: {  	[spmem:s2] =	stream.indirect.scatter.add.f32 [tilespmem:s17], [sflag:$0x2], $0x40, s28, s14, $0xb8;
	[tilespmem:$0x1EA00] =	vst v63  }
0x9d: {  	_ =	swait.ge [sflag:s29], $0x2000  }
0x9e: {  	[sflag:s29] =	ssyncset.done $0x0  }
0x9f: {  	[sflag:s29] =	ssyncadd.s32 $0xFFFFE000  }
0xa0: {  	_ =	swait.ge [sflag:s29], $0x2000  }
0xa1: {  	[sflag:s29] =	ssyncset.done $0x0  }
0xa2: {  	[sflag:s29] =	ssyncadd.s32 $0xFFFFE000  }
0xa3: {  	_ =	swait.ge [sflag:s29], $0x2000  }
0xa4: {  	[sflag:s29] =	ssyncset.done $0x0  }
0xa5: {  	[sflag:s29] =	ssyncadd.s32 $0xFFFFE000  }
0xa6: {  	p0 =	seq.s32 s30, $0x960;
	_ =	swait.ge [sflag:s29], $0x2000  }
.Ltmp2:
0xa7: {  	[sflag:s29] =	ssyncset.done $0x0;
	(pc) =	sbr.rel @p0 .LBB2_4-.Ltmp2, $4  }
0xa8: {  	[sflag:s29] =	ssyncadd.s32 $0xFFFFE000  }
0xa9: {  	_ =	swait.ge [sflag:s29], $0x2000  }
0xaa: {  	[sflag:s29] =	ssyncset.done $0x0  }
0xab: {  	[sflag:s29] =	ssyncadd.s32 $0xFFFFE000  }
0xac: {  	s0 =	sadd.s32 $0xA0, s0  }
0xad: {  	[tilespmem:s3], [sflag:$0x3] =	stream.linear.gather [hbm4b:s0+s3], $0x280, $0x38;
	[tilespmem:$0x1EA00] =	vst v63  }
0xae: {  	_ =	swait.ge [sflag:s12], $0x280  }
0xaf: {  	[sflag:s12] =	ssyncset.done $0x0  }
0xb0: {  	s4 =	sadd.s32 $0xA0, s4;
	[sflag:s12] =	ssyncadd.s32 $0xFFFFFD80  }
0xb1: {  	[tilespmem:s13], [sflag:$0x3] =	stream.linear.gather [hbm4b:s4+s3], $0x280, $0x38;
	[tilespmem:$0x1EA00] =	vst v63  }
0xb2: {  	_ =	swait.ge [sflag:s12], $0x280  }
0xb3: {  	[sflag:s12] =	ssyncset.done $0x0  }
0xb4: {  	[sflag:s12] =	ssyncadd.s32 $0xFFFFFD80  }
0xb5: {  	[tilespmem:s15], [sflag:$0x1] =	stream.indirect.gather [hbm4b:s8+s14], $0x40, s3, s14, $0xb8;
	[tilespmem:$0x1EA00] =	vst v63  }
0xb6: {  	_ = 	snop  }
0xb7: {  	[tilespmem:s16], [sflag:$0x1] =	stream.indirect.gather [hbm4b:s8+s14], $0x40, s14, s14, $0xb8;
	[tilespmem:$0x1EA00] =	vst v63  }
0xb8: {  	s10 =	simm.s32 $0x100  }
0xb9: {  	[tilespmem:s18], [sflag:$0x1] =	stream.indirect.gather [hbm4b:s8+s14], $0x40, s10, s14, $0xb8;
	[tilespmem:$0x1EA00] =	vst v63  }
.Ltmp3:
0xba: {  	_ = 	snop;
	(pc) =	sbr.rel .LBB2_2-.Ltmp3, $4  }
0xbb: {  	s4 =	simm.s32 $0x180  }
0xbc: {  	[tilespmem:s20], [sflag:$0x1] =	stream.indirect.gather [hbm4b:s8+s14], $0x40, s4, s14, $0xb8;
	[tilespmem:$0x1EA00] =	vst v63  }
0xbd: {  	s30 =	sadd.s32 $0xA0, s30;
	s10 =	simm.s32 $0x200  }
0xbe: {  	[tilespmem:s22], [sflag:$0x1] =	stream.indirect.gather [hbm4b:s8+s14], $0x40, s10, s14, $0xb8;
	[tilespmem:$0x1EA00] =	vst v63  }
.LBB2_5:
0xbf: {  	_ =	sfence.sel $0x180000  }
0xc0: {  	[bflag:$0x0] =	sbarrier.arrive $0xFFFF  }
0xc1: {  	_ =	strace $0x90000047  }
0xc2: {  	s0 =	stileid.u32;
	[bflag:$0x2] =	sbarrier.arrive $0xFFFF  }
0xc3: {  	p0 =	sne.s32 s0, $0x0;
	s0 =	rddreg [dreg:$0x3]  }
0xc4: {  	s0 =	sadd.s32 @!p0 $0x100000, s0  }
0xc5: {  	[sflag:s0] =	ssyncadd.tile.s32 @!p0 $0x1;
	_ =	shalt  }
.Lfunc_end2:
_tile_overlayer_lowered:
.L_overlay_start_2:
0xc6: {  	(tag) =	ssettag $0x2  }
0xc7: {  	s0 =	rddreg [dreg:$0x0];
	s2 =	stileid.u32  }
0xc8: {  	s1 =	rddreg [dreg:$0x1];
	p0 =	sne.s32 s2, $0x0  }
0xc9: {  	s3 =	rddreg [dreg:$0x2];
	[bflag:$0x3] =	sbarrier.arrive $0xFFFF;
	s2 =	simm.s32 @!p0 $0x1C03  }
0xca: {  	[timem:s3], [sflag:s2] =	dma.local @!p0 [hbm:s0], s1  }
0xcb: {  	s0 =	simm.s32 @!p0 $0x3  }
0xcc: {  	_ =	swait.ge @!p0 [sflag:s0], s1  }
0xcd: {  	s1 =	ssub.s32 @!p0 $0x0, s1;
	[sflag:s0] =	ssyncset.done @!p0 $0x0  }
0xce: {  	[sflag:s0] =	ssyncadd.s32 @!p0 s1  }
0xcf: {  	[bflag:$0x3] =	sbarrier.arrive $0xFFFF  }
0xd0: {  	_ =	shalt  }

// kernel: kernel.14.cloned.1.call-start
scs
__scs_entry_jumppad:
0x0: {  	(pc) =	sbr.rel $0x88, $3  }
0x1: {  	(tag) =	ssettag $0x0;
	lr =	simm.s32 $0x1  }
0x2: {  	[smem:$0x3F93] =	sst lr;
	_ =	strace $0xD0000000  }
0x3: {  	_ = 	snop  }
0x4: {  	_ = 	snop  }
0x5: {  	_ = 	snop  }
0x6: {  	_ = 	snop  }
0x7: {  	_ = 	snop  }
__scs_overlays_trampoline_lowered:
0x8: {  	[smem:$0x3FA2] =	sst s0  }
0x9: {  	[smem:$0x3FA3] =	sst s1  }
0xa: {  	[smem:$0x3FA4] =	sst s2  }
0xb: {  	[smem:$0x3FA5] =	sst s3  }
0xc: {  	[smem:$0x3FA6] =	sst s4  }
0xd: {  	[smem:$0x3FA7] =	sst s5  }
0xe: {  	[smem:$0x3FA8] =	sst s6  }
0xf: {  	[smem:$0x3FA9] =	sst s7  }
0x10: {  	[smem:$0x3FAA] =	sst s8  }
0x11: {  	[smem:$0x3FAB] =	sst s9;
	s0 =	simm.s32 @!p0 $0x0  }
0x12: {  	s1 =	sld [smem:$0x3F91];
	s0 =	simm.s32 @p0 $0x1  }
0x13: {  	[smem:$0x3FAC] =	sst s0;
	s0 =	simm.s32 @!p1 $0x0  }
0x14: {  	s2 =	sld [smem:$0x3F90];
	s0 =	simm.s32 @p1 $0x1  }
0x15: {  	[smem:$0x3FAD] =	sst s0;
	s0 =	simm.s32 @!p2 $0x0  }
0x16: {  	s3 =	sld [smem:$0x3FDB];
	s0 =	simm.s32 @p2 $0x1  }
0x17: {  	s4 =	simm.s32 $0x1BF5;
	[smem:$0x3FAF] =	sst s0  }
0x18: {  	s0 =	sld [smem:$0x3F92];
	_ =	swait.ge [sflag:s4], $0x0  }
0x19: {  	s7 =	sld [smem:$0x3F93]  }
0x1a: {  	s8 =	sadd.s32 $0xFFFFE003, lr  }
0x1b: {  	s9 =	sadd.s32 $0xFFFFFEF7, lr;
	s5 =	simm.s32 $0xFFFFFFFF;
	p2 =	slt.u32 s8, $0xFFFFF086  }
0x1c: {  	p1 =	slt.u32 s9, $0xF7A;
	s5 =	simm.s32 @!p2 $0x0  }
0x1d: {  	s5 =	simm.s32 @p1 $0x1;
	p0 =	seq.s32 s7, s2  }
0x1e: {  	s7 =	smul.u32 @!p0 $0xF7A, s2;
	p2 =	seq.s32 @!p0 s5, $0x0  }
0x1f: {  	s9 =	smul.u32 $0xF7A, s1;
	s8 =	simm.s32 @!p0 $0x1BF5;
	p2 =	por !p2, p0  }
0x20: {  	[sflag:s8] =	ssyncset.s32 @!p0 $0xFFFFF086;
	s6 =	sadd.s32 @!p0 s3, s7;
	s7 =	simm.s32 @!p0 $0x108  }
0x21: {  	s3 =	sadd.s32 s3, s9;
	s6 =	sadd.s32 @!p0 $0x88, s6;
	s7 =	simm.s32 @p2 $0x1082  }
0x22: {  	[simem:s7], [sflag:s8] =	dma.local @!p0 [hbm:s6], $0xF7A  }
0x23: {  	s9 =	sor.u32 $0xD0000000, s2;
	s6 =	simm.s32 $0x108;
	_ =	swait.ge @!p0 [sflag:s8], $0x0  }
0x24: {  	s3 =	sadd.s32 $0x88, s3;
	s6 =	simm.s32 @!p1 $0x1082;
	[sflag:s4] =	ssyncset.s32 $0xFFFFF086  }
0x25: {  	[simem:s6], [sflag:s4] =	dma.local [hbm:s3], $0xF7A  }
0x26: {  	[smem:$0x3F93] =	sst s1;
	(tag) =	ssettag s2;
	_ =	strace s9  }
0x27: {  	s1 =	sld [smem:$0x3FA3]  }
0x28: {  	s2 =	sld [smem:$0x3FA4]  }
0x29: {  	s4 =	sld [smem:$0x3FA6]  }
0x2a: {  	p0 =	seq.s32 s5, $0x0;
	s5 =	sld [smem:$0x3FA7]  }
0x2b: {  	s6 =	sld [smem:$0x3FA8]  }
0x2c: {  	s7 =	sld [smem:$0x3FA9]  }
0x2d: {  	s3 =	simm.s32 $0x108;
	s8 =	sld [smem:$0x3FAA]  }
0x2e: {  	s3 =	simm.s32 @!p0 $0x1082;
	s9 =	sld [smem:$0x3FAB]  }
0x2f: {  	lr =	sadd.s32 s0, s3;
	s0 =	sld [smem:$0x3FA2]  }
0x30: {  	s3 =	sld [smem:$0x3FA5]  }
0x31: {  	[smem:$0x3FAE] =	sst s10  }
0x32: {  	s10 =	sld [smem:$0x3FAC];
	_ =	sdelay $0x3  }
0x33: {  	p0 =	seq.s32 s10, $0x1;
	s10 =	sld [smem:$0x3FAE];
	_ =	sdelay $0x3  }
0x34: {  	[smem:$0x3FAE] =	sst s10  }
0x35: {  	s10 =	sld [smem:$0x3FAD];
	_ =	sdelay $0x3  }
0x36: {  	p1 =	seq.s32 s10, $0x1;
	s10 =	sld [smem:$0x3FAE];
	_ =	sdelay $0x3  }
0x37: {  	[smem:$0x3FAE] =	sst s10  }
0x38: {  	s10 =	sld [smem:$0x3FAF]  }
0x39: {  	_ = 	snop;
	(pc) =	sbr.ind lr, $3  }
0x3a: {  	_ = 	snop  }
0x3b: {  	_ = 	snop  }
0x3c: {  	p2 =	seq.s32 s10, $0x1;
	s10 =	sld [smem:$0x3FAE]  }
0x3d: {  	_ =	shalt  }
0x3e: {  	_ =	shalt  }
0x3f: {  	_ =	shalt  }
0x40: {  	_ =	shalt  }
0x41: {  	_ =	shalt  }
0x42: {  	_ =	shalt  }
0x43: {  	_ =	shalt  }
0x44: {  	_ =	shalt  }
0x45: {  	_ =	shalt  }
0x46: {  	_ =	shalt  }
0x47: {  	_ =	shalt  }
0x48: {  	_ =	shalt  }
0x49: {  	_ =	shalt  }
0x4a: {  	_ =	shalt  }
0x4b: {  	_ =	shalt  }
0x4c: {  	_ =	shalt  }
0x4d: {  	_ =	shalt  }
0x4e: {  	_ =	shalt  }
0x4f: {  	_ =	shalt  }
0x50: {  	_ =	shalt  }
0x51: {  	_ =	shalt  }
0x52: {  	_ =	shalt  }
0x53: {  	_ =	shalt  }
0x54: {  	_ =	shalt  }
0x55: {  	_ =	shalt  }
0x56: {  	_ =	shalt  }
0x57: {  	_ =	shalt  }
0x58: {  	_ =	shalt  }
0x59: {  	_ =	shalt  }
0x5a: {  	_ =	shalt  }
0x5b: {  	_ =	shalt  }
0x5c: {  	_ =	shalt  }
0x5d: {  	_ =	shalt  }
0x5e: {  	_ =	shalt  }
0x5f: {  	_ =	shalt  }
0x60: {  	_ =	shalt  }
0x61: {  	_ =	shalt  }
0x62: {  	_ =	shalt  }
0x63: {  	_ =	shalt  }
0x64: {  	_ =	shalt  }
0x65: {  	_ =	shalt  }
0x66: {  	_ =	shalt  }
0x67: {  	_ =	shalt  }
0x68: {  	_ =	shalt  }
0x69: {  	_ =	shalt  }
0x6a: {  	_ =	shalt  }
0x6b: {  	_ =	shalt  }
0x6c: {  	_ =	shalt  }
0x6d: {  	_ =	shalt  }
0x6e: {  	_ =	shalt  }
0x6f: {  	_ =	shalt  }
0x70: {  	_ =	shalt  }
0x71: {  	_ =	shalt  }
0x72: {  	_ =	shalt  }
0x73: {  	_ =	shalt  }
0x74: {  	_ =	shalt  }
0x75: {  	_ =	shalt  }
0x76: {  	_ =	shalt  }
0x77: {  	_ =	shalt  }
0x78: {  	_ =	shalt  }
0x79: {  	_ =	shalt  }
0x7a: {  	_ =	shalt  }
0x7b: {  	_ =	shalt  }
0x7c: {  	_ =	shalt  }
0x7d: {  	_ =	shalt  }
0x7e: {  	_ =	shalt  }
0x7f: {  	_ =	shalt  }
0x80: {  	_ =	shalt  }
0x81: {  	_ =	shalt  }
0x82: {  	_ =	shalt  }
0x83: {  	_ =	shalt  }
0x84: {  	_ =	shalt  }
0x85: {  	_ =	shalt  }
0x86: {  	_ =	shalt  }
0x87: {  	_ =	shalt  }
.Lfunc_end0:
.L_simem_size_0:
called_computation.2_lowered:
.L_overlay_start_0:
0x88: {  	s2 =	sld [smem:$0x3FD9]  }
0x89: {  	s3 =	sld [smem:$0x3FFE];
	_ =	sdelay $0x1  }
0x8a: {  	s1 =	srdreg.scid  }
0x8b: {  	s0 =	sand.u32 $0x1, s1  }
0x8c: {  	s17 =	sshll.u32 s0, $0xA;
	s2 =	sadd.s32 s3, s2  }
0x8d: {  	s2 =	sadd.s32 s2, s17  }
0x8e: {  	[smem:$0x3FBA] =	sst s2  }
0x8f: {  	_ = 	snop  }
0x90: {  	s2 =	sld [smem:$0x3FD0];
	(tm) =	ssettm $0x1  }
0x91: {  	s18 =	sld [smem:$0x3FFB];
	_ =	sdelay $0x3  }
0x92: {  	_ =	strace s18  }
0x93: {  	s3 =	sld [smem:$0x3FFC];
	_ =	sdelay $0x3  }
0x94: {  	_ =	strace s3  }
0x95: {  	s3 =	sld [smem:$0x3FFD];
	_ =	sdelay $0x3  }
0x96: {  	_ =	strace s3  }
0x97: {  	_ =	strace $0x8FFFFFFF  }
0x98: {  	s19 =	sld [smem:$0x3FDB];
	_ =	sdelay $0x1  }
0x99: {  	s4 =	simm.s32 $_scs_section_size  }
0x9a: {  	s5 =	simm.s32 $_size__tile_overlayer_lowered;
	s6 =	simm.s32 $_tile_overlayer_lowered  }
0x9b: {  	s22 =	simm.s32 $0x1BFF;
	s21 =	sshll.u32 s6, $0x1;
	s3 =	sadd.s32 s4, s19  }
0x9c: {  	s7 =	simm.s32 $0x0;
	s20 =	sshll.u32 s5, $0x1;
	s5 =	sadd.s32 s21, s3  }
0x9d: {  	[timem:s7], [sflag:s22] =	dma.local [hbm:s5], s20  }
0x9e: {  	_ =	swait.ge [sflag:s22], s20  }
0x9f: {  	s4 =	ssub.s32 $0x0, s20;
	[sflag:s22] =	ssyncset.done $0x0  }
0xa0: {  	[sflag:s22] =	ssyncadd.s32 s4;
	_ =	sdelay $0x1  }
0xa1: {  	s23 =	simm.s32 $0x1B8B  }
0xa2: {  	_ =	swait.ge [sflag:s23], $0x1  }
0xa3: {  	[sflag:s23] =	ssyncset.done $0x0  }
0xa4: {  	s25 =	simm.s32 $0x1B8E;
	s24 =	sld [smem:$0x3FFE];
	[sflag:s23] =	ssyncadd.s32 $0xFFFFFFFF  }
0xa5: {  	s26 =	simm.s32 $execute0_lowered;
	[smem:$0x3FD2] =	sst s25  }
0xa6: {  	s5 =	sshll.u32 s26, $0x1;
	_ =	strace $0x8000004C;
	[dreg:$0x1] =	wrdreg $0xFFFFFFFF  }
0xa7: {  	s28 =	simm.s32 $_size_execute0_lowered;
	s3 =	sadd.s32 s3, s5;
	[dreg:$0x0] =	wrdreg $0x0  }
0xa8: {  	s5 =	sshll.u32 s28, $0x1;
	[dreg:$0x2] =	wrdreg s3  }
0xa9: {  	[dreg:$0x3] =	wrdreg s5  }
0xaa: {  	[dreg:$0x4] =	wrdreg $0xC0  }
0xab: {  	_ =	task [dreg:s7], $0x5FFFF  }
0xac: {  	[dreg:$0x1] =	wrdreg $0xFFFFFFFF  }
0xad: {  	[dreg:$0x0] =	wrdreg $0x60  }
0xae: {  	[dreg:$0x2] =	wrdreg s24  }
0xaf: {  	[dreg:$0x3] =	wrdreg s2  }
0xb0: {  	[dreg:$0x4] =	wrdreg $0x14A000  }
0xb1: {  	[dreg:$0x5] =	wrdreg $0x9  }
0xb2: {  	_ =	task.clear_ibuf [dreg:s7], $0x6FFFF;
	_ =	strace $0x9000004C  }
0xb3: {  	s29 =	simm.s32 $0x9;
	_ =	strace $0x8000004E  }
0xb4: {  	_ =	swait.ge [sflag:s29], $0x1  }
0xb5: {  	[sflag:s29] =	ssyncadd.s32 $0xFFFFFFFF  }
0xb6: {  	_ =	strace $0x9000004E  }
0xb7: {  	_ =	sfence  }
0xb8: {  	s30 =	sld [smem:$0x0];
	_ =	sdelay $0x2  }
0xb9: {  	s31 =	sshll.u32 s1, $0xD;
	s1 =	sshrl.u32 s1, $0x2  }
0xba: {  	s3 =	sand.u32 $0x4000, s31;
	s1 =	sadd.s32 s1, s30  }
0xbb: {  	s0 =	sor.u32 s3, s0;
	s1 =	sshll.u32 s1, $0x11  }
0xbc: {  	s0 =	sor.u32 s1, s0  }
0xbd: {  	s0 =	sadd.s32 $0x8F2B, s0  }
0xbe: {  	[sflag:s0] =	ssyncadd.remote.s32 $0x1  }
0xbf: {  	_ =	sfence.sel $0xFFFF  }
0xc0: {  	[dreg:$0x0] =	wrdreg $0xFFFFFFFF;
	(pc) =	sbr.abs _section_cstart, $3  }
0xc1: {  	[dreg:$0x1] =	wrdreg $0xFFFFFFFF  }
0xc2: {  	_ =	task.clear_ibuf [dreg:s7], $0x2FFFF;
	_ =	strace $0x9FFFFFFF  }
0xc3: {  	(tm) =	ssettm $0x7FFFFFFF  }
tec
execute0_lowered:
.L_overlay_start_1:
0x0: {  	(tag) =	ssettag $0x1  }
0x1: {  	s0 =	rddreg [dreg:$0x0]  }
0x2: {  	s1 =	rddreg [dreg:$0x1];
	s3 =	srdreg.scid  }
0x3: {  	s2 =	rddreg [dreg:$0x2];
	s10 =	stileid.u32;
	s12 =	simm.s32 $0x3  }
0x4: {  	s13 =	simm.s32 $0x500;
	s14 =	simm.s32 $0x80;
	s15 =	simm.s32 $0xA00  }
0x5: {  	s16 =	simm.s32 $0x2A00;
	s18 =	simm.s32 $0x4A00;
	s20 =	simm.s32 $0x6A00  }
0x6: {  	s22 =	simm.s32 $0x8A00;
	s23 =	simm.s32 $0x280;
	s31 =	simm.s32 $0xAA00  }
0x7: {  	s17 =	simm.s32 $0x12A00;
	s19 =	simm.s32 $0x800;
	s21 =	simm.s32 $0x880  }
0x8: {  	s28 =	simm.s32 $0x980;
	s29 =	simm.s32 $0x2;
	s30 =	simm.s32 $0x0  }
0x9: {  	s4 =	sand.u32 $0x1, s3;
	s3 =	simm.s32 $0x0;
	s6 =	smul.u32 $0xA00, s10  }
0xa: {  	s7 =	smul.u32 $0xA000, s10;
	s11 =	sadd.s32 $0x84200, s0;
	s10 =	sshll.u32 s10, $0x6  }
0xb: {  	s5 =	smul.u32 $0xA0000, s4;
	[smem:$0x7FF] =	sst s3;
	s4 =	ssub.s32 $0x2, s4  }
0xc: {  	s10 =	sor.u32 $0x1C03, s10;
	_ =	strace $0x8000004D;
	s9 =	sadd.s32 s6, s0  }
0xd: {  	[dreg:$0x4] =	wrdreg s11;
	s24 =	sshrl.u32 s4, $0x1;
	s25 =	sadd.s32 s7, s2  }
0xe: {  	s6 =	sadd.s32 s1, s6;
	s1 =	simm.s32 $0xCA00;
	s11 =	simm.s32 $0x480  }
0xf: {  	[dreg:$0x5] =	wrdreg s10;
	s8 =	sshrl.u32 s5, $0x3;
	s5 =	sadd.s32 s7, s5  }
0x10: {  	s4 =	ssub.s32 s4, s24;
	s7 =	sadd.s32 $0x7A200, s9;
	s24 =	simm.s32 $0x780  }
.Ltmp0:
0x11: {  	s9 =	simm.s32 $0xEA00;
	s8 =	sadd.s32 s8, s0;
	(pc) =	sbr.rel .LBB2_1-.Ltmp0, $4  }
0x12: {  	s5 =	sshrl.u32 s5, $0x3;
	s26 =	smax.u32 s4, $0x1;
	s4 =	sshrl.u32 s25, $0x3  }
0x13: {  	s25 =	simm.s32 $0x1;
	s0 =	sadd.s32 s5, s0;
	[dreg:$0x7] =	wrdreg s26  }
0x14: {  	s8 =	sadd.s32 $0x52200, s8;
	[dreg:$0x8] =	wrdreg s4;
	s0 =	sadd.s32 $0x85600, s0  }
0x15: {  	s5 =	simm.s32 $0x10A00;
	s26 =	simm.s32 $0x900;
	[dreg:$0x6] =	wrdreg s0  }
.LBB2_4:
0x16: {  	_ =	swait.ge [sflag:s29], $0x2000  }
0x17: {  	[sflag:s29] =	ssyncset.done $0x0  }
0x18: {  	[sflag:s29] =	ssyncadd.s32 $0xFFFFE000  }
0x19: {  	_ =	swait.ge [sflag:s29], $0x2000  }
0x1a: {  	[sflag:s29] =	ssyncset.done $0x0  }
0x1b: {  	[sflag:s29] =	ssyncadd.s32 $0xFFFFE000  }
0x1c: {  	_ =	swait.ge [sflag:s29], $0x2000  }
0x1d: {  	[sflag:s29] =	ssyncset.done $0x0  }
0x1e: {  	[sflag:s29] =	ssyncadd.s32 $0xFFFFE000  }
0x1f: {  	_ =	swait.ge [sflag:s29], $0x2000  }
0x20: {  	[sflag:s29] =	ssyncset.done $0x0  }
0x21: {  	[sflag:s29] =	ssyncadd.s32 $0xFFFFE000  }
0x22: {  	_ =	swait.ge [sflag:s29], $0x2000  }
0x23: {  	[sflag:s29] =	ssyncset.done $0x0  }
0x24: {  	[sflag:s29] =	ssyncadd.s32 $0xFFFFE000  }
0x25: {  	[bflag:$0x0] =	sbarrier.arrive $0xFFFF  }
0x26: {  	s10 =	rddreg [dreg:$0x5]  }
0x27: {  	s0 =	rddreg [dreg:$0x6]  }
0x28: {  	s4 =	rddreg [dreg:$0x8]  }
0x29: {  	[hbm:s0], [sflag:s10] =	dma.local [spmem:s4], $0x1400  }
0x2a: {  	_ =	swait.ge [sflag:s12], $0x1400  }
0x2b: {  	s30 =	rddreg [dreg:$0x9]  }
0x2c: {  	s0 =	rddreg [dreg:$0x7];
	s30 =	sadd.s32 $0x1, s30  }
0x2d: {  	p0 =	sne.s32 s30, s0  }
.Ltmp1:
0x2e: {  	_ = 	snop;
	(pc) =	sbr.rel @!p0 .LBB2_5-.Ltmp1, $3  }
0x2f: {  	_ =	sdelay $0x1  }
0x30: {  	[sflag:s12] =	ssyncset.done $0x0  }
0x31: {  	[sflag:s12] =	ssyncadd.s32 $0xFFFFEC00  }
.LBB2_1:
0x32: {  	[dreg:$0x9] =	wrdreg s30  }
0x33: {  	s0 =	rddreg [dreg:$0x4]  }
0x34: {  	[spmem:s4], [sflag:s10] =	dma.local [hbm:s0], $0x1400  }
0x35: {  	_ =	swait.ge [sflag:s12], $0x1400  }
0x36: {  	[sflag:s12] =	ssyncset.done $0x0  }
0x37: {  	[sflag:s12] =	ssyncadd.s32 $0xFFFFEC00  }
0x38: {  	[bflag:$0x0] =	sbarrier.arrive $0xFFFF  }
0x39: {  	[tilespmem:s3], [sflag:$0x3] =	stream.linear.gather [hbm4b:s6+s3], $0x280, $0x38;
	[tilespmem:$0x1EA00] =	vst v63  }
0x3a: {  	_ =	swait.ge [sflag:s12], $0x280  }
0x3b: {  	[sflag:s12] =	ssyncset.done $0x0  }
0x3c: {  	[sflag:s12] =	ssyncadd.s32 $0xFFFFFD80  }
0x3d: {  	[tilespmem:s13], [sflag:$0x3] =	stream.linear.gather [hbm4b:s7+s3], $0x280, $0x38;
	[tilespmem:$0x1EA00] =	vst v63  }
0x3e: {  	_ =	swait.ge [sflag:s12], $0x280  }
0x3f: {  	[sflag:s12] =	ssyncset.done $0x0  }
0x40: {  	[sflag:s12] =	ssyncadd.s32 $0xFFFFFD80  }
0x41: {  	[tilespmem:s15], [sflag:$0x1] =	stream.indirect.gather [hbm4b:s8+s14], $0x40, s3, s14, $0xb8;
	[tilespmem:$0x1EA00] =	vst v63  }
0x42: {  	_ = 	snop  }
0x43: {  	[tilespmem:s16], [sflag:$0x1] =	stream.indirect.gather [hbm4b:s8+s14], $0x40, s14, s14, $0xb8;
	[tilespmem:$0x1EA00] =	vst v63  }
0x44: {  	s10 =	simm.s32 $0x100  }
0x45: {  	[tilespmem:s18], [sflag:$0x1] =	stream.indirect.gather [hbm4b:s8+s14], $0x40, s10, s14, $0xb8;
	[tilespmem:$0x1EA00] =	vst v63  }
0x46: {  	s4 =	simm.s32 $0x180  }
0x47: {  	[tilespmem:s20], [sflag:$0x1] =	stream.indirect.gather [hbm4b:s8+s14], $0x40, s4, s14, $0xb8;
	[tilespmem:$0x1EA00] =	vst v63  }
0x48: {  	s30 =	simm.s32 $0x0;
	s10 =	simm.s32 $0x200  }
0x49: {  	[tilespmem:s22], [sflag:$0x1] =	stream.indirect.gather [hbm4b:s8+s14], $0x40, s10, s14, $0xb8;
	[tilespmem:$0x1EA00] =	vst v63  }
.LBB2_2:
0x4a: {  	s0 =	sadd.s32 s30, s6  }
0x4b: {  	s4 =	sadd.s32 $0x50, s0  }
0x4c: {  	[tilespmem:s23], [sflag:$0x3] =	stream.linear.gather [hbm4b:s4+s3], $0x280, $0x38;
	[tilespmem:$0x1EA00] =	vst v63  }
0x4d: {  	_ =	swait.ge [sflag:s12], $0x280  }
0x4e: {  	s4 =	sadd.s32 s30, s7;
	[sflag:s12] =	ssyncset.done $0x0  }
0x4f: {  	s10 =	sadd.s32 $0x50, s4;
	[sflag:s12] =	ssyncadd.s32 $0xFFFFFD80  }
0x50: {  	[tilespmem:s24], [sflag:$0x3] =	stream.linear.gather [hbm4b:s10+s3], $0x280, $0x38;
	[tilespmem:$0x1EA00] =	vst v63  }
0x51: {  	_ =	swait.ge [sflag:s12], $0x280  }
0x52: {  	[sflag:s12] =	ssyncset.done $0x0  }
0x53: {  	[sflag:s12] =	ssyncadd.s32 $0xFFFFFD80  }
0x54: {  	_ =	swait.ge [sflag:s25], $0x2000  }
0x55: {  	[sflag:s25] =	ssyncset.done $0x0  }
0x56: {  	[sflag:s25] =	ssyncadd.s32 $0xFFFFE000  }
0x57: {  	_ =	swait.ge [sflag:s25], $0x2000  }
0x58: {  	[sflag:s25] =	ssyncset.done $0x0  }
0x59: {  	[sflag:s25] =	ssyncadd.s32 $0xFFFFE000  }
0x5a: {  	_ =	swait.ge [sflag:s25], $0x2000  }
0x5b: {  	[sflag:s25] =	ssyncset.done $0x0  }
0x5c: {  	[sflag:s25] =	ssyncadd.s32 $0xFFFFE000  }
0x5d: {  	_ =	swait.ge [sflag:s25], $0x2000  }
0x5e: {  	[sflag:s25] =	ssyncset.done $0x0  }
0x5f: {  	[sflag:s25] =	ssyncadd.s32 $0xFFFFE000  }
0x60: {  	_ =	swait.ge [sflag:s25], $0x2000  }
0x61: {  	[sflag:s25] =	ssyncset.done $0x0  }
0x62: {  	[sflag:s25] =	ssyncadd.s32 $0xFFFFE000  }
0x63: {  	[spmem:s2] =	stream.indirect.scatter.add.f32 [tilespmem:s15], [sflag:$0x2], $0x40, s13, s14, $0xb8;
	[tilespmem:$0x1EA00] =	vst v63  }
0x64: {  	s10 =	simm.s32 $0x580  }
0x65: {  	[spmem:s2] =	stream.indirect.scatter.add.f32 [tilespmem:s16], [sflag:$0x2], $0x40, s10, s14, $0xb8;
	[tilespmem:$0x1EA00] =	vst v63  }
0x66: {  	s10 =	simm.s32 $0x600  }
0x67: {  	[spmem:s2] =	stream.indirect.scatter.add.f32 [tilespmem:s18], [sflag:$0x2], $0x40, s10, s14, $0xb8;
	[tilespmem:$0x1EA00] =	vst v63  }
0x68: {  	s10 =	simm.s32 $0x680  }
0x69: {  	[spmem:s2] =	stream.indirect.scatter.add.f32 [tilespmem:s20], [sflag:$0x2], $0x40, s10, s14, $0xb8;
	[tilespmem:$0x1EA00] =	vst v63  }
0x6a: {  	p0 =	seq.s32 s30, $0x0;
	s10 =	simm.s32 $0x700  }
0x6b: {  	[spmem:s2] =	stream.indirect.scatter.add.f32 [tilespmem:s22], [sflag:$0x2], $0x40, s10, s14, $0xb8;
	[tilespmem:$0x1EA00] =	vst v63  }
0x6c: {  	s10 =	simm.s32 @!p0 $0x2  }
0x6d: {  	_ =	swait.ge @!p0 [sflag:s10], $0x2000  }
0x6e: {  	[sflag:s10] =	ssyncset.done @!p0 $0x0  }
0x6f: {  	[sflag:s10] =	ssyncadd.s32 @!p0 $0xFFFFE000  }
0x70: {  	_ =	swait.ge @!p0 [sflag:s10], $0x2000  }
0x71: {  	[sflag:s10] =	ssyncset.done @!p0 $0x0  }
0x72: {  	[sflag:s10] =	ssyncadd.s32 @!p0 $0xFFFFE000  }
0x73: {  	_ =	swait.ge @!p0 [sflag:s10], $0x2000  }
0x74: {  	[sflag:s10] =	ssyncset.done @!p0 $0x0  }
0x75: {  	[sflag:s10] =	ssyncadd.s32 @!p0 $0xFFFFE000  }
0x76: {  	_ =	swait.ge @!p0 [sflag:s10], $0x2000  }
0x77: {  	[sflag:s10] =	ssyncset.done @!p0 $0x0  }
0x78: {  	[sflag:s10] =	ssyncadd.s32 @!p0 $0xFFFFE000  }
0x79: {  	_ =	swait.ge @!p0 [sflag:s10], $0x2000  }
0x7a: {  	[sflag:s10] =	ssyncset.done @!p0 $0x0  }
0x7b: {  	[sflag:s10] =	ssyncadd.s32 @!p0 $0xFFFFE000  }
0x7c: {  	[tilespmem:s31], [sflag:$0x1] =	stream.indirect.gather [hbm4b:s8+s14], $0x40, s23, s14, $0xb8;
	[tilespmem:$0x1EA00] =	vst v63  }
0x7d: {  	s10 =	simm.s32 $0x300  }
0x7e: {  	[tilespmem:s1], [sflag:$0x1] =	stream.indirect.gather [hbm4b:s8+s14], $0x40, s10, s14, $0xb8;
	[tilespmem:$0x1EA00] =	vst v63  }
0x7f: {  	s10 =	simm.s32 $0x380  }
0x80: {  	[tilespmem:s9], [sflag:$0x1] =	stream.indirect.gather [hbm4b:s8+s14], $0x40, s10, s14, $0xb8;
	[tilespmem:$0x1EA00] =	vst v63  }
0x81: {  	s10 =	simm.s32 $0x400  }
0x82: {  	[tilespmem:s5], [sflag:$0x1] =	stream.indirect.gather [hbm4b:s8+s14], $0x40, s10, s14, $0xb8;
	[tilespmem:$0x1EA00] =	vst v63  }
0x83: {  	_ = 	snop  }
0x84: {  	[tilespmem:s17], [sflag:$0x1] =	stream.indirect.gather [hbm4b:s8+s14], $0x40, s11, s14, $0xb8;
	[tilespmem:$0x1EA00] =	vst v63  }
0x85: {  	_ =	swait.ge [sflag:s25], $0x2000  }
0x86: {  	[sflag:s25] =	ssyncset.done $0x0  }
0x87: {  	[sflag:s25] =	ssyncadd.s32 $0xFFFFE000  }
0x88: {  	_ =	swait.ge [sflag:s25], $0x2000  }
0x89: {  	[sflag:s25] =	ssyncset.done $0x0  }
0x8a: {  	[sflag:s25] =	ssyncadd.s32 $0xFFFFE000  }
0x8b: {  	_ =	swait.ge [sflag:s25], $0x2000  }
0x8c: {  	[sflag:s25] =	ssyncset.done $0x0  }
0x8d: {  	[sflag:s25] =	ssyncadd.s32 $0xFFFFE000  }
0x8e: {  	_ =	swait.ge [sflag:s25], $0x2000  }
0x8f: {  	[sflag:s25] =	ssyncset.done $0x0  }
0x90: {  	[sflag:s25] =	ssyncadd.s32 $0xFFFFE000  }
0x91: {  	_ =	swait.ge [sflag:s25], $0x2000  }
0x92: {  	[sflag:s25] =	ssyncset.done $0x0  }
0x93: {  	[sflag:s25] =	ssyncadd.s32 $0xFFFFE000  }
0x94: {  	[spmem:s2] =	stream.indirect.scatter.add.f32 [tilespmem:s31], [sflag:$0x2], $0x40, s24, s14, $0xb8;
	[tilespmem:$0x1EA00] =	vst v63  }
0x95: {  	_ = 	snop  }
0x96: {  	[spmem:s2] =	stream.indirect.scatter.add.f32 [tilespmem:s1], [sflag:$0x2], $0x40, s19, s14, $0xb8;
	[tilespmem:$0x1EA00] =	vst v63  }
0x97: {  	_ = 	snop  }
0x98: {  	[spmem:s2] =	stream.indirect.scatter.add.f32 [tilespmem:s9], [sflag:$0x2], $0x40, s21, s14, $0xb8;
	[tilespmem:$0x1EA00] =	vst v63  }
0x99: {  	_ = 	snop  }
0x9a: {  	[spmem:s2] =	stream.indirect.scatter.add.f32 [tilespmem:s5], [sflag:$0x2], $0x40, s26, s14, $0xb8;
	[tilespmem:$0x1EA00] =	vst v63  }
0x9b: {  	_ = 	snop  }
0x9c: {  	[spmem:s2] =	stream.indirect.scatter.add.f32 [tilespmem:s17], [sflag:$0x2], $0x40, s28, s14, $0xb8;
	[tilespmem:$0x1EA00] =	vst v63  }
0x9d: {  	_ =	swait.ge [sflag:s29], $0x2000  }
0x9e: {  	[sflag:s29] =	ssyncset.done $0x0  }
0x9f: {  	[sflag:s29] =	ssyncadd.s32 $0xFFFFE000  }
0xa0: {  	_ =	swait.ge [sflag:s29], $0x2000  }
0xa1: {  	[sflag:s29] =	ssyncset.done $0x0  }
0xa2: {  	[sflag:s29] =	ssyncadd.s32 $0xFFFFE000  }
0xa3: {  	_ =	swait.ge [sflag:s29], $0x2000  }
0xa4: {  	[sflag:s29] =	ssyncset.done $0x0  }
0xa5: {  	[sflag:s29] =	ssyncadd.s32 $0xFFFFE000  }
0xa6: {  	p0 =	seq.s32 s30, $0x960;
	_ =	swait.ge [sflag:s29], $0x2000  }
.Ltmp2:
0xa7: {  	[sflag:s29] =	ssyncset.done $0x0;
	(pc) =	sbr.rel @p0 .LBB2_4-.Ltmp2, $4  }
0xa8: {  	[sflag:s29] =	ssyncadd.s32 $0xFFFFE000  }
0xa9: {  	_ =	swait.ge [sflag:s29], $0x2000  }
0xaa: {  	[sflag:s29] =	ssyncset.done $0x0  }
0xab: {  	[sflag:s29] =	ssyncadd.s32 $0xFFFFE000  }
0xac: {  	s0 =	sadd.s32 $0xA0, s0  }
0xad: {  	[tilespmem:s3], [sflag:$0x3] =	stream.linear.gather [hbm4b:s0+s3], $0x280, $0x38;
	[tilespmem:$0x1EA00] =	vst v63  }
0xae: {  	_ =	swait.ge [sflag:s12], $0x280  }
0xaf: {  	[sflag:s12] =	ssyncset.done $0x0  }
0xb0: {  	s4 =	sadd.s32 $0xA0, s4;
	[sflag:s12] =	ssyncadd.s32 $0xFFFFFD80  }
0xb1: {  	[tilespmem:s13], [sflag:$0x3] =	stream.linear.gather [hbm4b:s4+s3], $0x280, $0x38;
	[tilespmem:$0x1EA00] =	vst v63  }
0xb2: {  	_ =	swait.ge [sflag:s12], $0x280  }
0xb3: {  	[sflag:s12] =	ssyncset.done $0x0  }
0xb4: {  	[sflag:s12] =	ssyncadd.s32 $0xFFFFFD80  }
0xb5: {  	[tilespmem:s15], [sflag:$0x1] =	stream.indirect.gather [hbm4b:s8+s14], $0x40, s3, s14, $0xb8;
	[tilespmem:$0x1EA00] =	vst v63  }
0xb6: {  	_ = 	snop  }
0xb7: {  	[tilespmem:s16], [sflag:$0x1] =	stream.indirect.gather [hbm4b:s8+s14], $0x40, s14, s14, $0xb8;
	[tilespmem:$0x1EA00] =	vst v63  }
0xb8: {  	s10 =	simm.s32 $0x100  }
0xb9: {  	[tilespmem:s18], [sflag:$0x1] =	stream.indirect.gather [hbm4b:s8+s14], $0x40, s10, s14, $0xb8;
	[tilespmem:$0x1EA00] =	vst v63  }
.Ltmp3:
0xba: {  	_ = 	snop;
	(pc) =	sbr.rel .LBB2_2-.Ltmp3, $4  }
0xbb: {  	s4 =	simm.s32 $0x180  }
0xbc: {  	[tilespmem:s20], [sflag:$0x1] =	stream.indirect.gather [hbm4b:s8+s14], $0x40, s4, s14, $0xb8;
	[tilespmem:$0x1EA00] =	vst v63  }
0xbd: {  	s30 =	sadd.s32 $0xA0, s30;
	s10 =	simm.s32 $0x200  }
0xbe: {  	[tilespmem:s22], [sflag:$0x1] =	stream.indirect.gather [hbm4b:s8+s14], $0x40, s10, s14, $0xb8;
	[tilespmem:$0x1EA00] =	vst v63  }
.LBB2_5:
0xbf: {  	_ =	sfence.sel $0x180000  }
0xc0: {  	[bflag:$0x0] =	sbarrier.arrive $0xFFFF  }
0xc1: {  	_ =	strace $0x9000004D  }
0xc2: {  	s0 =	stileid.u32;
	[bflag:$0x2] =	sbarrier.arrive $0xFFFF  }
0xc3: {  	p0 =	sne.s32 s0, $0x0;
	s0 =	rddreg [dreg:$0x3]  }
0xc4: {  	s0 =	sadd.s32 @!p0 $0x100000, s0  }
0xc5: {  	[sflag:s0] =	ssyncadd.tile.s32 @!p0 $0x1;
	_ =	shalt  }
.Lfunc_end2:
_tile_overlayer_lowered:
.L_overlay_start_2:
0xc6: {  	(tag) =	ssettag $0x2  }
0xc7: {  	s0 =	rddreg [dreg:$0x0];
	s2 =	stileid.u32  }
0xc8: {  	s1 =	rddreg [dreg:$0x1];
	p0 =	sne.s32 s2, $0x0  }
0xc9: {  	s3 =	rddreg [dreg:$0x2];
	[bflag:$0x3] =	sbarrier.arrive $0xFFFF;
	s2 =	simm.s32 @!p0 $0x1C03  }
0xca: {  	[timem:s3], [sflag:s2] =	dma.local @!p0 [hbm:s0], s1  }
0xcb: {  	s0 =	simm.s32 @!p0 $0x3  }
0xcc: {  	_ =	swait.ge @!p0 [sflag:s0], s1  }
0xcd: {  	s1 =	ssub.s32 @!p0 $0x0, s1;
	[sflag:s0] =	ssyncset.done @!p0 $0x0  }
0xce: {  	[sflag:s0] =	ssyncadd.s32 @!p0 s1  }
0xcf: {  	[bflag:$0x3] =	sbarrier.arrive $0xFFFF  }
0xd0: {  	_ =	shalt  }

// kernel: kernel.8.cloned.1.call-start
scs
__scs_entry_jumppad:
0x0: {  	(pc) =	sbr.rel $0x88, $3  }
0x1: {  	(tag) =	ssettag $0x0;
	lr =	simm.s32 $0x1  }
0x2: {  	[smem:$0x3F93] =	sst lr;
	_ =	strace $0xD0000000  }
0x3: {  	_ = 	snop  }
0x4: {  	_ = 	snop  }
0x5: {  	_ = 	snop  }
0x6: {  	_ = 	snop  }
0x7: {  	_ = 	snop  }
__scs_overlays_trampoline_lowered:
0x8: {  	[smem:$0x3FA2] =	sst s0  }
0x9: {  	[smem:$0x3FA3] =	sst s1  }
0xa: {  	[smem:$0x3FA4] =	sst s2  }
0xb: {  	[smem:$0x3FA5] =	sst s3  }
0xc: {  	[smem:$0x3FA6] =	sst s4  }
0xd: {  	[smem:$0x3FA7] =	sst s5  }
0xe: {  	[smem:$0x3FA8] =	sst s6  }
0xf: {  	[smem:$0x3FA9] =	sst s7  }
0x10: {  	[smem:$0x3FAA] =	sst s8  }
0x11: {  	[smem:$0x3FAB] =	sst s9;
	s0 =	simm.s32 @!p0 $0x0  }
0x12: {  	s1 =	sld [smem:$0x3F91];
	s0 =	simm.s32 @p0 $0x1  }
0x13: {  	[smem:$0x3FAC] =	sst s0;
	s0 =	simm.s32 @!p1 $0x0  }
0x14: {  	s2 =	sld [smem:$0x3F90];
	s0 =	simm.s32 @p1 $0x1  }
0x15: {  	[smem:$0x3FAD] =	sst s0;
	s0 =	simm.s32 @!p2 $0x0  }
0x16: {  	s3 =	sld [smem:$0x3FDB];
	s0 =	simm.s32 @p2 $0x1  }
0x17: {  	s4 =	simm.s32 $0x1BF5;
	[smem:$0x3FAF] =	sst s0  }
0x18: {  	s0 =	sld [smem:$0x3F92];
	_ =	swait.ge [sflag:s4], $0x0  }
0x19: {  	s7 =	sld [smem:$0x3F93]  }
0x1a: {  	s8 =	sadd.s32 $0xFFFFE003, lr  }
0x1b: {  	s9 =	sadd.s32 $0xFFFFFEF7, lr;
	s5 =	simm.s32 $0xFFFFFFFF;
	p2 =	slt.u32 s8, $0xFFFFF086  }
0x1c: {  	p1 =	slt.u32 s9, $0xF7A;
	s5 =	simm.s32 @!p2 $0x0  }
0x1d: {  	s5 =	simm.s32 @p1 $0x1;
	p0 =	seq.s32 s7, s2  }
0x1e: {  	s7 =	smul.u32 @!p0 $0xF7A, s2;
	p2 =	seq.s32 @!p0 s5, $0x0  }
0x1f: {  	s9 =	smul.u32 $0xF7A, s1;
	s8 =	simm.s32 @!p0 $0x1BF5;
	p2 =	por !p2, p0  }
0x20: {  	[sflag:s8] =	ssyncset.s32 @!p0 $0xFFFFF086;
	s6 =	sadd.s32 @!p0 s3, s7;
	s7 =	simm.s32 @!p0 $0x108  }
0x21: {  	s3 =	sadd.s32 s3, s9;
	s6 =	sadd.s32 @!p0 $0x88, s6;
	s7 =	simm.s32 @p2 $0x1082  }
0x22: {  	[simem:s7], [sflag:s8] =	dma.local @!p0 [hbm:s6], $0xF7A  }
0x23: {  	s9 =	sor.u32 $0xD0000000, s2;
	s6 =	simm.s32 $0x108;
	_ =	swait.ge @!p0 [sflag:s8], $0x0  }
0x24: {  	s3 =	sadd.s32 $0x88, s3;
	s6 =	simm.s32 @!p1 $0x1082;
	[sflag:s4] =	ssyncset.s32 $0xFFFFF086  }
0x25: {  	[simem:s6], [sflag:s4] =	dma.local [hbm:s3], $0xF7A  }
0x26: {  	[smem:$0x3F93] =	sst s1;
	(tag) =	ssettag s2;
	_ =	strace s9  }
0x27: {  	s1 =	sld [smem:$0x3FA3]  }
0x28: {  	s2 =	sld [smem:$0x3FA4]  }
0x29: {  	s4 =	sld [smem:$0x3FA6]  }
0x2a: {  	p0 =	seq.s32 s5, $0x0;
	s5 =	sld [smem:$0x3FA7]  }
0x2b: {  	s6 =	sld [smem:$0x3FA8]  }
0x2c: {  	s7 =	sld [smem:$0x3FA9]  }
0x2d: {  	s3 =	simm.s32 $0x108;
	s8 =	sld [smem:$0x3FAA]  }
0x2e: {  	s3 =	simm.s32 @!p0 $0x1082;
	s9 =	sld [smem:$0x3FAB]  }
0x2f: {  	lr =	sadd.s32 s0, s3;
	s0 =	sld [smem:$0x3FA2]  }
0x30: {  	s3 =	sld [smem:$0x3FA5]  }
0x31: {  	[smem:$0x3FAE] =	sst s10  }
0x32: {  	s10 =	sld [smem:$0x3FAC];
	_ =	sdelay $0x3  }
0x33: {  	p0 =	seq.s32 s10, $0x1;
	s10 =	sld [smem:$0x3FAE];
	_ =	sdelay $0x3  }
0x34: {  	[smem:$0x3FAE] =	sst s10  }
0x35: {  	s10 =	sld [smem:$0x3FAD];
	_ =	sdelay $0x3  }
0x36: {  	p1 =	seq.s32 s10, $0x1;
	s10 =	sld [smem:$0x3FAE];
	_ =	sdelay $0x3  }
0x37: {  	[smem:$0x3FAE] =	sst s10  }
0x38: {  	s10 =	sld [smem:$0x3FAF]  }
0x39: {  	_ = 	snop;
	(pc) =	sbr.ind lr, $3  }
0x3a: {  	_ = 	snop  }
0x3b: {  	_ = 	snop  }
0x3c: {  	p2 =	seq.s32 s10, $0x1;
	s10 =	sld [smem:$0x3FAE]  }
0x3d: {  	_ =	shalt  }
0x3e: {  	_ =	shalt  }
0x3f: {  	_ =	shalt  }
0x40: {  	_ =	shalt  }
0x41: {  	_ =	shalt  }
0x42: {  	_ =	shalt  }
0x43: {  	_ =	shalt  }
0x44: {  	_ =	shalt  }
0x45: {  	_ =	shalt  }
0x46: {  	_ =	shalt  }
0x47: {  	_ =	shalt  }
0x48: {  	_ =	shalt  }
0x49: {  	_ =	shalt  }
0x4a: {  	_ =	shalt  }
0x4b: {  	_ =	shalt  }
0x4c: {  	_ =	shalt  }
0x4d: {  	_ =	shalt  }
0x4e: {  	_ =	shalt  }
0x4f: {  	_ =	shalt  }
0x50: {  	_ =	shalt  }
0x51: {  	_ =	shalt  }
0x52: {  	_ =	shalt  }
0x53: {  	_ =	shalt  }
0x54: {  	_ =	shalt  }
0x55: {  	_ =	shalt  }
0x56: {  	_ =	shalt  }
0x57: {  	_ =	shalt  }
0x58: {  	_ =	shalt  }
0x59: {  	_ =	shalt  }
0x5a: {  	_ =	shalt  }
0x5b: {  	_ =	shalt  }
0x5c: {  	_ =	shalt  }
0x5d: {  	_ =	shalt  }
0x5e: {  	_ =	shalt  }
0x5f: {  	_ =	shalt  }
0x60: {  	_ =	shalt  }
0x61: {  	_ =	shalt  }
0x62: {  	_ =	shalt  }
0x63: {  	_ =	shalt  }
0x64: {  	_ =	shalt  }
0x65: {  	_ =	shalt  }
0x66: {  	_ =	shalt  }
0x67: {  	_ =	shalt  }
0x68: {  	_ =	shalt  }
0x69: {  	_ =	shalt  }
0x6a: {  	_ =	shalt  }
0x6b: {  	_ =	shalt  }
0x6c: {  	_ =	shalt  }
0x6d: {  	_ =	shalt  }
0x6e: {  	_ =	shalt  }
0x6f: {  	_ =	shalt  }
0x70: {  	_ =	shalt  }
0x71: {  	_ =	shalt  }
0x72: {  	_ =	shalt  }
0x73: {  	_ =	shalt  }
0x74: {  	_ =	shalt  }
0x75: {  	_ =	shalt  }
0x76: {  	_ =	shalt  }
0x77: {  	_ =	shalt  }
0x78: {  	_ =	shalt  }
0x79: {  	_ =	shalt  }
0x7a: {  	_ =	shalt  }
0x7b: {  	_ =	shalt  }
0x7c: {  	_ =	shalt  }
0x7d: {  	_ =	shalt  }
0x7e: {  	_ =	shalt  }
0x7f: {  	_ =	shalt  }
0x80: {  	_ =	shalt  }
0x81: {  	_ =	shalt  }
0x82: {  	_ =	shalt  }
0x83: {  	_ =	shalt  }
0x84: {  	_ =	shalt  }
0x85: {  	_ =	shalt  }
0x86: {  	_ =	shalt  }
0x87: {  	_ =	shalt  }
.Lfunc_end0:
.L_simem_size_0:
called_computation_lowered:
.L_overlay_start_0:
0x88: {  	s2 =	sld [smem:$0x3FD9]  }
0x89: {  	s3 =	sld [smem:$0x3FFE];
	_ =	sdelay $0x1  }
0x8a: {  	s1 =	srdreg.scid  }
0x8b: {  	s0 =	sand.u32 $0x1, s1  }
0x8c: {  	s17 =	sshll.u32 s0, $0xA;
	s2 =	sadd.s32 s3, s2  }
0x8d: {  	s2 =	sadd.s32 s2, s17  }
0x8e: {  	[smem:$0x3FBA] =	sst s2  }
0x8f: {  	_ = 	snop  }
0x90: {  	(tm) =	ssettm $0x1  }
0x91: {  	s18 =	sld [smem:$0x3FFB];
	_ =	sdelay $0x3  }
0x92: {  	_ =	strace s18  }
0x93: {  	s2 =	sld [smem:$0x3FFC];
	_ =	sdelay $0x3  }
0x94: {  	_ =	strace s2  }
0x95: {  	s2 =	sld [smem:$0x3FFD];
	_ =	sdelay $0x3  }
0x96: {  	_ =	strace s2  }
0x97: {  	_ =	strace $0x8FFFFFFF  }
0x98: {  	s19 =	sld [smem:$0x3FDB];
	_ =	sdelay $0x1  }
0x99: {  	s20 =	simm.s32 $_scs_section_size  }
0x9a: {  	s4 =	simm.s32 $_size__tile_overlayer_lowered;
	s5 =	simm.s32 $_tile_overlayer_lowered  }
0x9b: {  	s6 =	simm.s32 $0x1BFF;
	s21 =	sshll.u32 s5, $0x1;
	s3 =	sadd.s32 s20, s19  }
0x9c: {  	s22 =	simm.s32 $0x0;
	s4 =	sshll.u32 s4, $0x1;
	s5 =	sadd.s32 s21, s3  }
0x9d: {  	[timem:s22], [sflag:s6] =	dma.local [hbm:s5], s4  }
0x9e: {  	_ =	swait.ge [sflag:s6], s4  }
0x9f: {  	s4 =	ssub.s32 $0x0, s4;
	[sflag:s6] =	ssyncset.done $0x0  }
0xa0: {  	[sflag:s6] =	ssyncadd.s32 s4;
	_ =	sdelay $0x1  }
0xa1: {  	s23 =	simm.s32 $0x1B8B  }
0xa2: {  	_ =	swait.ge [sflag:s23], $0x1  }
0xa3: {  	[sflag:s23] =	ssyncset.done $0x0  }
0xa4: {  	[sflag:s23] =	ssyncadd.s32 $0xFFFFFFFF  }
0xa5: {  	s4 =	sld [smem:$0x0]  }
0xa6: {  	s5 =	sand.u32 $0xFFFFFFFE, s1  }
0xa7: {  	p0 =	sne.s32 s1, s5  }
0xa8: {  	s5 =	sshll.u32 @p0 s5, $0xE  }
0xa9: {  	s5 =	sadd.s32 @p0 $0x11B8D, s5;
	s6 =	sshll.u32 @p0 s4, $0x11  }
0xaa: {  	s5 =	sor.u32 @p0 s6, s5  }
0xab: {  	[sflag:s5] =	ssyncadd.remote.s32 @p0 $0x1;
	_ =	sdelay $0x1  }
0xac: {  	s5 =	simm.s32 @p0 $0x1B8D  }
0xad: {  	_ =	swait.eq @p0 [sflag:s5], $0x1  }
0xae: {  	[sflag:s5] =	ssyncadd.s32 @p0 $0xFFFFFFFF  }
0xaf: {  	s6 =	sshll.u32 @!p0 s1, $0xE  }
0xb0: {  	s6 =	sor.u32 @!p0 $0x4000, s6;
	s5 =	simm.s32 @!p0 $0x1B8D  }
0xb1: {  	s4 =	sshll.u32 @!p0 s4, $0x11;
	s6 =	sadd.s32 @!p0 $0x11B8D, s6;
	_ =	swait.eq @!p0 [sflag:s5], $0x1  }
0xb2: {  	s4 =	sor.u32 @!p0 s4, s6;
	[sflag:s5] =	ssyncadd.s32 @!p0 $0xFFFFFFFF  }
0xb3: {  	s25 =	simm.s32 $0x1B8E;
	s24 =	sld [smem:$0x3FFE];
	[sflag:s4] =	ssyncadd.remote.s32 @!p0 $0x1  }
0xb4: {  	s26 =	simm.s32 $execute0_lowered;
	[smem:$0x3FD2] =	sst s25  }
0xb5: {  	s5 =	sshll.u32 s26, $0x1;
	_ =	strace $0x80000049;
	[dreg:$0x1] =	wrdreg $0xFFFFFFFF  }
0xb6: {  	s28 =	simm.s32 $_size_execute0_lowered;
	s3 =	sadd.s32 s3, s5;
	[dreg:$0x0] =	wrdreg $0x0  }
0xb7: {  	s5 =	sshll.u32 s28, $0x1;
	[dreg:$0x2] =	wrdreg s3  }
0xb8: {  	[dreg:$0x3] =	wrdreg s5  }
0xb9: {  	[dreg:$0x4] =	wrdreg $0xC0  }
0xba: {  	_ =	task [dreg:s22], $0x5FFFF  }
0xbb: {  	[dreg:$0x1] =	wrdreg $0xFFFFFFFF  }
0xbc: {  	[dreg:$0x0] =	wrdreg $0x60  }
0xbd: {  	[dreg:$0x2] =	wrdreg s24  }
0xbe: {  	[dreg:$0x3] =	wrdreg $0x30000  }
0xbf: {  	[dreg:$0x4] =	wrdreg $0x9  }
0xc0: {  	_ =	task.clear_ibuf [dreg:s22], $0x5FFFF;
	_ =	strace $0x90000049  }
0xc1: {  	s29 =	simm.s32 $0x9;
	_ =	strace $0x8000004B  }
0xc2: {  	_ =	swait.ge [sflag:s29], $0x1  }
0xc3: {  	[sflag:s29] =	ssyncadd.s32 $0xFFFFFFFF  }
0xc4: {  	_ =	strace $0x9000004B  }
0xc5: {  	_ =	sfence  }
0xc6: {  	s30 =	sld [smem:$0x0];
	_ =	sdelay $0x2  }
0xc7: {  	s31 =	sshll.u32 s1, $0xD;
	s1 =	sshrl.u32 s1, $0x2  }
0xc8: {  	s4 =	sand.u32 $0x4000, s31;
	s1 =	sadd.s32 s1, s30  }
0xc9: {  	s0 =	sor.u32 s4, s0;
	s1 =	sshll.u32 s1, $0x11  }
0xca: {  	s0 =	sor.u32 s1, s0  }
0xcb: {  	s0 =	sadd.s32 $0x8F2B, s0  }
0xcc: {  	[sflag:s0] =	ssyncadd.remote.s32 $0x1  }
0xcd: {  	_ =	sfence.sel $0xFFFF  }
0xce: {  	[dreg:$0x0] =	wrdreg $0xFFFFFFFF;
	(pc) =	sbr.abs _section_cstart, $3  }
0xcf: {  	[dreg:$0x1] =	wrdreg $0xFFFFFFFF  }
0xd0: {  	_ =	task.clear_ibuf [dreg:s22], $0x2FFFF;
	_ =	strace $0x9FFFFFFF  }
0xd1: {  	(tm) =	ssettm $0x7FFFFFFF  }
tec
execute0_lowered:
.L_overlay_start_1:
0x0: {  	(tag) =	ssettag $0x1  }
0x1: {  	s0 =	srdreg.scid;
	s7 =	rddreg [dreg:$0x0]  }
0x2: {  	s2 =	rddreg [dreg:$0x1];
	s3 =	simm.s32 $0x0;
	s14 =	simm.s32 $0x1  }
0x3: {  	s15 =	simm.s32 $0x0;
	s6 =	sand.u32 $0x1, s0;
	s0 =	stileid.u32  }
0x4: {  	[smem:$0x7FF] =	sst s3;
	s1 =	sshll.u32 s6, $0x4;
	s8 =	smul.u32 $0x2800, s0  }
0x5: {  	s5 =	smul.u32 $0x28000, s6;
	s6 =	ssub.s32 $0x2, s6;
	s1 =	sor.u32 s0, s1  }
0x6: {  	s11 =	sshll.u32 s0, $0x6;
	s31 =	sshrl.u32 s6, $0x1;
	s4 =	smul.u32 $0x500, s1  }
0x7: {  	s1 =	rddreg [dreg:$0x2];
	_ =	strace $0x8000004A;
	s10 =	sadd.s32 s8, s5  }
0x8: {  	s5 =	sadd.s32 $0xADC00, s7;
	s12 =	ssub.s32 s6, s31;
	s13 =	sadd.s32 s8, s2  }
0x9: {  	s6 =	sor.u32 $0x1C02, s11;
	s11 =	simm.s32 $0x2;
	s10 =	sshrl.u32 s10, $0x3  }
0xa: {  	s9 =	sadd.s32 s4, s7;
	s4 =	sadd.s32 $0xAD600, s7;
	s10 =	sadd.s32 s10, s7  }
0xb: {  	s7 =	sadd.s32 $0x7A200, s9;
	s8 =	sadd.s32 $0xADE00, s10;
	s9 =	smax.u32 s12, $0x1  }
0xc: {  	s10 =	sshrl.u32 s13, $0x3;
	s12 =	simm.s32 $0x2800;
	s13 =	simm.s32 $0x80  }
.LBB2_1:
0xd: {  	[spmem:s10], [sflag:s6] =	dma.local [hbm:s4], $0x500  }
0xe: {  	_ =	swait.ge [sflag:s11], $0x500  }
0xf: {  	[sflag:s11] =	ssyncset.done $0x0  }
0x10: {  	[sflag:s11] =	ssyncadd.s32 $0xFFFFFB00  }
0x11: {  	[tilespmem:s12], [sflag:$0x2] =	stream.linear.gather [hbm4b:s5+s3], $0x800, $0x38;
	[tilespmem:$0x5800] =	vst v63  }
0x12: {  	_ =	swait.ge [sflag:s11], $0x800  }
0x13: {  	[sflag:s11] =	ssyncset.done $0x0  }
0x14: {  	[sflag:s11] =	ssyncadd.s32 $0xFFFFF800  }
0x15: {  	[bflag:$0x0] =	sbarrier.arrive $0xFFFF  }
0x16: {  	[tilespmem:s3], [sflag:$0x2] =	stream.linear.gather [hbm4b:s7+s3], $0x2800, $0x38;
	[tilespmem:$0x5800] =	vst v63  }
0x17: {  	_ =	swait.ge [sflag:s11], $0x2800  }
0x18: {  	[sflag:s11] =	ssyncset.done $0x0  }
0x19: {  	s16 =	simm.s32 $0x0;
	[sflag:s11] =	ssyncadd.s32 $0xFFFFD800  }
0x1a: {  	[spmem:s2] =	stream.indirect.scatter.add.f32 [tilespmem:s12], [sflag:$0x1], $0x10, s16, s13, $0xb8;
	[tilespmem:$0x5800] =	vst v63  }
0x1b: {  	s31 =	simm.s32 $0x80  }
0x1c: {  	[spmem:s2] =	stream.indirect.scatter.add.f32 [tilespmem:s12], [sflag:$0x1], $0x10, s31, s13, $0xb8;
	[tilespmem:$0x5800] =	vst v63  }
0x1d: {  	_ =	swait.ge [sflag:s14], $0x800  }
0x1e: {  	[sflag:s14] =	ssyncset.done $0x0  }
0x1f: {  	[sflag:s14] =	ssyncadd.s32 $0xFFFFF800  }
0x20: {  	_ =	swait.ge [sflag:s14], $0x800  }
0x21: {  	s17 =	simm.s32 $0x800;
	s16 =	simm.s32 $0x400;
	[sflag:s14] =	ssyncset.done $0x0  }
.LBB2_2:
0x22: {  	s18 =	sshra.s32 s16, $0x2  }
0x23: {  	[sflag:s14] =	ssyncadd.s32 $0xFFFFF800;
	s16 =	smov.u32 s17;
	s19 =	sadd.s32 $0x400, s17  }
0x24: {  	[spmem:s2] =	stream.indirect.scatter.add.f32 [tilespmem:s12], [sflag:$0x1], $0x10, s18, s13, $0xb8;
	[tilespmem:$0x5800] =	vst v63  }
0x25: {  	p0 =	sne.s32 s17, $0x9C00;
	s17 =	sadd.s32 $0x80, s18  }
0x26: {  	[spmem:s2] =	stream.indirect.scatter.add.f32 [tilespmem:s12], [sflag:$0x1], $0x10, s17, s13, $0xb8;
	[tilespmem:$0x5800] =	vst v63  }
.Ltmp0:
0x27: {  	_ =	swait.ge [sflag:s14], $0x800;
	(pc) =	sbr.rel @p0 .LBB2_2-.Ltmp0, $4  }
0x28: {  	[sflag:s14] =	ssyncset.done $0x0  }
0x29: {  	[sflag:s14] =	ssyncadd.s32 $0xFFFFF800  }
0x2a: {  	_ =	swait.ge [sflag:s14], $0x800  }
0x2b: {  	s17 =	smov.u32 s19;
	[sflag:s14] =	ssyncset.done $0x0  }
0x2c: {  	s16 =	sshra.s32 s16, $0x2;
	[sflag:s14] =	ssyncadd.s32 $0xFFFFF800  }
0x2d: {  	[spmem:s2] =	stream.indirect.scatter.add.f32 [tilespmem:s12], [sflag:$0x1], $0x10, s16, s13, $0xb8;
	[tilespmem:$0x5800] =	vst v63  }
0x2e: {  	s16 =	sadd.s32 $0x80, s16  }
0x2f: {  	[spmem:s2] =	stream.indirect.scatter.add.f32 [tilespmem:s12], [sflag:$0x1], $0x10, s16, s13, $0xb8;
	[tilespmem:$0x5800] =	vst v63  }
0x30: {  	_ =	swait.ge [sflag:s14], $0x800  }
0x31: {  	[sflag:s14] =	ssyncset.done $0x0  }
0x32: {  	[sflag:s14] =	ssyncadd.s32 $0xFFFFF800  }
0x33: {  	_ =	swait.ge [sflag:s14], $0x800  }
0x34: {  	s15 =	sadd.s32 $0x1, s15;
	[sflag:s14] =	ssyncset.done $0x0  }
0x35: {  	p0 =	sne.s32 s15, s9;
	[sflag:s14] =	ssyncadd.s32 $0xFFFFF800  }
.Ltmp1:
0x36: {  	[bflag:$0x0] =	sbarrier.arrive $0xFFFF;
	(pc) =	sbr.rel @p0 .LBB2_1-.Ltmp1, $4  }
0x37: {  	[hbm:s8], [sflag:s6] =	dma.local [spmem:s10], $0x500  }
0x38: {  	_ =	swait.ge [sflag:s11], $0x500  }
0x39: {  	[sflag:s11] =	ssyncset.done $0x0  }
0x3a: {  	[sflag:s11] =	ssyncadd.s32 $0xFFFFFB00  }
0x3b: {  	_ =	sfence.sel $0x180000  }
0x3c: {  	[bflag:$0x0] =	sbarrier.arrive $0xFFFF  }
0x3d: {  	p0 =	sne.s32 s0, $0x0;
	_ =	strace $0x9000004A  }
0x3e: {  	s0 =	sadd.s32 @!p0 $0x100000, s1;
	[bflag:$0x2] =	sbarrier.arrive $0xFFFF  }
0x3f: {  	[sflag:s0] =	ssyncadd.tile.s32 @!p0 $0x1;
	_ =	shalt  }
.Lfunc_end2:
_tile_overlayer_lowered:
.L_overlay_start_2:
0x40: {  	(tag) =	ssettag $0x2  }
0x41: {  	s0 =	rddreg [dreg:$0x0];
	s2 =	stileid.u32  }
0x42: {  	s1 =	rddreg [dreg:$0x1];
	p0 =	sne.s32 s2, $0x0  }
0x43: {  	s3 =	rddreg [dreg:$0x2];
	[bflag:$0x3] =	sbarrier.arrive $0xFFFF;
	s2 =	simm.s32 @!p0 $0x1C02  }
0x44: {  	[timem:s3], [sflag:s2] =	dma.local @!p0 [hbm:s0], s1  }
0x45: {  	s0 =	simm.s32 @!p0 $0x2  }
0x46: {  	_ =	swait.ge @!p0 [sflag:s0], s1  }
0x47: {  	s1 =	ssub.s32 @!p0 $0x0, s1;
	[sflag:s0] =	ssyncset.done @!p0 $0x0  }
0x48: {  	[sflag:s0] =	ssyncadd.s32 @!p0 s1  }
0x49: {  	[bflag:$0x3] =	sbarrier.arrive $0xFFFF  }
0x4a: {  	_ =	shalt  }

</sc_bundles>
